<compile_context>
chip_gen: v7x
topology: tpu7x:2x2x1
jax: 0.10.2.dev20260603
libtpu: 0.0.44.dev20260713+nightly
codegen_flags: <defaults>
</compile_context>

<pallas_src>
import functools

import jax
import jax.numpy as jnp
from jax import lax
from jax.experimental import pallas as pl
from jax.experimental.pallas import tpu as pltpu, tpu_sc as plsc

_N = 4096
_D = 512
_BLK = 256
_NC = 2
_NS = 16
_NW = _NC * _NS
_RPW = _N // _NW


def _make_tc_body(off):
    def _tc_body(o1_ref, o2t_ref, keys_ref, pos_ref):
        return _tc_body_impl(off, o1_ref, o2t_ref, keys_ref, pos_ref)
    return _tc_body


def _tc_body_impl(off, o1_ref, o2t_ref, keys_ref, pos_ref):
    r0 = off + pl.program_id(0) * _BLK
    o1 = o1_ref[...]
    o2t = o2t_ref[...]
    n1 = jnp.sum(o1 * o1, axis=1, keepdims=True)
    n2 = jnp.sum(o2t * o2t, axis=0, keepdims=True)
    dot = jnp.dot(o1.astype(jnp.bfloat16), o2t.astype(jnp.bfloat16),
                  preferred_element_type=jnp.float32)
    d2 = n1 - 2.0 * dot + n2
    cols = jax.lax.broadcasted_iota(jnp.int32, (_BLK, _N), 1)
    rows = jax.lax.broadcasted_iota(jnp.int32, (_BLK, _N), 0) + r0
    diag = cols == rows
    d2 = jnp.where(diag, jnp.inf, d2)
    d2 = jnp.maximum(d2, 1e-12)
    keys_ref[...] = jax.lax.bitcast_convert_type(d2, jnp.int32)

    dmask = diag.astype(jnp.float32)
    dd = jnp.sum(dot * dmask, axis=1, keepdims=True)
    n2d = jnp.sum(n2 * dmask, axis=1, keepdims=True)
    pos_ref[...] = n1 + n2d - 2.0 * dd


def _splat(x):
    return jnp.full((16,), x, jnp.int32)


_GDN = jax.lax.GatherDimensionNumbers(
    offset_dims=(), collapsed_slice_dims=(0,), start_index_map=(0,))


def _lane_gather(x, idx_vec):
    return jax.lax.gather(x, idx_vec[:, None], _GDN, (1,),
                          mode=jax.lax.GatherScatterMode.PROMISE_IN_BOUNDS)


def _last_lane(x):
    return _lane_gather(x, jnp.full((16,), 15, jnp.int32))


def _sc_body(keys_hbm, rn_hbm, out_hbm, kbuf, hist, hist2, coarse, coarse2,
             rnv, chosen, sems):
    nrows = rn_hbm.shape[0]
    rpw = nrows // _NW
    wid = lax.axis_index("s") * _NC + lax.axis_index("c")
    base = wid * rpw
    pltpu.sync_copy(rn_hbm.at[pl.ds(base, rpw)], rnv)

    lanes = lax.iota(jnp.int32, 16)
    zeros16 = jnp.zeros((16,), jnp.int32)
    ones16 = jnp.full((16,), 1, jnp.int32)
    lane0 = lanes == 0

    def _block_copy(rb, par):
        return pltpu.make_async_copy(
            keys_hbm.at[pl.ds(base + rb * 8, 8)], kbuf.at[par], sems.at[par])

    _block_copy(0, 0).start()

    def block_step(rb, _):
        par = rb % 2
        _block_copy(rb, par).wait()

        @pl.when(rb < rpw // 8 - 1)
        def _start_next():
            _block_copy(rb + 1, 1 - par).start()

        def row_step(rloc, _):
            r = rb * 8 + rloc
            _select_row(r, rloc, par)
            return 0
        lax.fori_loop(0, 8, row_step, 0)
        return 0

    def _select_row(r, rloc, par):
        @plsc.parallel_loop(0, 2048, step=16, unroll=8)
        def _z1(i):
            hist[pl.ds(i, 16)] = zeros16

        @plsc.parallel_loop(0, 1024, step=16, unroll=8)
        def _z2(i):
            hist2[pl.ds(i, 16)] = zeros16

        for t in range(8):
            coarse[pl.ds(t * 16, 16)] = zeros16
        for t in range(4):
            coarse2[pl.ds(t * 16, 16)] = zeros16

        k_vec = plsc.load_gather(rnv, [_splat(r)])

        @plsc.parallel_loop(0, _N, step=16, unroll=8)
        def _p1(i):
            v = kbuf[par, rloc, pl.ds(i, 16)]
            b = (v >> 20) & 2047
            plsc.addupdate_scatter(hist, [b], ones16)
            cc, last = plsc.scan_count(b >> 4)
            plsc.addupdate_scatter(coarse, [b >> 4], cc, mask=last)

        x1, rin1 = _scan_find(coarse, 8, k_vec)
        b1, r2 = _fine_find(hist, x1, rin1)

        @plsc.parallel_loop(0, _N, step=16, unroll=8)
        def _p2(i):
            v = kbuf[par, rloc, pl.ds(i, 16)]
            t = v >> 10
            m = (t >> 10) == b1
            b = t & 1023
            plsc.addupdate_scatter(hist2, [b], ones16, mask=m)
            cc, last = plsc.scan_count(b >> 4, mask=m)
            plsc.addupdate_scatter(coarse2, [b >> 4], cc, mask=last & m)

        x2, rin2 = _scan_find(coarse2, 4, r2)
        b2, _ = _fine_find(hist2, x2, rin2)

        bits = (b1 << 20) | (b2 << 10) | 512
        plsc.store_scatter(chosen, [_splat(r)], bits, mask=lane0)

    def _scan_find(c_ref, nt, rank):
        cs = [plsc.cumsum(c_ref[pl.ds(16 * t, 16)]) for t in range(nt)]
        run = zeros16
        cnt = zeros16
        below_acc = zeros16
        for t in range(nt):
            c = run + cs[t]
            m = c <= rank
            cnt = cnt + plsc.all_reduce_population_count(m)
            below_acc = jnp.maximum(below_acc, jnp.where(m, c, 0))
            if t < nt - 1:
                run = _last_lane(c)
        below = _splat(jnp.max(below_acc))
        return cnt, rank - below

    def _fine_find(h_ref, x, rank):
        h = plsc.load_gather(h_ref, [x * 16 + lanes])
        c = plsc.cumsum(h)
        m = c <= rank
        lane = plsc.all_reduce_population_count(m)
        below = jnp.where(lane == 0, 0,
                          _lane_gather(c, jnp.maximum(lane - 1, 0)))
        return x * 16 + lane, rank - below

    lax.fori_loop(0, rpw // 8, block_step, 0)
    pltpu.sync_copy(chosen, out_hbm.at[pl.ds(base, rpw)])


_NH = 2
_HR = _N // _NH


@jax.jit
def _run(output1, output2, rn):
    o2t = output2.T

    def tc_half(h):
        return pl.pallas_call(
            _make_tc_body(h * _HR),
            grid=(_HR // _BLK,),
            in_specs=[
                pl.BlockSpec((_BLK, _D), lambda i: (i, 0)),
                pl.BlockSpec((_D, _N), lambda i: (0, 0)),
            ],
            out_specs=[
                pl.BlockSpec((_BLK, _N), lambda i: (i, 0)),
                pl.BlockSpec((_BLK, 1), lambda i: (i, 0)),
            ],
            out_shape=[
                jax.ShapeDtypeStruct((_HR, _N), jnp.int32),
                jax.ShapeDtypeStruct((_HR, 1), jnp.float32),
            ],
        )(output1[h * _HR:(h + 1) * _HR], o2t)

    rpw = _HR // _NW
    sc_select = pl.kernel(
        _sc_body,
        out_type=jax.ShapeDtypeStruct((_HR,), jnp.int32),
        mesh=plsc.VectorSubcoreMesh(core_axis_name="c", subcore_axis_name="s"),
        compiler_params=pltpu.CompilerParams(needs_layout_passes=False),
        scratch_types=[
            pltpu.VMEM((2, 8, _N), jnp.int32),
            pltpu.VMEM((2048,), jnp.int32),
            pltpu.VMEM((1024,), jnp.int32),
            pltpu.VMEM((128,), jnp.int32),
            pltpu.VMEM((64,), jnp.int32),
            pltpu.VMEM((rpw,), jnp.int32),
            pltpu.VMEM((rpw,), jnp.int32),
            pltpu.SemaphoreType.DMA((2,)),
        ],
    )

    chosen_parts = []
    pos_parts = []
    for h in range(_NH):
        keys_h, pos_h = tc_half(h)
        chosen_parts.append(sc_select(keys_h, rn[h * _HR:(h + 1) * _HR]))
        pos_parts.append(pos_h)

    chosen_bits = jnp.concatenate(chosen_parts)
    pos = jnp.concatenate(pos_parts)
    dist = jnp.sqrt(jax.lax.bitcast_convert_type(chosen_bits, jnp.float32))
    neg_loss = jnp.clip(2.0 - dist, 0.0, None)
    return jnp.mean(pos[:, 0]) + jnp.mean(neg_loss)


def kernel(output1, output2, quant):
    N = output1.shape[0]
    q = min(100, N - 1)
    rn = jax.random.randint(jax.random.key(1234), (N,), 0, q)
    rn = jnp.minimum(rn, quant - 1).astype(jnp.int32)
    return _run(output1, output2, rn)

# --- scband reference (transcript-rebuilt; emitter-appended) ---
"""Pipeline reference for scband-similarity-loss-43568148250765 (READ-ONLY COPY).

The authoritative reference and input builder live on the scoring server;
editing this copy changes nothing except your own understanding.
"""

import jax, jax.numpy as jnp
import numpy as np

MARGIN = 2.0

def setup_inputs(seed: int = 0) -> dict:
    key = jax.random.key(seed)
    k1, k2 = jax.random.split(key)
    output1 = jax.random.normal(k1, (4096, 512), dtype=jnp.float32)
    output2 = jax.random.normal(k2, (4096, 512), dtype=jnp.float32)
    return {"output1": output1, "output2": output2, "quant": 100}

def reference(output1, output2, quant):
    N = output1.shape[0]
    q = min(100, N - 1)
    # positive term: ||output2_i - output1_i||^2
    pos_loss = jnp.sum((output2 - output1) ** 2, axis=1)
    # full pairwise distances dist[i, j] = ||output2_j - output1_i|| (the kNN mining step)
    d2 = (jnp.sum(output1 ** 2, axis=1)[:, None]
          - 2.0 * (output1 @ output2.T)
          + jnp.sum(output2 ** 2, axis=1)[None, :])
    dist = jnp.sqrt(jnp.maximum(d2, 1e-12))
    # the torch loop resamples rn until indices[rn] != i; equivalently exclude j == i
    idx = jnp.arange(N)
    dist = dist.at[idx, idx].set(jnp.inf)
    # bottom-quant distances per row (torch.topk largest=False)
    neg_vals = -jax.lax.top_k(-dist, q)[0]
    # random draw among the quant nearest neighbours (deterministic key stands in for random.random())
    rn = jax.random.randint(jax.random.key(1234), (N,), 0, q)
    rn = jnp.minimum(rn, quant - 1)
    chosen = jnp.take_along_axis(neg_vals, rn[:, None], axis=1)[:, 0]
    neg_loss = jnp.clip(MARGIN - chosen, 0.0, None)
    return jnp.mean(pos_loss) + jnp.mean(neg_loss)

if __name__ == "__main__":
    import jax
    _d = setup_inputs()
    print(jax.jit(kernel)(*tuple(_d.values())))

</pallas_src>

<mosaic_0001>
#map = affine_map<(d0, d1) -> (0, 0)>
#map1 = affine_map<(d0, d1) -> (0)>
module attributes {stable_mosaic.version = 14 : i64} {
  func.func @_sc_body(%arg0: i32, %arg1: i32, %arg2: memref<2048x4096xi32, #tpu.memory_space<hbm>>, %arg3: memref<2048xi32, #tpu.memory_space<hbm>>, %arg4: memref<2048xi32, #tpu.memory_space<hbm>>, %arg5: memref<2x8x4096xi32, #tpu.memory_space<vmem>>, %arg6: memref<2048xi32, #tpu.memory_space<vmem>>, %arg7: memref<1024xi32, #tpu.memory_space<vmem>>, %arg8: memref<128xi32, #tpu.memory_space<vmem>>, %arg9: memref<64xi32, #tpu.memory_space<vmem>>, %arg10: memref<64xi32, #tpu.memory_space<vmem>>, %arg11: memref<64xi32, #tpu.memory_space<vmem>>, %arg12: memref<2x!tpu.dma_semaphore, #tpu.memory_space<semaphore_mem>>) attributes {dimension_semantics = [#tpu.dimension_semantics<core_parallel>, #tpu.dimension_semantics<subcore_parallel>], iteration_bounds = array<i64: 2, 16>, scalar_prefetch = 0 : i64, scratch_operands = 8 : i64, tpu.core_type = #tpu.core_type<sc_vector_subcore>, window_params = [{transform_indices = #map}, {transform_indices = #map1}, {transform_indices = #map1}]} {
    %mul3A = arith.constant 2 : i32
    %mul3A_0 = arith.muli %arg1, %mul3A : i32
    %add3A = arith.addi %mul3A_0, %arg0 : i32
    %mul3A_1 = arith.constant 64 : i32
    %mul3A_2 = arith.muli %add3A, %mul3A_1 : i32
    "tpu.region"() ({
      %run_scoped3A = tpu.sem_alloc : memref<!tpu.dma_semaphore, #tpu.memory_space<semaphore_mem>>
      %dma_start3A_31 = tpu.memref_slice %arg3[%mul3A_2] : memref<2048xi32, #tpu.memory_space<hbm>> -> memref<64xi32, #tpu.memory_space<hbm>>
      %dma_start3A_32 = tpu.memref_slice %arg3[%mul3A_2] : memref<2048xi32, #tpu.memory_space<hbm>> -> memref<64xi32, #tpu.memory_space<hbm>>
      tpu.enqueue_dma source(%dma_start3A_32 : memref<64xi32, #tpu.memory_space<hbm>>) target(%arg10 : memref<64xi32, #tpu.memory_space<vmem>>) target_semaphore(%run_scoped3A : memref<!tpu.dma_semaphore, #tpu.memory_space<semaphore_mem>>)
      %dma_wait3A = tpu.memref_slice %arg3[%mul3A_2] : memref<2048xi32, #tpu.memory_space<hbm>> -> memref<64xi32, #tpu.memory_space<hbm>>
      %dma_wait3A_33 = tpu.memref_slice %arg3[%mul3A_2] : memref<2048xi32, #tpu.memory_space<hbm>> -> memref<64xi32, #tpu.memory_space<hbm>>
      tpu.wait_dma2 semaphore(%run_scoped3A : memref<!tpu.dma_semaphore, #tpu.memory_space<semaphore_mem>>) src(%dma_wait3A_33 : memref<64xi32, #tpu.memory_space<hbm>>) dst(%arg10 : memref<64xi32, #tpu.memory_space<vmem>>)
      tpu.yield
    }) : () -> ()
    %iota3A = tpu.iota {dimensions = array<i32: 0>} : vector<16xi32>
    %broadcast_in_dim3A = arith.constant 0 : i32
    %broadcast_in_dim3A_3 = vector.broadcast %broadcast_in_dim3A : i32 to vector<16xi32>
    %broadcast_in_dim3A_4 = arith.constant 1 : i32
    %broadcast_in_dim3A_5 = vector.broadcast %broadcast_in_dim3A_4 : i32 to vector<16xi32>
    %eq3A = arith.constant 0 : i32
    %eq3A_6 = vector.broadcast %eq3A : i32 to vector<16xi32>
    %eq3A_7 = arith.cmpi eq, %iota3A, %eq3A_6 : vector<16xi32>
    %add3A_8 = arith.constant 0 : i32
    %add3A_9 = arith.addi %mul3A_2, %add3A_8 : i32
    %dma_start3A = arith.constant 0 : i32
    %dma_start3A_10 = arith.constant 0 : i32
    %dma_start3A_11 = arith.constant 0 : i32
    %dma_start3A_12 = arith.constant 0 : i32
    %dma_start3A_13 = tpu.memref_slice %arg5[%dma_start3A, %dma_start3A_11, %dma_start3A_12] : memref<2x8x4096xi32, #tpu.memory_space<vmem>> -> memref<1x8x4096xi32, #tpu.memory_space<vmem>>
    %dma_start3A_14 = tpu.memref_squeeze %dma_start3A_13 : memref<1x8x4096xi32, #tpu.memory_space<vmem>> -> memref<8x4096xi32, #tpu.memory_space<vmem>>
    %dma_start3A_15 = arith.constant 0 : i32
    %dma_start3A_16 = tpu.memref_slice %arg2[%add3A_9, %dma_start3A_15] : memref<2048x4096xi32, #tpu.memory_space<hbm>> -> memref<8x4096xi32, #tpu.memory_space<hbm>>
    %dma_start3A_17 = tpu.memref_slice %arg12[%dma_start3A_10] : memref<2x!tpu.dma_semaphore, #tpu.memory_space<semaphore_mem>> -> memref<1x!tpu.dma_semaphore, #tpu.memory_space<semaphore_mem>>
    %dma_start3A_18 = tpu.memref_squeeze %dma_start3A_17 : memref<1x!tpu.dma_semaphore, #tpu.memory_space<semaphore_mem>> -> memref<!tpu.dma_semaphore, #tpu.memory_space<semaphore_mem>>
    %dma_start3A_19 = arith.constant 0 : i32
    %dma_start3A_20 = arith.constant 0 : i32
    %dma_start3A_21 = tpu.memref_slice %arg5[%dma_start3A, %dma_start3A_19, %dma_start3A_20] : memref<2x8x4096xi32, #tpu.memory_space<vmem>> -> memref<1x8x4096xi32, #tpu.memory_space<vmem>>
    %dma_start3A_22 = tpu.memref_squeeze %dma_start3A_21 : memref<1x8x4096xi32, #tpu.memory_space<vmem>> -> memref<8x4096xi32, #tpu.memory_space<vmem>>
    %dma_start3A_23 = arith.constant 0 : i32
    %dma_start3A_24 = tpu.memref_slice %arg2[%add3A_9, %dma_start3A_23] : memref<2048x4096xi32, #tpu.memory_space<hbm>> -> memref<8x4096xi32, #tpu.memory_space<hbm>>
    tpu.enqueue_dma source(%dma_start3A_24 : memref<8x4096xi32, #tpu.memory_space<hbm>>) target(%dma_start3A_22 : memref<8x4096xi32, #tpu.memory_space<vmem>>) target_semaphore(%dma_start3A_18 : memref<!tpu.dma_semaphore, #tpu.memory_space<semaphore_mem>>)
    %scan3A = arith.constant 0 : i32
    %scan3A_25 = arith.constant 0 : i32
    %scan3A_26 = arith.constant 8 : i32
    %scan3A_27 = arith.addi %scan3A_25, %scan3A_26 : i32
    %scan3A_28 = arith.constant 1 : i32
    %scan3A_29 = scf.for %scan3A_31 = %scan3A_25 to %scan3A_27 step %scan3A_28 iter_args(%scan3A_32 = %scan3A) -> (i32)  : i32 {
      %jit3A = arith.constant 2 : i32
      %eq3A_33 = arith.constant 0 : i32
      %eq3A_34 = arith.cmpi eq, %jit3A, %eq3A_33 : i32
      %jit3A_35 = arith.constant 1 : i32
      %select_n3A = arith.select %eq3A_34, %jit3A_35, %jit3A : i32
      %rem3A = arith.remsi %scan3A_31, %select_n3A : i32
      %ne3A = arith.constant 0 : i32
      %ne3A_36 = arith.cmpi ne, %rem3A, %ne3A : i32
      %lt3A = arith.constant 0 : i32
      %lt3A_37 = arith.cmpi slt, %rem3A, %lt3A : i32
      %lt3A_38 = arith.constant 0 : i32
      %lt3A_39 = arith.cmpi slt, %select_n3A, %lt3A_38 : i32
      %ne3A_40 = arith.xori %lt3A_37, %lt3A_39 : i1
      %and3A = arith.andi %ne3A_40, %ne3A_36 : i1
      %add3A_41 = arith.addi %rem3A, %select_n3A : i32
      %select_n3A_42 = arith.select %and3A, %add3A_41, %rem3A : i32
      %mul3A_43 = arith.constant 8 : i32
      %mul3A_44 = arith.muli %scan3A_31, %mul3A_43 : i32
      %add3A_45 = arith.addi %mul3A_2, %mul3A_44 : i32
      %dma_wait3A = arith.constant 0 : i32
      %dma_wait3A_46 = arith.constant 0 : i32
      %dma_wait3A_47 = tpu.memref_slice %arg5[%select_n3A_42, %dma_wait3A, %dma_wait3A_46] : memref<2x8x4096xi32, #tpu.memory_space<vmem>> -> memref<1x8x4096xi32, #tpu.memory_space<vmem>>
      %dma_wait3A_48 = tpu.memref_squeeze %dma_wait3A_47 : memref<1x8x4096xi32, #tpu.memory_space<vmem>> -> memref<8x4096xi32, #tpu.memory_space<vmem>>
      %dma_wait3A_49 = arith.constant 0 : i32
      %dma_wait3A_50 = tpu.memref_slice %arg2[%add3A_45, %dma_wait3A_49] : memref<2048x4096xi32, #tpu.memory_space<hbm>> -> memref<8x4096xi32, #tpu.memory_space<hbm>>
      %dma_wait3A_51 = tpu.memref_slice %arg12[%select_n3A_42] : memref<2x!tpu.dma_semaphore, #tpu.memory_space<semaphore_mem>> -> memref<1x!tpu.dma_semaphore, #tpu.memory_space<semaphore_mem>>
      %dma_wait3A_52 = tpu.memref_squeeze %dma_wait3A_51 : memref<1x!tpu.dma_semaphore, #tpu.memory_space<semaphore_mem>> -> memref<!tpu.dma_semaphore, #tpu.memory_space<semaphore_mem>>
      %dma_wait3A_53 = arith.constant 0 : i32
      %dma_wait3A_54 = arith.constant 0 : i32
      %dma_wait3A_55 = tpu.memref_slice %arg5[%select_n3A_42, %dma_wait3A_53, %dma_wait3A_54] : memref<2x8x4096xi32, #tpu.memory_space<vmem>> -> memref<1x8x4096xi32, #tpu.memory_space<vmem>>
      %dma_wait3A_56 = tpu.memref_squeeze %dma_wait3A_55 : memref<1x8x4096xi32, #tpu.memory_space<vmem>> -> memref<8x4096xi32, #tpu.memory_space<vmem>>
      %dma_wait3A_57 = arith.constant 0 : i32
      %dma_wait3A_58 = tpu.memref_slice %arg2[%add3A_45, %dma_wait3A_57] : memref<2048x4096xi32, #tpu.memory_space<hbm>> -> memref<8x4096xi32, #tpu.memory_space<hbm>>
      tpu.wait_dma2 semaphore(%dma_wait3A_52 : memref<!tpu.dma_semaphore, #tpu.memory_space<semaphore_mem>>) src(%dma_wait3A_58 : memref<8x4096xi32, #tpu.memory_space<hbm>>) dst(%dma_wait3A_56 : memref<8x4096xi32, #tpu.memory_space<vmem>>)
      %lt3A_59 = arith.constant 7 : i32
      %lt3A_60 = arith.cmpi slt, %scan3A_31, %lt3A_59 : i32
      %convert_element_type3A = arith.extui %lt3A_60 : i1 to i32
      %cond3A = arith.constant 0 : i32
      %cond3A_61 = arith.cmpi ne, %convert_element_type3A, %cond3A : i32
      scf.if %cond3A_61 {
        %add3A_70 = arith.constant 1 : i32
        %add3A_71 = arith.addi %scan3A_31, %add3A_70 : i32
        %sub3A = arith.constant 1 : i32
        %sub3A_72 = arith.subi %sub3A, %select_n3A_42 : i32
        %mul3A_73 = arith.constant 8 : i32
        %mul3A_74 = arith.muli %add3A_71, %mul3A_73 : i32
        %add3A_75 = arith.addi %mul3A_2, %mul3A_74 : i32
        %dma_start3A_76 = arith.constant 0 : i32
        %dma_start3A_77 = arith.constant 0 : i32
        %dma_start3A_78 = tpu.memref_slice %arg5[%sub3A_72, %dma_start3A_76, %dma_start3A_77] : memref<2x8x4096xi32, #tpu.memory_space<vmem>> -> memref<1x8x4096xi32, #tpu.memory_space<vmem>>
        %dma_start3A_79 = tpu.memref_squeeze %dma_start3A_78 : memref<1x8x4096xi32, #tpu.memory_space<vmem>> -> memref<8x4096xi32, #tpu.memory_space<vmem>>
        %dma_start3A_80 = arith.constant 0 : i32
        %dma_start3A_81 = tpu.memref_slice %arg2[%add3A_75, %dma_start3A_80] : memref<2048x4096xi32, #tpu.memory_space<hbm>> -> memref<8x4096xi32, #tpu.memory_space<hbm>>
        %dma_start3A_82 = tpu.memref_slice %arg12[%sub3A_72] : memref<2x!tpu.dma_semaphore, #tpu.memory_space<semaphore_mem>> -> memref<1x!tpu.dma_semaphore, #tpu.memory_space<semaphore_mem>>
        %dma_start3A_83 = tpu.memref_squeeze %dma_start3A_82 : memref<1x!tpu.dma_semaphore, #tpu.memory_space<semaphore_mem>> -> memref<!tpu.dma_semaphore, #tpu.memory_space<semaphore_mem>>
        %dma_start3A_84 = arith.constant 0 : i32
        %dma_start3A_85 = arith.constant 0 : i32
        %dma_start3A_86 = tpu.memref_slice %arg5[%sub3A_72, %dma_start3A_84, %dma_start3A_85] : memref<2x8x4096xi32, #tpu.memory_space<vmem>> -> memref<1x8x4096xi32, #tpu.memory_space<vmem>>
        %dma_start3A_87 = tpu.memref_squeeze %dma_start3A_86 : memref<1x8x4096xi32, #tpu.memory_space<vmem>> -> memref<8x4096xi32, #tpu.memory_space<vmem>>
        %dma_start3A_88 = arith.constant 0 : i32
        %dma_start3A_89 = tpu.memref_slice %arg2[%add3A_75, %dma_start3A_88] : memref<2048x4096xi32, #tpu.memory_space<hbm>> -> memref<8x4096xi32, #tpu.memory_space<hbm>>
        tpu.enqueue_dma source(%dma_start3A_89 : memref<8x4096xi32, #tpu.memory_space<hbm>>) target(%dma_start3A_87 : memref<8x4096xi32, #tpu.memory_space<vmem>>) target_semaphore(%dma_start3A_83 : memref<!tpu.dma_semaphore, #tpu.memory_space<semaphore_mem>>)
      } else {
      }
      %scan3A_62 = arith.constant 0 : i32
      %scan3A_63 = arith.constant 0 : i32
      %scan3A_64 = arith.constant 8 : i32
      %scan3A_65 = arith.addi %scan3A_63, %scan3A_64 : i32
      %scan3A_66 = arith.constant 1 : i32
      %scan3A_67 = scf.for %scan3A_70 = %scan3A_63 to %scan3A_65 step %scan3A_66 iter_args(%scan3A_71 = %scan3A_62) -> (i32)  : i32 {
        %mul3A_72 = arith.constant 8 : i32
        %mul3A_73 = arith.muli %scan3A_31, %mul3A_72 : i32
        %add3A_74 = arith.addi %mul3A_73, %scan3A_70 : i32
        %parallel_loop3A = arith.constant 0 : i32
        %parallel_loop3A_75 = arith.constant 2048 : i32
        %parallel_loop3A_76 = arith.constant 16 : i32
        scf.for %parallel_loop3A_399 = %parallel_loop3A to %parallel_loop3A_75 step %parallel_loop3A_76  : i32 {
          %parallel_loop3A_400 = arith.index_cast %parallel_loop3A_399 : i32 to index
          %parallel_loop3A_401 = tpu.vector_load %arg6[%parallel_loop3A_400] {strides = array<i32>} : memref<2048xi32, #tpu.memory_space<vmem>>, vector<16xi32>,
          tpu.vector_store %arg6[%parallel_loop3A_400], %broadcast_in_dim3A_3 {strides = array<i32>} : memref<2048xi32, #tpu.memory_space<vmem>>, vector<16xi32>,
        } {sc.loop_unroll_factor = 8 : i64, sc.parallel_access}
        %parallel_loop3A_77 = arith.constant 0 : i32
        %parallel_loop3A_78 = arith.constant 1024 : i32
        %parallel_loop3A_79 = arith.constant 16 : i32
        scf.for %parallel_loop3A_399 = %parallel_loop3A_77 to %parallel_loop3A_78 step %parallel_loop3A_79  : i32 {
          %parallel_loop3A_400 = arith.index_cast %parallel_loop3A_399 : i32 to index
          %parallel_loop3A_401 = tpu.vector_load %arg7[%parallel_loop3A_400] {strides = array<i32>} : memref<1024xi32, #tpu.memory_space<vmem>>, vector<16xi32>,
          tpu.vector_store %arg7[%parallel_loop3A_400], %broadcast_in_dim3A_3 {strides = array<i32>} : memref<1024xi32, #tpu.memory_space<vmem>>, vector<16xi32>,
        } {sc.loop_unroll_factor = 8 : i64, sc.parallel_access}
        %swap3A = arith.constant 0 : index
        %swap3A_80 = tpu.vector_load %arg8[%swap3A] {strides = array<i32>} : memref<128xi32, #tpu.memory_space<vmem>>, vector<16xi32>,
        tpu.vector_store %arg8[%swap3A], %broadcast_in_dim3A_3 {strides = array<i32>} : memref<128xi32, #tpu.memory_space<vmem>>, vector<16xi32>,
        %swap3A_81 = arith.constant 16 : index
        %swap3A_82 = tpu.vector_load %arg8[%swap3A_81] {strides = array<i32>} : memref<128xi32, #tpu.memory_space<vmem>>, vector<16xi32>,
        tpu.vector_store %arg8[%swap3A_81], %broadcast_in_dim3A_3 {strides = array<i32>} : memref<128xi32, #tpu.memory_space<vmem>>, vector<16xi32>,
        %swap3A_83 = arith.constant 32 : index
        %swap3A_84 = tpu.vector_load %arg8[%swap3A_83] {strides = array<i32>} : memref<128xi32, #tpu.memory_space<vmem>>, vector<16xi32>,
        tpu.vector_store %arg8[%swap3A_83], %broadcast_in_dim3A_3 {strides = array<i32>} : memref<128xi32, #tpu.memory_space<vmem>>, vector<16xi32>,
        %swap3A_85 = arith.constant 48 : index
        %swap3A_86 = tpu.vector_load %arg8[%swap3A_85] {strides = array<i32>} : memref<128xi32, #tpu.memory_space<vmem>>, vector<16xi32>,
        tpu.vector_store %arg8[%swap3A_85], %broadcast_in_dim3A_3 {strides = array<i32>} : memref<128xi32, #tpu.memory_space<vmem>>, vector<16xi32>,
        %swap3A_87 = arith.constant 64 : index
        %swap3A_88 = tpu.vector_load %arg8[%swap3A_87] {strides = array<i32>} : memref<128xi32, #tpu.memory_space<vmem>>, vector<16xi32>,
        tpu.vector_store %arg8[%swap3A_87], %broadcast_in_dim3A_3 {strides = array<i32>} : memref<128xi32, #tpu.memory_space<vmem>>, vector<16xi32>,
        %swap3A_89 = arith.constant 80 : index
        %swap3A_90 = tpu.vector_load %arg8[%swap3A_89] {strides = array<i32>} : memref<128xi32, #tpu.memory_space<vmem>>, vector<16xi32>,
        tpu.vector_store %arg8[%swap3A_89], %broadcast_in_dim3A_3 {strides = array<i32>} : memref<128xi32, #tpu.memory_space<vmem>>, vector<16xi32>,
        %swap3A_91 = arith.constant 96 : index
        %swap3A_92 = tpu.vector_load %arg8[%swap3A_91] {strides = array<i32>} : memref<128xi32, #tpu.memory_space<vmem>>, vector<16xi32>,
        tpu.vector_store %arg8[%swap3A_91], %broadcast_in_dim3A_3 {strides = array<i32>} : memref<128xi32, #tpu.memory_space<vmem>>, vector<16xi32>,
        %swap3A_93 = arith.constant 112 : index
        %swap3A_94 = tpu.vector_load %arg8[%swap3A_93] {strides = array<i32>} : memref<128xi32, #tpu.memory_space<vmem>>, vector<16xi32>,
        tpu.vector_store %arg8[%swap3A_93], %broadcast_in_dim3A_3 {strides = array<i32>} : memref<128xi32, #tpu.memory_space<vmem>>, vector<16xi32>,
        %swap3A_95 = arith.constant 0 : index
        %swap3A_96 = tpu.vector_load %arg9[%swap3A_95] {strides = array<i32>} : memref<64xi32, #tpu.memory_space<vmem>>, vector<16xi32>,
        tpu.vector_store %arg9[%swap3A_95], %broadcast_in_dim3A_3 {strides = array<i32>} : memref<64xi32, #tpu.memory_space<vmem>>, vector<16xi32>,
        %swap3A_97 = arith.constant 16 : index
        %swap3A_98 = tpu.vector_load %arg9[%swap3A_97] {strides = array<i32>} : memref<64xi32, #tpu.memory_space<vmem>>, vector<16xi32>,
        tpu.vector_store %arg9[%swap3A_97], %broadcast_in_dim3A_3 {strides = array<i32>} : memref<64xi32, #tpu.memory_space<vmem>>, vector<16xi32>,
        %swap3A_99 = arith.constant 32 : index
        %swap3A_100 = tpu.vector_load %arg9[%swap3A_99] {strides = array<i32>} : memref<64xi32, #tpu.memory_space<vmem>>, vector<16xi32>,
        tpu.vector_store %arg9[%swap3A_99], %broadcast_in_dim3A_3 {strides = array<i32>} : memref<64xi32, #tpu.memory_space<vmem>>, vector<16xi32>,
        %swap3A_101 = arith.constant 48 : index
        %swap3A_102 = tpu.vector_load %arg9[%swap3A_101] {strides = array<i32>} : memref<64xi32, #tpu.memory_space<vmem>>, vector<16xi32>,
        tpu.vector_store %arg9[%swap3A_101], %broadcast_in_dim3A_3 {strides = array<i32>} : memref<64xi32, #tpu.memory_space<vmem>>, vector<16xi32>,
        %broadcast_in_dim3A_103 = vector.broadcast %add3A_74 : i32 to vector<16xi32>
        %gather3A = tpu.vector_load_idx %arg10[%broadcast_in_dim3A_103] : memref<64xi32, #tpu.memory_space<vmem>>[vector<16xi32>], vector<16xi32>,
        %parallel_loop3A_104 = arith.constant 0 : i32
        %parallel_loop3A_105 = arith.constant 4096 : i32
        %parallel_loop3A_106 = arith.constant 16 : i32
        scf.for %parallel_loop3A_399 = %parallel_loop3A_104 to %parallel_loop3A_105 step %parallel_loop3A_106  : i32 {
          %parallel_loop3A_400 = arith.index_cast %select_n3A_42 : i32 to index
          %parallel_loop3A_401 = arith.index_cast %scan3A_70 : i32 to index
          %parallel_loop3A_402 = arith.index_cast %parallel_loop3A_399 : i32 to index
          %parallel_loop3A_403 = tpu.vector_load %arg5[%parallel_loop3A_400, %parallel_loop3A_401, %parallel_loop3A_402] {strides = array<i32>} : memref<2x8x4096xi32, #tpu.memory_space<vmem>>, vector<16xi32>,
          %parallel_loop3A_404 = arith.constant 20 : i32
          %parallel_loop3A_405 = vector.broadcast %parallel_loop3A_404 : i32 to vector<16xi32>
          %parallel_loop3A_406 = arith.shrsi %parallel_loop3A_403, %parallel_loop3A_405 : vector<16xi32>
          %parallel_loop3A_407 = arith.constant 2047 : i32
          %parallel_loop3A_408 = vector.broadcast %parallel_loop3A_407 : i32 to vector<16xi32>
          %parallel_loop3A_409 = arith.andi %parallel_loop3A_406, %parallel_loop3A_408 : vector<16xi32>
          tpu.vector_store_idx %arg6[%parallel_loop3A_409], %broadcast_in_dim3A_5 {add = true} : memref<2048xi32, #tpu.memory_space<vmem>>[vector<16xi32>], vector<16xi32>,
          %parallel_loop3A_410 = arith.constant 4 : i32
          %parallel_loop3A_411 = vector.broadcast %parallel_loop3A_410 : i32 to vector<16xi32>
          %parallel_loop3A_412 = arith.shrsi %parallel_loop3A_409, %parallel_loop3A_411 : vector<16xi32>
          %parallel_loop3A_413 = arith.constant true
          %parallel_loop3A_414 = vector.broadcast %parallel_loop3A_413 : i1 to vector<16xi1>
          %parallel_loop3A_415, %parallel_loop3A_416 = tpu.scan_count mask(%parallel_loop3A_414 : vector<16xi1>) value(%parallel_loop3A_412 : vector<16xi32>) : vector<16xi1>, vector<16xi32>
          %parallel_loop3A_417 = arith.constant 4 : i32
          %parallel_loop3A_418 = vector.broadcast %parallel_loop3A_417 : i32 to vector<16xi32>
          %parallel_loop3A_419 = arith.shrsi %parallel_loop3A_409, %parallel_loop3A_418 : vector<16xi32>
          tpu.vector_store_idx %arg8[%parallel_loop3A_419], %parallel_loop3A_416 masked %parallel_loop3A_415 {add = true} : memref<128xi32, #tpu.memory_space<vmem>>[vector<16xi32>], vector<16xi32>, vector<16xi1>
        } {sc.loop_unroll_factor = 8 : i64, sc.parallel_access}
        %get3A = arith.constant 0 : index
        %get3A_107 = tpu.vector_load %arg8[%get3A] {strides = array<i32>} : memref<128xi32, #tpu.memory_space<vmem>>, vector<16xi32>,
        %broadcast_in_dim3A_108 = arith.constant true
        %broadcast_in_dim3A_109 = vector.broadcast %broadcast_in_dim3A_108 : i1 to vector<16xi1>
        %masked_cumsum3A = tpu.scan <sum>, %get3A_107 masked %broadcast_in_dim3A_109 : vector<16xi32>, vector<16xi1> -> vector<16xi32>
        %get3A_110 = arith.constant 16 : index
        %get3A_111 = tpu.vector_load %arg8[%get3A_110] {strides = array<i32>} : memref<128xi32, #tpu.memory_space<vmem>>, vector<16xi32>,
        %broadcast_in_dim3A_112 = arith.constant true
        %broadcast_in_dim3A_113 = vector.broadcast %broadcast_in_dim3A_112 : i1 to vector<16xi1>
        %masked_cumsum3A_114 = tpu.scan <sum>, %get3A_111 masked %broadcast_in_dim3A_113 : vector<16xi32>, vector<16xi1> -> vector<16xi32>
        %get3A_115 = arith.constant 32 : index
        %get3A_116 = tpu.vector_load %arg8[%get3A_115] {strides = array<i32>} : memref<128xi32, #tpu.memory_space<vmem>>, vector<16xi32>,
        %broadcast_in_dim3A_117 = arith.constant true
        %broadcast_in_dim3A_118 = vector.broadcast %broadcast_in_dim3A_117 : i1 to vector<16xi1>
        %masked_cumsum3A_119 = tpu.scan <sum>, %get3A_116 masked %broadcast_in_dim3A_118 : vector<16xi32>, vector<16xi1> -> vector<16xi32>
        %get3A_120 = arith.constant 48 : index
        %get3A_121 = tpu.vector_load %arg8[%get3A_120] {strides = array<i32>} : memref<128xi32, #tpu.memory_space<vmem>>, vector<16xi32>,
        %broadcast_in_dim3A_122 = arith.constant true
        %broadcast_in_dim3A_123 = vector.broadcast %broadcast_in_dim3A_122 : i1 to vector<16xi1>
        %masked_cumsum3A_124 = tpu.scan <sum>, %get3A_121 masked %broadcast_in_dim3A_123 : vector<16xi32>, vector<16xi1> -> vector<16xi32>
        %get3A_125 = arith.constant 64 : index
        %get3A_126 = tpu.vector_load %arg8[%get3A_125] {strides = array<i32>} : memref<128xi32, #tpu.memory_space<vmem>>, vector<16xi32>,
        %broadcast_in_dim3A_127 = arith.constant true
        %broadcast_in_dim3A_128 = vector.broadcast %broadcast_in_dim3A_127 : i1 to vector<16xi1>
        %masked_cumsum3A_129 = tpu.scan <sum>, %get3A_126 masked %broadcast_in_dim3A_128 : vector<16xi32>, vector<16xi1> -> vector<16xi32>
        %get3A_130 = arith.constant 80 : index
        %get3A_131 = tpu.vector_load %arg8[%get3A_130] {strides = array<i32>} : memref<128xi32, #tpu.memory_space<vmem>>, vector<16xi32>,
        %broadcast_in_dim3A_132 = arith.constant true
        %broadcast_in_dim3A_133 = vector.broadcast %broadcast_in_dim3A_132 : i1 to vector<16xi1>
        %masked_cumsum3A_134 = tpu.scan <sum>, %get3A_131 masked %broadcast_in_dim3A_133 : vector<16xi32>, vector<16xi1> -> vector<16xi32>
        %get3A_135 = arith.constant 96 : index
        %get3A_136 = tpu.vector_load %arg8[%get3A_135] {strides = array<i32>} : memref<128xi32, #tpu.memory_space<vmem>>, vector<16xi32>,
        %broadcast_in_dim3A_137 = arith.constant true
        %broadcast_in_dim3A_138 = vector.broadcast %broadcast_in_dim3A_137 : i1 to vector<16xi1>
        %masked_cumsum3A_139 = tpu.scan <sum>, %get3A_136 masked %broadcast_in_dim3A_138 : vector<16xi32>, vector<16xi1> -> vector<16xi32>
        %get3A_140 = arith.constant 112 : index
        %get3A_141 = tpu.vector_load %arg8[%get3A_140] {strides = array<i32>} : memref<128xi32, #tpu.memory_space<vmem>>, vector<16xi32>,
        %broadcast_in_dim3A_142 = arith.constant true
        %broadcast_in_dim3A_143 = vector.broadcast %broadcast_in_dim3A_142 : i1 to vector<16xi1>
        %masked_cumsum3A_144 = tpu.scan <sum>, %get3A_141 masked %broadcast_in_dim3A_143 : vector<16xi32>, vector<16xi1> -> vector<16xi32>
        %add3A_145 = arith.addi %broadcast_in_dim3A_3, %masked_cumsum3A : vector<16xi32>
        %le3A = arith.cmpi sle, %add3A_145, %gather3A : vector<16xi32>
        %all_reduce_population_count3A = tpu.all_reduce %le3A {dim = 0 : i64, kind = #tpu.reduction_kind<sum>} : vector<16xi1> -> vector<16xi32>
        %add3A_146 = arith.addi %broadcast_in_dim3A_3, %all_reduce_population_count3A : vector<16xi32>
        %jit3A_147 = arith.constant 0 : i32
        %broadcast_in_dim3A_148 = vector.broadcast %jit3A_147 : i32 to vector<16xi32>
        %select_n3A_149 = arith.select %le3A, %add3A_145, %broadcast_in_dim3A_148 : vector<16xi1>, vector<16xi32>
        %max3A = arith.maxsi %broadcast_in_dim3A_3, %select_n3A_149 : vector<16xi32>
        %broadcast_in_dim3A_150 = arith.constant 15 : i32
        %broadcast_in_dim3A_151 = vector.broadcast %broadcast_in_dim3A_150 : i32 to vector<16xi32>
        %broadcast_in_dim3A_152 = vector.shape_cast %broadcast_in_dim3A_151 : vector<16xi32> to vector<16x1xi32>
        %gather3A_153 = vector.shape_cast %broadcast_in_dim3A_152 : vector<16x1xi32> to vector<16xi32>
        %gather3A_154 = tpu.dynamic_gather %add3A_145[%gather3A_153] in [0] : vector<16xi32>, vector<16xi32> -> vector<16xi32>
        %add3A_155 = arith.addi %gather3A_154, %masked_cumsum3A_114 : vector<16xi32>
        %le3A_156 = arith.cmpi sle, %add3A_155, %gather3A : vector<16xi32>
        %all_reduce_population_count3A_157 = tpu.all_reduce %le3A_156 {dim = 0 : i64, kind = #tpu.reduction_kind<sum>} : vector<16xi1> -> vector<16xi32>
        %add3A_158 = arith.addi %add3A_146, %all_reduce_population_count3A_157 : vector<16xi32>
        %jit3A_159 = arith.constant 0 : i32
        %broadcast_in_dim3A_160 = vector.broadcast %jit3A_159 : i32 to vector<16xi32>
        %select_n3A_161 = arith.select %le3A_156, %add3A_155, %broadcast_in_dim3A_160 : vector<16xi1>, vector<16xi32>
        %max3A_162 = arith.maxsi %max3A, %select_n3A_161 : vector<16xi32>
        %broadcast_in_dim3A_163 = arith.constant 15 : i32
        %broadcast_in_dim3A_164 = vector.broadcast %broadcast_in_dim3A_163 : i32 to vector<16xi32>
        %broadcast_in_dim3A_165 = vector.shape_cast %broadcast_in_dim3A_164 : vector<16xi32> to vector<16x1xi32>
        %gather3A_166 = vector.shape_cast %broadcast_in_dim3A_165 : vector<16x1xi32> to vector<16xi32>
        %gather3A_167 = tpu.dynamic_gather %add3A_155[%gather3A_166] in [0] : vector<16xi32>, vector<16xi32> -> vector<16xi32>
        %add3A_168 = arith.addi %gather3A_167, %masked_cumsum3A_119 : vector<16xi32>
        %le3A_169 = arith.cmpi sle, %add3A_168, %gather3A : vector<16xi32>
        %all_reduce_population_count3A_170 = tpu.all_reduce %le3A_169 {dim = 0 : i64, kind = #tpu.reduction_kind<sum>} : vector<16xi1> -> vector<16xi32>
        %add3A_171 = arith.addi %add3A_158, %all_reduce_population_count3A_170 : vector<16xi32>
        %jit3A_172 = arith.constant 0 : i32
        %broadcast_in_dim3A_173 = vector.broadcast %jit3A_172 : i32 to vector<16xi32>
        %select_n3A_174 = arith.select %le3A_169, %add3A_168, %broadcast_in_dim3A_173 : vector<16xi1>, vector<16xi32>
        %max3A_175 = arith.maxsi %max3A_162, %select_n3A_174 : vector<16xi32>
        %broadcast_in_dim3A_176 = arith.constant 15 : i32
        %broadcast_in_dim3A_177 = vector.broadcast %broadcast_in_dim3A_176 : i32 to vector<16xi32>
        %broadcast_in_dim3A_178 = vector.shape_cast %broadcast_in_dim3A_177 : vector<16xi32> to vector<16x1xi32>
        %gather3A_179 = vector.shape_cast %broadcast_in_dim3A_178 : vector<16x1xi32> to vector<16xi32>
        %gather3A_180 = tpu.dynamic_gather %add3A_168[%gather3A_179] in [0] : vector<16xi32>, vector<16xi32> -> vector<16xi32>
        %add3A_181 = arith.addi %gather3A_180, %masked_cumsum3A_124 : vector<16xi32>
        %le3A_182 = arith.cmpi sle, %add3A_181, %gather3A : vector<16xi32>
        %all_reduce_population_count3A_183 = tpu.all_reduce %le3A_182 {dim = 0 : i64, kind = #tpu.reduction_kind<sum>} : vector<16xi1> -> vector<16xi32>
        %add3A_184 = arith.addi %add3A_171, %all_reduce_population_count3A_183 : vector<16xi32>
        %jit3A_185 = arith.constant 0 : i32
        %broadcast_in_dim3A_186 = vector.broadcast %jit3A_185 : i32 to vector<16xi32>
        %select_n3A_187 = arith.select %le3A_182, %add3A_181, %broadcast_in_dim3A_186 : vector<16xi1>, vector<16xi32>
        %max3A_188 = arith.maxsi %max3A_175, %select_n3A_187 : vector<16xi32>
        %broadcast_in_dim3A_189 = arith.constant 15 : i32
        %broadcast_in_dim3A_190 = vector.broadcast %broadcast_in_dim3A_189 : i32 to vector<16xi32>
        %broadcast_in_dim3A_191 = vector.shape_cast %broadcast_in_dim3A_190 : vector<16xi32> to vector<16x1xi32>
        %gather3A_192 = vector.shape_cast %broadcast_in_dim3A_191 : vector<16x1xi32> to vector<16xi32>
        %gather3A_193 = tpu.dynamic_gather %add3A_181[%gather3A_192] in [0] : vector<16xi32>, vector<16xi32> -> vector<16xi32>
        %add3A_194 = arith.addi %gather3A_193, %masked_cumsum3A_129 : vector<16xi32>
        %le3A_195 = arith.cmpi sle, %add3A_194, %gather3A : vector<16xi32>
        %all_reduce_population_count3A_196 = tpu.all_reduce %le3A_195 {dim = 0 : i64, kind = #tpu.reduction_kind<sum>} : vector<16xi1> -> vector<16xi32>
        %add3A_197 = arith.addi %add3A_184, %all_reduce_population_count3A_196 : vector<16xi32>
        %jit3A_198 = arith.constant 0 : i32
        %broadcast_in_dim3A_199 = vector.broadcast %jit3A_198 : i32 to vector<16xi32>
        %select_n3A_200 = arith.select %le3A_195, %add3A_194, %broadcast_in_dim3A_199 : vector<16xi1>, vector<16xi32>
        %max3A_201 = arith.maxsi %max3A_188, %select_n3A_200 : vector<16xi32>
        %broadcast_in_dim3A_202 = arith.constant 15 : i32
        %broadcast_in_dim3A_203 = vector.broadcast %broadcast_in_dim3A_202 : i32 to vector<16xi32>
        %broadcast_in_dim3A_204 = vector.shape_cast %broadcast_in_dim3A_203 : vector<16xi32> to vector<16x1xi32>
        %gather3A_205 = vector.shape_cast %broadcast_in_dim3A_204 : vector<16x1xi32> to vector<16xi32>
        %gather3A_206 = tpu.dynamic_gather %add3A_194[%gather3A_205] in [0] : vector<16xi32>, vector<16xi32> -> vector<16xi32>
        %add3A_207 = arith.addi %gather3A_206, %masked_cumsum3A_134 : vector<16xi32>
        %le3A_208 = arith.cmpi sle, %add3A_207, %gather3A : vector<16xi32>
        %all_reduce_population_count3A_209 = tpu.all_reduce %le3A_208 {dim = 0 : i64, kind = #tpu.reduction_kind<sum>} : vector<16xi1> -> vector<16xi32>
        %add3A_210 = arith.addi %add3A_197, %all_reduce_population_count3A_209 : vector<16xi32>
        %jit3A_211 = arith.constant 0 : i32
        %broadcast_in_dim3A_212 = vector.broadcast %jit3A_211 : i32 to vector<16xi32>
        %select_n3A_213 = arith.select %le3A_208, %add3A_207, %broadcast_in_dim3A_212 : vector<16xi1>, vector<16xi32>
        %max3A_214 = arith.maxsi %max3A_201, %select_n3A_213 : vector<16xi32>
        %broadcast_in_dim3A_215 = arith.constant 15 : i32
        %broadcast_in_dim3A_216 = vector.broadcast %broadcast_in_dim3A_215 : i32 to vector<16xi32>
        %broadcast_in_dim3A_217 = vector.shape_cast %broadcast_in_dim3A_216 : vector<16xi32> to vector<16x1xi32>
        %gather3A_218 = vector.shape_cast %broadcast_in_dim3A_217 : vector<16x1xi32> to vector<16xi32>
        %gather3A_219 = tpu.dynamic_gather %add3A_207[%gather3A_218] in [0] : vector<16xi32>, vector<16xi32> -> vector<16xi32>
        %add3A_220 = arith.addi %gather3A_219, %masked_cumsum3A_139 : vector<16xi32>
        %le3A_221 = arith.cmpi sle, %add3A_220, %gather3A : vector<16xi32>
        %all_reduce_population_count3A_222 = tpu.all_reduce %le3A_221 {dim = 0 : i64, kind = #tpu.reduction_kind<sum>} : vector<16xi1> -> vector<16xi32>
        %add3A_223 = arith.addi %add3A_210, %all_reduce_population_count3A_222 : vector<16xi32>
        %jit3A_224 = arith.constant 0 : i32
        %broadcast_in_dim3A_225 = vector.broadcast %jit3A_224 : i32 to vector<16xi32>
        %select_n3A_226 = arith.select %le3A_221, %add3A_220, %broadcast_in_dim3A_225 : vector<16xi1>, vector<16xi32>
        %max3A_227 = arith.maxsi %max3A_214, %select_n3A_226 : vector<16xi32>
        %broadcast_in_dim3A_228 = arith.constant 15 : i32
        %broadcast_in_dim3A_229 = vector.broadcast %broadcast_in_dim3A_228 : i32 to vector<16xi32>
        %broadcast_in_dim3A_230 = vector.shape_cast %broadcast_in_dim3A_229 : vector<16xi32> to vector<16x1xi32>
        %gather3A_231 = vector.shape_cast %broadcast_in_dim3A_230 : vector<16x1xi32> to vector<16xi32>
        %gather3A_232 = tpu.dynamic_gather %add3A_220[%gather3A_231] in [0] : vector<16xi32>, vector<16xi32> -> vector<16xi32>
        %add3A_233 = arith.addi %gather3A_232, %masked_cumsum3A_144 : vector<16xi32>
        %le3A_234 = arith.cmpi sle, %add3A_233, %gather3A : vector<16xi32>
        %all_reduce_population_count3A_235 = tpu.all_reduce %le3A_234 {dim = 0 : i64, kind = #tpu.reduction_kind<sum>} : vector<16xi1> -> vector<16xi32>
        %add3A_236 = arith.addi %add3A_223, %all_reduce_population_count3A_235 : vector<16xi32>
        %jit3A_237 = arith.constant 0 : i32
        %broadcast_in_dim3A_238 = vector.broadcast %jit3A_237 : i32 to vector<16xi32>
        %select_n3A_239 = arith.select %le3A_234, %add3A_233, %broadcast_in_dim3A_238 : vector<16xi1>, vector<16xi32>
        %max3A_240 = arith.maxsi %max3A_227, %select_n3A_239 : vector<16xi32>
        %reduce_max3A = arith.constant true
        %reduce_max3A_241 = vector.broadcast %reduce_max3A : i1 to vector<16xi1>
        %reduce_max3A_242 = arith.constant -2147483648 : i32
        %reduce_max3A_243 = vector.broadcast %reduce_max3A_242 : i32 to vector<16xi32>
        %reduce_max3A_244 = arith.xori %max3A_240, %reduce_max3A_243 : vector<16xi32>
        %reduce_max3A_245 = tpu.scan <max>, %reduce_max3A_244 masked %reduce_max3A_241 : vector<16xi32>, vector<16xi1> -> vector<16xi32>
        %reduce_max3A_246 = arith.xori %reduce_max3A_245, %reduce_max3A_243 : vector<16xi32>
        %reduce_max3A_247 = vector.extract %reduce_max3A_246[15] : i32 from vector<16xi32>
        %broadcast_in_dim3A_248 = vector.broadcast %reduce_max3A_247 : i32 to vector<16xi32>
        %sub3A = arith.subi %gather3A, %broadcast_in_dim3A_248 : vector<16xi32>
        %mul3A_249 = arith.constant 16 : i32
        %mul3A_250 = vector.broadcast %mul3A_249 : i32 to vector<16xi32>
        %mul3A_251 = arith.muli %add3A_236, %mul3A_250 : vector<16xi32>
        %add3A_252 = arith.addi %mul3A_251, %iota3A : vector<16xi32>
        %gather3A_253 = tpu.vector_load_idx %arg6[%add3A_252] : memref<2048xi32, #tpu.memory_space<vmem>>[vector<16xi32>], vector<16xi32>,
        %broadcast_in_dim3A_254 = arith.constant true
        %broadcast_in_dim3A_255 = vector.broadcast %broadcast_in_dim3A_254 : i1 to vector<16xi1>
        %masked_cumsum3A_256 = tpu.scan <sum>, %gather3A_253 masked %broadcast_in_dim3A_255 : vector<16xi32>, vector<16xi1> -> vector<16xi32>
        %le3A_257 = arith.cmpi sle, %masked_cumsum3A_256, %sub3A : vector<16xi32>
        %all_reduce_population_count3A_258 = tpu.all_reduce %le3A_257 {dim = 0 : i64, kind = #tpu.reduction_kind<sum>} : vector<16xi1> -> vector<16xi32>
        %eq3A_259 = arith.constant 0 : i32
        %eq3A_260 = vector.broadcast %eq3A_259 : i32 to vector<16xi32>
        %eq3A_261 = arith.cmpi eq, %all_reduce_population_count3A_258, %eq3A_260 : vector<16xi32>
        %sub3A_262 = arith.constant 1 : i32
        %sub3A_263 = vector.broadcast %sub3A_262 : i32 to vector<16xi32>
        %sub3A_264 = arith.subi %all_reduce_population_count3A_258, %sub3A_263 : vector<16xi32>
        %max3A_265 = arith.constant 0 : i32
        %max3A_266 = vector.broadcast %max3A_265 : i32 to vector<16xi32>
        %max3A_267 = arith.maxsi %sub3A_264, %max3A_266 : vector<16xi32>
        %broadcast_in_dim3A_268 = vector.shape_cast %max3A_267 : vector<16xi32> to vector<16x1xi32>
        %gather3A_269 = vector.shape_cast %broadcast_in_dim3A_268 : vector<16x1xi32> to vector<16xi32>
        %gather3A_270 = tpu.dynamic_gather %masked_cumsum3A_256[%gather3A_269] in [0] : vector<16xi32>, vector<16xi32> -> vector<16xi32>
        %jit3A_271 = arith.constant 0 : i32
        %broadcast_in_dim3A_272 = vector.broadcast %jit3A_271 : i32 to vector<16xi32>
        %select_n3A_273 = arith.select %eq3A_261, %broadcast_in_dim3A_272, %gather3A_270 : vector<16xi1>, vector<16xi32>
        %mul3A_274 = arith.constant 16 : i32
        %mul3A_275 = vector.broadcast %mul3A_274 : i32 to vector<16xi32>
        %mul3A_276 = arith.muli %add3A_236, %mul3A_275 : vector<16xi32>
        %add3A_277 = arith.addi %mul3A_276, %all_reduce_population_count3A_258 : vector<16xi32>
        %sub3A_278 = arith.subi %sub3A, %select_n3A_273 : vector<16xi32>
        %parallel_loop3A_279 = arith.constant 0 : i32
        %parallel_loop3A_280 = arith.constant 4096 : i32
        %parallel_loop3A_281 = arith.constant 16 : i32
        scf.for %parallel_loop3A_399 = %parallel_loop3A_279 to %parallel_loop3A_280 step %parallel_loop3A_281  : i32 {
          %parallel_loop3A_400 = arith.index_cast %select_n3A_42 : i32 to index
          %parallel_loop3A_401 = arith.index_cast %scan3A_70 : i32 to index
          %parallel_loop3A_402 = arith.index_cast %parallel_loop3A_399 : i32 to index
          %parallel_loop3A_403 = tpu.vector_load %arg5[%parallel_loop3A_400, %parallel_loop3A_401, %parallel_loop3A_402] {strides = array<i32>} : memref<2x8x4096xi32, #tpu.memory_space<vmem>>, vector<16xi32>,
          %parallel_loop3A_404 = arith.constant 10 : i32
          %parallel_loop3A_405 = vector.broadcast %parallel_loop3A_404 : i32 to vector<16xi32>
          %parallel_loop3A_406 = arith.shrsi %parallel_loop3A_403, %parallel_loop3A_405 : vector<16xi32>
          %parallel_loop3A_407 = arith.constant 10 : i32
          %parallel_loop3A_408 = vector.broadcast %parallel_loop3A_407 : i32 to vector<16xi32>
          %parallel_loop3A_409 = arith.shrsi %parallel_loop3A_406, %parallel_loop3A_408 : vector<16xi32>
          %parallel_loop3A_410 = arith.cmpi eq, %parallel_loop3A_409, %add3A_277 : vector<16xi32>
          %parallel_loop3A_411 = arith.constant 1023 : i32
          %parallel_loop3A_412 = vector.broadcast %parallel_loop3A_411 : i32 to vector<16xi32>
          %parallel_loop3A_413 = arith.andi %parallel_loop3A_406, %parallel_loop3A_412 : vector<16xi32>
          tpu.vector_store_idx %arg7[%parallel_loop3A_413], %broadcast_in_dim3A_5 masked %parallel_loop3A_410 {add = true} : memref<1024xi32, #tpu.memory_space<vmem>>[vector<16xi32>], vector<16xi32>, vector<16xi1>
          %parallel_loop3A_414 = arith.constant 4 : i32
          %parallel_loop3A_415 = vector.broadcast %parallel_loop3A_414 : i32 to vector<16xi32>
          %parallel_loop3A_416 = arith.shrsi %parallel_loop3A_413, %parallel_loop3A_415 : vector<16xi32>
          %parallel_loop3A_417, %parallel_loop3A_418 = tpu.scan_count mask(%parallel_loop3A_410 : vector<16xi1>) value(%parallel_loop3A_416 : vector<16xi32>) : vector<16xi1>, vector<16xi32>
          %parallel_loop3A_419 = arith.constant 4 : i32
          %parallel_loop3A_420 = vector.broadcast %parallel_loop3A_419 : i32 to vector<16xi32>
          %parallel_loop3A_421 = arith.shrsi %parallel_loop3A_413, %parallel_loop3A_420 : vector<16xi32>
          %parallel_loop3A_422 = arith.andi %parallel_loop3A_417, %parallel_loop3A_410 : vector<16xi1>
          tpu.vector_store_idx %arg9[%parallel_loop3A_421], %parallel_loop3A_418 masked %parallel_loop3A_422 {add = true} : memref<64xi32, #tpu.memory_space<vmem>>[vector<16xi32>], vector<16xi32>, vector<16xi1>
        } {sc.loop_unroll_factor = 8 : i64, sc.parallel_access}
        %get3A_282 = arith.constant 0 : index
        %get3A_283 = tpu.vector_load %arg9[%get3A_282] {strides = array<i32>} : memref<64xi32, #tpu.memory_space<vmem>>, vector<16xi32>,
        %broadcast_in_dim3A_284 = arith.constant true
        %broadcast_in_dim3A_285 = vector.broadcast %broadcast_in_dim3A_284 : i1 to vector<16xi1>
        %masked_cumsum3A_286 = tpu.scan <sum>, %get3A_283 masked %broadcast_in_dim3A_285 : vector<16xi32>, vector<16xi1> -> vector<16xi32>
        %get3A_287 = arith.constant 16 : index
        %get3A_288 = tpu.vector_load %arg9[%get3A_287] {strides = array<i32>} : memref<64xi32, #tpu.memory_space<vmem>>, vector<16xi32>,
        %broadcast_in_dim3A_289 = arith.constant true
        %broadcast_in_dim3A_290 = vector.broadcast %broadcast_in_dim3A_289 : i1 to vector<16xi1>
        %masked_cumsum3A_291 = tpu.scan <sum>, %get3A_288 masked %broadcast_in_dim3A_290 : vector<16xi32>, vector<16xi1> -> vector<16xi32>
        %get3A_292 = arith.constant 32 : index
        %get3A_293 = tpu.vector_load %arg9[%get3A_292] {strides = array<i32>} : memref<64xi32, #tpu.memory_space<vmem>>, vector<16xi32>,
        %broadcast_in_dim3A_294 = arith.constant true
        %broadcast_in_dim3A_295 = vector.broadcast %broadcast_in_dim3A_294 : i1 to vector<16xi1>
        %masked_cumsum3A_296 = tpu.scan <sum>, %get3A_293 masked %broadcast_in_dim3A_295 : vector<16xi32>, vector<16xi1> -> vector<16xi32>
        %get3A_297 = arith.constant 48 : index
        %get3A_298 = tpu.vector_load %arg9[%get3A_297] {strides = array<i32>} : memref<64xi32, #tpu.memory_space<vmem>>, vector<16xi32>,
        %broadcast_in_dim3A_299 = arith.constant true
        %broadcast_in_dim3A_300 = vector.broadcast %broadcast_in_dim3A_299 : i1 to vector<16xi1>
        %masked_cumsum3A_301 = tpu.scan <sum>, %get3A_298 masked %broadcast_in_dim3A_300 : vector<16xi32>, vector<16xi1> -> vector<16xi32>
        %add3A_302 = arith.addi %broadcast_in_dim3A_3, %masked_cumsum3A_286 : vector<16xi32>
        %le3A_303 = arith.cmpi sle, %add3A_302, %sub3A_278 : vector<16xi32>
        %all_reduce_population_count3A_304 = tpu.all_reduce %le3A_303 {dim = 0 : i64, kind = #tpu.reduction_kind<sum>} : vector<16xi1> -> vector<16xi32>
        %add3A_305 = arith.addi %broadcast_in_dim3A_3, %all_reduce_population_count3A_304 : vector<16xi32>
        %jit3A_306 = arith.constant 0 : i32
        %broadcast_in_dim3A_307 = vector.broadcast %jit3A_306 : i32 to vector<16xi32>
        %select_n3A_308 = arith.select %le3A_303, %add3A_302, %broadcast_in_dim3A_307 : vector<16xi1>, vector<16xi32>
        %max3A_309 = arith.maxsi %broadcast_in_dim3A_3, %select_n3A_308 : vector<16xi32>
        %broadcast_in_dim3A_310 = arith.constant 15 : i32
        %broadcast_in_dim3A_311 = vector.broadcast %broadcast_in_dim3A_310 : i32 to vector<16xi32>
        %broadcast_in_dim3A_312 = vector.shape_cast %broadcast_in_dim3A_311 : vector<16xi32> to vector<16x1xi32>
        %gather3A_313 = vector.shape_cast %broadcast_in_dim3A_312 : vector<16x1xi32> to vector<16xi32>
        %gather3A_314 = tpu.dynamic_gather %add3A_302[%gather3A_313] in [0] : vector<16xi32>, vector<16xi32> -> vector<16xi32>
        %add3A_315 = arith.addi %gather3A_314, %masked_cumsum3A_291 : vector<16xi32>
        %le3A_316 = arith.cmpi sle, %add3A_315, %sub3A_278 : vector<16xi32>
        %all_reduce_population_count3A_317 = tpu.all_reduce %le3A_316 {dim = 0 : i64, kind = #tpu.reduction_kind<sum>} : vector<16xi1> -> vector<16xi32>
        %add3A_318 = arith.addi %add3A_305, %all_reduce_population_count3A_317 : vector<16xi32>
        %jit3A_319 = arith.constant 0 : i32
        %broadcast_in_dim3A_320 = vector.broadcast %jit3A_319 : i32 to vector<16xi32>
        %select_n3A_321 = arith.select %le3A_316, %add3A_315, %broadcast_in_dim3A_320 : vector<16xi1>, vector<16xi32>
        %max3A_322 = arith.maxsi %max3A_309, %select_n3A_321 : vector<16xi32>
        %broadcast_in_dim3A_323 = arith.constant 15 : i32
        %broadcast_in_dim3A_324 = vector.broadcast %broadcast_in_dim3A_323 : i32 to vector<16xi32>
        %broadcast_in_dim3A_325 = vector.shape_cast %broadcast_in_dim3A_324 : vector<16xi32> to vector<16x1xi32>
        %gather3A_326 = vector.shape_cast %broadcast_in_dim3A_325 : vector<16x1xi32> to vector<16xi32>
        %gather3A_327 = tpu.dynamic_gather %add3A_315[%gather3A_326] in [0] : vector<16xi32>, vector<16xi32> -> vector<16xi32>
        %add3A_328 = arith.addi %gather3A_327, %masked_cumsum3A_296 : vector<16xi32>
        %le3A_329 = arith.cmpi sle, %add3A_328, %sub3A_278 : vector<16xi32>
        %all_reduce_population_count3A_330 = tpu.all_reduce %le3A_329 {dim = 0 : i64, kind = #tpu.reduction_kind<sum>} : vector<16xi1> -> vector<16xi32>
        %add3A_331 = arith.addi %add3A_318, %all_reduce_population_count3A_330 : vector<16xi32>
        %jit3A_332 = arith.constant 0 : i32
        %broadcast_in_dim3A_333 = vector.broadcast %jit3A_332 : i32 to vector<16xi32>
        %select_n3A_334 = arith.select %le3A_329, %add3A_328, %broadcast_in_dim3A_333 : vector<16xi1>, vector<16xi32>
        %max3A_335 = arith.maxsi %max3A_322, %select_n3A_334 : vector<16xi32>
        %broadcast_in_dim3A_336 = arith.constant 15 : i32
        %broadcast_in_dim3A_337 = vector.broadcast %broadcast_in_dim3A_336 : i32 to vector<16xi32>
        %broadcast_in_dim3A_338 = vector.shape_cast %broadcast_in_dim3A_337 : vector<16xi32> to vector<16x1xi32>
        %gather3A_339 = vector.shape_cast %broadcast_in_dim3A_338 : vector<16x1xi32> to vector<16xi32>
        %gather3A_340 = tpu.dynamic_gather %add3A_328[%gather3A_339] in [0] : vector<16xi32>, vector<16xi32> -> vector<16xi32>
        %add3A_341 = arith.addi %gather3A_340, %masked_cumsum3A_301 : vector<16xi32>
        %le3A_342 = arith.cmpi sle, %add3A_341, %sub3A_278 : vector<16xi32>
        %all_reduce_population_count3A_343 = tpu.all_reduce %le3A_342 {dim = 0 : i64, kind = #tpu.reduction_kind<sum>} : vector<16xi1> -> vector<16xi32>
        %add3A_344 = arith.addi %add3A_331, %all_reduce_population_count3A_343 : vector<16xi32>
        %jit3A_345 = arith.constant 0 : i32
        %broadcast_in_dim3A_346 = vector.broadcast %jit3A_345 : i32 to vector<16xi32>
        %select_n3A_347 = arith.select %le3A_342, %add3A_341, %broadcast_in_dim3A_346 : vector<16xi1>, vector<16xi32>
        %max3A_348 = arith.maxsi %max3A_335, %select_n3A_347 : vector<16xi32>
        %reduce_max3A_349 = arith.constant true
        %reduce_max3A_350 = vector.broadcast %reduce_max3A_349 : i1 to vector<16xi1>
        %reduce_max3A_351 = arith.constant -2147483648 : i32
        %reduce_max3A_352 = vector.broadcast %reduce_max3A_351 : i32 to vector<16xi32>
        %reduce_max3A_353 = arith.xori %max3A_348, %reduce_max3A_352 : vector<16xi32>
        %reduce_max3A_354 = tpu.scan <max>, %reduce_max3A_353 masked %reduce_max3A_350 : vector<16xi32>, vector<16xi1> -> vector<16xi32>
        %reduce_max3A_355 = arith.xori %reduce_max3A_354, %reduce_max3A_352 : vector<16xi32>
        %reduce_max3A_356 = vector.extract %reduce_max3A_355[15] : i32 from vector<16xi32>
        %broadcast_in_dim3A_357 = vector.broadcast %reduce_max3A_356 : i32 to vector<16xi32>
        %sub3A_358 = arith.subi %sub3A_278, %broadcast_in_dim3A_357 : vector<16xi32>
        %mul3A_359 = arith.constant 16 : i32
        %mul3A_360 = vector.broadcast %mul3A_359 : i32 to vector<16xi32>
        %mul3A_361 = arith.muli %add3A_344, %mul3A_360 : vector<16xi32>
        %add3A_362 = arith.addi %mul3A_361, %iota3A : vector<16xi32>
        %gather3A_363 = tpu.vector_load_idx %arg7[%add3A_362] : memref<1024xi32, #tpu.memory_space<vmem>>[vector<16xi32>], vector<16xi32>,
        %broadcast_in_dim3A_364 = arith.constant true
        %broadcast_in_dim3A_365 = vector.broadcast %broadcast_in_dim3A_364 : i1 to vector<16xi1>
        %masked_cumsum3A_366 = tpu.scan <sum>, %gather3A_363 masked %broadcast_in_dim3A_365 : vector<16xi32>, vector<16xi1> -> vector<16xi32>
        %le3A_367 = arith.cmpi sle, %masked_cumsum3A_366, %sub3A_358 : vector<16xi32>
        %all_reduce_population_count3A_368 = tpu.all_reduce %le3A_367 {dim = 0 : i64, kind = #tpu.reduction_kind<sum>} : vector<16xi1> -> vector<16xi32>
        %eq3A_369 = arith.constant 0 : i32
        %eq3A_370 = vector.broadcast %eq3A_369 : i32 to vector<16xi32>
        %eq3A_371 = arith.cmpi eq, %all_reduce_population_count3A_368, %eq3A_370 : vector<16xi32>
        %sub3A_372 = arith.constant 1 : i32
        %sub3A_373 = vector.broadcast %sub3A_372 : i32 to vector<16xi32>
        %sub3A_374 = arith.subi %all_reduce_population_count3A_368, %sub3A_373 : vector<16xi32>
        %max3A_375 = arith.constant 0 : i32
        %max3A_376 = vector.broadcast %max3A_375 : i32 to vector<16xi32>
        %max3A_377 = arith.maxsi %sub3A_374, %max3A_376 : vector<16xi32>
        %broadcast_in_dim3A_378 = vector.shape_cast %max3A_377 : vector<16xi32> to vector<16x1xi32>
        %gather3A_379 = vector.shape_cast %broadcast_in_dim3A_378 : vector<16x1xi32> to vector<16xi32>
        %gather3A_380 = tpu.dynamic_gather %masked_cumsum3A_366[%gather3A_379] in [0] : vector<16xi32>, vector<16xi32> -> vector<16xi32>
        %jit3A_381 = arith.constant 0 : i32
        %broadcast_in_dim3A_382 = vector.broadcast %jit3A_381 : i32 to vector<16xi32>
        %select_n3A_383 = arith.select %eq3A_371, %broadcast_in_dim3A_382, %gather3A_380 : vector<16xi1>, vector<16xi32>
        %mul3A_384 = arith.constant 16 : i32
        %mul3A_385 = vector.broadcast %mul3A_384 : i32 to vector<16xi32>
        %mul3A_386 = arith.muli %add3A_344, %mul3A_385 : vector<16xi32>
        %add3A_387 = arith.addi %mul3A_386, %all_reduce_population_count3A_368 : vector<16xi32>
        %sub3A_388 = arith.subi %sub3A_358, %select_n3A_383 : vector<16xi32>
        %shift_left3A = arith.constant 20 : i32
        %shift_left3A_389 = vector.broadcast %shift_left3A : i32 to vector<16xi32>
        %shift_left3A_390 = arith.shli %add3A_277, %shift_left3A_389 : vector<16xi32>
        %shift_left3A_391 = arith.constant 10 : i32
        %shift_left3A_392 = vector.broadcast %shift_left3A_391 : i32 to vector<16xi32>
        %shift_left3A_393 = arith.shli %add3A_387, %shift_left3A_392 : vector<16xi32>
        %or3A = arith.ori %shift_left3A_390, %shift_left3A_393 : vector<16xi32>
        %or3A_394 = arith.constant 512 : i32
        %or3A_395 = vector.broadcast %or3A_394 : i32 to vector<16xi32>
        %or3A_396 = arith.ori %or3A, %or3A_395 : vector<16xi32>
        %broadcast_in_dim3A_397 = vector.broadcast %add3A_74 : i32 to vector<16xi32>
        tpu.vector_store_idx %arg11[%broadcast_in_dim3A_397], %or3A_396 masked %eq3A_7 : memref<64xi32, #tpu.memory_space<vmem>>[vector<16xi32>], vector<16xi32>, vector<16xi1>
        %scan3A_398 = arith.constant 0 : i32
        scf.yield %scan3A_398 : i32
      }
      %scan3A_68 = arith.constant 8 : i32
      %scan3A_69 = arith.constant 0 : i32
      scf.yield %scan3A_69 : i32
    }
    %scan3A_30 = arith.constant 8 : i32
    "tpu.region"() ({
      %run_scoped3A = tpu.sem_alloc : memref<!tpu.dma_semaphore, #tpu.memory_space<semaphore_mem>>
      %dma_start3A_31 = tpu.memref_slice %arg4[%mul3A_2] : memref<2048xi32, #tpu.memory_space<hbm>> -> memref<64xi32, #tpu.memory_space<hbm>>
      %dma_start3A_32 = tpu.memref_slice %arg4[%mul3A_2] : memref<2048xi32, #tpu.memory_space<hbm>> -> memref<64xi32, #tpu.memory_space<hbm>>
      tpu.enqueue_dma source(%arg11 : memref<64xi32, #tpu.memory_space<vmem>>) target(%dma_start3A_32 : memref<64xi32, #tpu.memory_space<hbm>>) target_semaphore(%run_scoped3A : memref<!tpu.dma_semaphore, #tpu.memory_space<semaphore_mem>>)
      %dma_wait3A = tpu.memref_slice %arg4[%mul3A_2] : memref<2048xi32, #tpu.memory_space<hbm>> -> memref<64xi32, #tpu.memory_space<hbm>>
      %dma_wait3A_33 = tpu.memref_slice %arg4[%mul3A_2] : memref<2048xi32, #tpu.memory_space<hbm>> -> memref<64xi32, #tpu.memory_space<hbm>>
      tpu.wait_dma2 semaphore(%run_scoped3A : memref<!tpu.dma_semaphore, #tpu.memory_space<semaphore_mem>>) src(%arg11 : memref<64xi32, #tpu.memory_space<vmem>>) dst(%dma_wait3A_33 : memref<64xi32, #tpu.memory_space<hbm>>)
      tpu.yield
    }) : () -> ()
    return
  }
}

#map = affine_map<(d0, d1) -> (0, 0)>
#map1 = affine_map<(d0, d1) -> (0)>
module attributes {stable_mosaic.version = 14 : i64} {
  func.func @_sc_body(%arg0: i32, %arg1: i32, %arg2: memref<2048x4096xi32, #tpu.memory_space<hbm>>, %arg3: memref<2048xi32, #tpu.memory_space<hbm>>, %arg4: memref<2048xi32, #tpu.memory_space<hbm>>, %arg5: memref<2x8x4096xi32, #tpu.memory_space<vmem>>, %arg6: memref<2048xi32, #tpu.memory_space<vmem>>, %arg7: memref<1024xi32, #tpu.memory_space<vmem>>, %arg8: memref<128xi32, #tpu.memory_space<vmem>>, %arg9: memref<64xi32, #tpu.memory_space<vmem>>, %arg10: memref<64xi32, #tpu.memory_space<vmem>>, %arg11: memref<64xi32, #tpu.memory_space<vmem>>, %arg12: memref<2x!tpu.dma_semaphore, #tpu.memory_space<semaphore_mem>>) attributes {dimension_semantics = [#tpu.dimension_semantics<core_parallel>, #tpu.dimension_semantics<subcore_parallel>], iteration_bounds = array<i64: 2, 16>, scalar_prefetch = 0 : i64, scratch_operands = 8 : i64, tpu.core_type = #tpu.core_type<sc_vector_subcore>, window_params = [{transform_indices = #map}, {transform_indices = #map1}, {transform_indices = #map1}]} {
    %mul3A = arith.constant 2 : i32
    %mul3A_0 = arith.muli %arg1, %mul3A : i32
    %add3A = arith.addi %mul3A_0, %arg0 : i32
    %mul3A_1 = arith.constant 64 : i32
    %mul3A_2 = arith.muli %add3A, %mul3A_1 : i32
    "tpu.region"() ({
      %run_scoped3A = tpu.sem_alloc : memref<!tpu.dma_semaphore, #tpu.memory_space<semaphore_mem>>
      %dma_start3A_31 = tpu.memref_slice %arg3[%mul3A_2] : memref<2048xi32, #tpu.memory_space<hbm>> -> memref<64xi32, #tpu.memory_space<hbm>>
      %dma_start3A_32 = tpu.memref_slice %arg3[%mul3A_2] : memref<2048xi32, #tpu.memory_space<hbm>> -> memref<64xi32, #tpu.memory_space<hbm>>
      tpu.enqueue_dma source(%dma_start3A_32 : memref<64xi32, #tpu.memory_space<hbm>>) target(%arg10 : memref<64xi32, #tpu.memory_space<vmem>>) target_semaphore(%run_scoped3A : memref<!tpu.dma_semaphore, #tpu.memory_space<semaphore_mem>>)
      %dma_wait3A = tpu.memref_slice %arg3[%mul3A_2] : memref<2048xi32, #tpu.memory_space<hbm>> -> memref<64xi32, #tpu.memory_space<hbm>>
      %dma_wait3A_33 = tpu.memref_slice %arg3[%mul3A_2] : memref<2048xi32, #tpu.memory_space<hbm>> -> memref<64xi32, #tpu.memory_space<hbm>>
      tpu.wait_dma2 semaphore(%run_scoped3A : memref<!tpu.dma_semaphore, #tpu.memory_space<semaphore_mem>>) src(%dma_wait3A_33 : memref<64xi32, #tpu.memory_space<hbm>>) dst(%arg10 : memref<64xi32, #tpu.memory_space<vmem>>)
      tpu.yield
    }) : () -> ()
    %iota3A = tpu.iota {dimensions = array<i32: 0>} : vector<16xi32>
    %broadcast_in_dim3A = arith.constant 0 : i32
    %broadcast_in_dim3A_3 = vector.broadcast %broadcast_in_dim3A : i32 to vector<16xi32>
    %broadcast_in_dim3A_4 = arith.constant 1 : i32
    %broadcast_in_dim3A_5 = vector.broadcast %broadcast_in_dim3A_4 : i32 to vector<16xi32>
    %eq3A = arith.constant 0 : i32
    %eq3A_6 = vector.broadcast %eq3A : i32 to vector<16xi32>
    %eq3A_7 = arith.cmpi eq, %iota3A, %eq3A_6 : vector<16xi32>
    %add3A_8 = arith.constant 0 : i32
    %add3A_9 = arith.addi %mul3A_2, %add3A_8 : i32
    %dma_start3A = arith.constant 0 : i32
    %dma_start3A_10 = arith.constant 0 : i32
    %dma_start3A_11 = arith.constant 0 : i32
    %dma_start3A_12 = arith.constant 0 : i32
    %dma_start3A_13 = tpu.memref_slice %arg5[%dma_start3A, %dma_start3A_11, %dma_start3A_12] : memref<2x8x4096xi32, #tpu.memory_space<vmem>> -> memref<1x8x4096xi32, #tpu.memory_space<vmem>>
    %dma_start3A_14 = tpu.memref_squeeze %dma_start3A_13 : memref<1x8x4096xi32, #tpu.memory_space<vmem>> -> memref<8x4096xi32, #tpu.memory_space<vmem>>
    %dma_start3A_15 = arith.constant 0 : i32
    %dma_start3A_16 = tpu.memref_slice %arg2[%add3A_9, %dma_start3A_15] : memref<2048x4096xi32, #tpu.memory_space<hbm>> -> memref<8x4096xi32, #tpu.memory_space<hbm>>
    %dma_start3A_17 = tpu.memref_slice %arg12[%dma_start3A_10] : memref<2x!tpu.dma_semaphore, #tpu.memory_space<semaphore_mem>> -> memref<1x!tpu.dma_semaphore, #tpu.memory_space<semaphore_mem>>
    %dma_start3A_18 = tpu.memref_squeeze %dma_start3A_17 : memref<1x!tpu.dma_semaphore, #tpu.memory_space<semaphore_mem>> -> memref<!tpu.dma_semaphore, #tpu.memory_space<semaphore_mem>>
    %dma_start3A_19 = arith.constant 0 : i32
    %dma_start3A_20 = arith.constant 0 : i32
    %dma_start3A_21 = tpu.memref_slice %arg5[%dma_start3A, %dma_start3A_19, %dma_start3A_20] : memref<2x8x4096xi32, #tpu.memory_space<vmem>> -> memref<1x8x4096xi32, #tpu.memory_space<vmem>>
    %dma_start3A_22 = tpu.memref_squeeze %dma_start3A_21 : memref<1x8x4096xi32, #tpu.memory_space<vmem>> -> memref<8x4096xi32, #tpu.memory_space<vmem>>
    %dma_start3A_23 = arith.constant 0 : i32
    %dma_start3A_24 = tpu.memref_slice %arg2[%add3A_9, %dma_start3A_23] : memref<2048x4096xi32, #tpu.memory_space<hbm>> -> memref<8x4096xi32, #tpu.memory_space<hbm>>
    tpu.enqueue_dma source(%dma_start3A_24 : memref<8x4096xi32, #tpu.memory_space<hbm>>) target(%dma_start3A_22 : memref<8x4096xi32, #tpu.memory_space<vmem>>) target_semaphore(%dma_start3A_18 : memref<!tpu.dma_semaphore, #tpu.memory_space<semaphore_mem>>)
    %scan3A = arith.constant 0 : i32
    %scan3A_25 = arith.constant 0 : i32
    %scan3A_26 = arith.constant 8 : i32
    %scan3A_27 = arith.addi %scan3A_25, %scan3A_26 : i32
    %scan3A_28 = arith.constant 1 : i32
    %scan3A_29 = scf.for %scan3A_31 = %scan3A_25 to %scan3A_27 step %scan3A_28 iter_args(%scan3A_32 = %scan3A) -> (i32)  : i32 {
      %jit3A = arith.constant 2 : i32
      %eq3A_33 = arith.constant 0 : i32
      %eq3A_34 = arith.cmpi eq, %jit3A, %eq3A_33 : i32
      %jit3A_35 = arith.constant 1 : i32
      %select_n3A = arith.select %eq3A_34, %jit3A_35, %jit3A : i32
      %rem3A = arith.remsi %scan3A_31, %select_n3A : i32
      %ne3A = arith.constant 0 : i32
      %ne3A_36 = arith.cmpi ne, %rem3A, %ne3A : i32
      %lt3A = arith.constant 0 : i32
      %lt3A_37 = arith.cmpi slt, %rem3A, %lt3A : i32
      %lt3A_38 = arith.constant 0 : i32
      %lt3A_39 = arith.cmpi slt, %select_n3A, %lt3A_38 : i32
      %ne3A_40 = arith.xori %lt3A_37, %lt3A_39 : i1
      %and3A = arith.andi %ne3A_40, %ne3A_36 : i1
      %add3A_41 = arith.addi %rem3A, %select_n3A : i32
      %select_n3A_42 = arith.select %and3A, %add3A_41, %rem3A : i32
      %mul3A_43 = arith.constant 8 : i32
      %mul3A_44 = arith.muli %scan3A_31, %mul3A_43 : i32
      %add3A_45 = arith.addi %mul3A_2, %mul3A_44 : i32
      %dma_wait3A = arith.constant 0 : i32
      %dma_wait3A_46 = arith.constant 0 : i32
      %dma_wait3A_47 = tpu.memref_slice %arg5[%select_n3A_42, %dma_wait3A, %dma_wait3A_46] : memref<2x8x4096xi32, #tpu.memory_space<vmem>> -> memref<1x8x4096xi32, #tpu.memory_space<vmem>>
      %dma_wait3A_48 = tpu.memref_squeeze %dma_wait3A_47 : memref<1x8x4096xi32, #tpu.memory_space<vmem>> -> memref<8x4096xi32, #tpu.memory_space<vmem>>
      %dma_wait3A_49 = arith.constant 0 : i32
      %dma_wait3A_50 = tpu.memref_slice %arg2[%add3A_45, %dma_wait3A_49] : memref<2048x4096xi32, #tpu.memory_space<hbm>> -> memref<8x4096xi32, #tpu.memory_space<hbm>>
      %dma_wait3A_51 = tpu.memref_slice %arg12[%select_n3A_42] : memref<2x!tpu.dma_semaphore, #tpu.memory_space<semaphore_mem>> -> memref<1x!tpu.dma_semaphore, #tpu.memory_space<semaphore_mem>>
      %dma_wait3A_52 = tpu.memref_squeeze %dma_wait3A_51 : memref<1x!tpu.dma_semaphore, #tpu.memory_space<semaphore_mem>> -> memref<!tpu.dma_semaphore, #tpu.memory_space<semaphore_mem>>
      %dma_wait3A_53 = arith.constant 0 : i32
      %dma_wait3A_54 = arith.constant 0 : i32
      %dma_wait3A_55 = tpu.memref_slice %arg5[%select_n3A_42, %dma_wait3A_53, %dma_wait3A_54] : memref<2x8x4096xi32, #tpu.memory_space<vmem>> -> memref<1x8x4096xi32, #tpu.memory_space<vmem>>
      %dma_wait3A_56 = tpu.memref_squeeze %dma_wait3A_55 : memref<1x8x4096xi32, #tpu.memory_space<vmem>> -> memref<8x4096xi32, #tpu.memory_space<vmem>>
      %dma_wait3A_57 = arith.constant 0 : i32
      %dma_wait3A_58 = tpu.memref_slice %arg2[%add3A_45, %dma_wait3A_57] : memref<2048x4096xi32, #tpu.memory_space<hbm>> -> memref<8x4096xi32, #tpu.memory_space<hbm>>
      tpu.wait_dma2 semaphore(%dma_wait3A_52 : memref<!tpu.dma_semaphore, #tpu.memory_space<semaphore_mem>>) src(%dma_wait3A_58 : memref<8x4096xi32, #tpu.memory_space<hbm>>) dst(%dma_wait3A_56 : memref<8x4096xi32, #tpu.memory_space<vmem>>)
      %lt3A_59 = arith.constant 7 : i32
      %lt3A_60 = arith.cmpi slt, %scan3A_31, %lt3A_59 : i32
      %convert_element_type3A = arith.extui %lt3A_60 : i1 to i32
      %cond3A = arith.constant 0 : i32
      %cond3A_61 = arith.cmpi ne, %convert_element_type3A, %cond3A : i32
      scf.if %cond3A_61 {
        %add3A_70 = arith.constant 1 : i32
        %add3A_71 = arith.addi %scan3A_31, %add3A_70 : i32
        %sub3A = arith.constant 1 : i32
        %sub3A_72 = arith.subi %sub3A, %select_n3A_42 : i32
        %mul3A_73 = arith.constant 8 : i32
        %mul3A_74 = arith.muli %add3A_71, %mul3A_73 : i32
        %add3A_75 = arith.addi %mul3A_2, %mul3A_74 : i32
        %dma_start3A_76 = arith.constant 0 : i32
        %dma_start3A_77 = arith.constant 0 : i32
        %dma_start3A_78 = tpu.memref_slice %arg5[%sub3A_72, %dma_start3A_76, %dma_start3A_77] : memref<2x8x4096xi32, #tpu.memory_space<vmem>> -> memref<1x8x4096xi32, #tpu.memory_space<vmem>>
        %dma_start3A_79 = tpu.memref_squeeze %dma_start3A_78 : memref<1x8x4096xi32, #tpu.memory_space<vmem>> -> memref<8x4096xi32, #tpu.memory_space<vmem>>
        %dma_start3A_80 = arith.constant 0 : i32
        %dma_start3A_81 = tpu.memref_slice %arg2[%add3A_75, %dma_start3A_80] : memref<2048x4096xi32, #tpu.memory_space<hbm>> -> memref<8x4096xi32, #tpu.memory_space<hbm>>
        %dma_start3A_82 = tpu.memref_slice %arg12[%sub3A_72] : memref<2x!tpu.dma_semaphore, #tpu.memory_space<semaphore_mem>> -> memref<1x!tpu.dma_semaphore, #tpu.memory_space<semaphore_mem>>
        %dma_start3A_83 = tpu.memref_squeeze %dma_start3A_82 : memref<1x!tpu.dma_semaphore, #tpu.memory_space<semaphore_mem>> -> memref<!tpu.dma_semaphore, #tpu.memory_space<semaphore_mem>>
        %dma_start3A_84 = arith.constant 0 : i32
        %dma_start3A_85 = arith.constant 0 : i32
        %dma_start3A_86 = tpu.memref_slice %arg5[%sub3A_72, %dma_start3A_84, %dma_start3A_85] : memref<2x8x4096xi32, #tpu.memory_space<vmem>> -> memref<1x8x4096xi32, #tpu.memory_space<vmem>>
        %dma_start3A_87 = tpu.memref_squeeze %dma_start3A_86 : memref<1x8x4096xi32, #tpu.memory_space<vmem>> -> memref<8x4096xi32, #tpu.memory_space<vmem>>
        %dma_start3A_88 = arith.constant 0 : i32
        %dma_start3A_89 = tpu.memref_slice %arg2[%add3A_75, %dma_start3A_88] : memref<2048x4096xi32, #tpu.memory_space<hbm>> -> memref<8x4096xi32, #tpu.memory_space<hbm>>
        tpu.enqueue_dma source(%dma_start3A_89 : memref<8x4096xi32, #tpu.memory_space<hbm>>) target(%dma_start3A_87 : memref<8x4096xi32, #tpu.memory_space<vmem>>) target_semaphore(%dma_start3A_83 : memref<!tpu.dma_semaphore, #tpu.memory_space<semaphore_mem>>)
      } else {
      }
      %scan3A_62 = arith.constant 0 : i32
      %scan3A_63 = arith.constant 0 : i32
      %scan3A_64 = arith.constant 8 : i32
      %scan3A_65 = arith.addi %scan3A_63, %scan3A_64 : i32
      %scan3A_66 = arith.constant 1 : i32
      %scan3A_67 = scf.for %scan3A_70 = %scan3A_63 to %scan3A_65 step %scan3A_66 iter_args(%scan3A_71 = %scan3A_62) -> (i32)  : i32 {
        %mul3A_72 = arith.constant 8 : i32
        %mul3A_73 = arith.muli %scan3A_31, %mul3A_72 : i32
        %add3A_74 = arith.addi %mul3A_73, %scan3A_70 : i32
        %parallel_loop3A = arith.constant 0 : i32
        %parallel_loop3A_75 = arith.constant 2048 : i32
        %parallel_loop3A_76 = arith.constant 16 : i32
        scf.for %parallel_loop3A_399 = %parallel_loop3A to %parallel_loop3A_75 step %parallel_loop3A_76  : i32 {
          %parallel_loop3A_400 = arith.index_cast %parallel_loop3A_399 : i32 to index
          %parallel_loop3A_401 = tpu.vector_load %arg6[%parallel_loop3A_400] {strides = array<i32>} : memref<2048xi32, #tpu.memory_space<vmem>>, vector<16xi32>,
          tpu.vector_store %arg6[%parallel_loop3A_400], %broadcast_in_dim3A_3 {strides = array<i32>} : memref<2048xi32, #tpu.memory_space<vmem>>, vector<16xi32>,
        } {sc.loop_unroll_factor = 8 : i64, sc.parallel_access}
        %parallel_loop3A_77 = arith.constant 0 : i32
        %parallel_loop3A_78 = arith.constant 1024 : i32
        %parallel_loop3A_79 = arith.constant 16 : i32
        scf.for %parallel_loop3A_399 = %parallel_loop3A_77 to %parallel_loop3A_78 step %parallel_loop3A_79  : i32 {
          %parallel_loop3A_400 = arith.index_cast %parallel_loop3A_399 : i32 to index
          %parallel_loop3A_401 = tpu.vector_load %arg7[%parallel_loop3A_400] {strides = array<i32>} : memref<1024xi32, #tpu.memory_space<vmem>>, vector<16xi32>,
          tpu.vector_store %arg7[%parallel_loop3A_400], %broadcast_in_dim3A_3 {strides = array<i32>} : memref<1024xi32, #tpu.memory_space<vmem>>, vector<16xi32>,
        } {sc.loop_unroll_factor = 8 : i64, sc.parallel_access}
        %swap3A = arith.constant 0 : index
        %swap3A_80 = tpu.vector_load %arg8[%swap3A] {strides = array<i32>} : memref<128xi32, #tpu.memory_space<vmem>>, vector<16xi32>,
        tpu.vector_store %arg8[%swap3A], %broadcast_in_dim3A_3 {strides = array<i32>} : memref<128xi32, #tpu.memory_space<vmem>>, vector<16xi32>,
        %swap3A_81 = arith.constant 16 : index
        %swap3A_82 = tpu.vector_load %arg8[%swap3A_81] {strides = array<i32>} : memref<128xi32, #tpu.memory_space<vmem>>, vector<16xi32>,
        tpu.vector_store %arg8[%swap3A_81], %broadcast_in_dim3A_3 {strides = array<i32>} : memref<128xi32, #tpu.memory_space<vmem>>, vector<16xi32>,
        %swap3A_83 = arith.constant 32 : index
        %swap3A_84 = tpu.vector_load %arg8[%swap3A_83] {strides = array<i32>} : memref<128xi32, #tpu.memory_space<vmem>>, vector<16xi32>,
        tpu.vector_store %arg8[%swap3A_83], %broadcast_in_dim3A_3 {strides = array<i32>} : memref<128xi32, #tpu.memory_space<vmem>>, vector<16xi32>,
        %swap3A_85 = arith.constant 48 : index
        %swap3A_86 = tpu.vector_load %arg8[%swap3A_85] {strides = array<i32>} : memref<128xi32, #tpu.memory_space<vmem>>, vector<16xi32>,
        tpu.vector_store %arg8[%swap3A_85], %broadcast_in_dim3A_3 {strides = array<i32>} : memref<128xi32, #tpu.memory_space<vmem>>, vector<16xi32>,
        %swap3A_87 = arith.constant 64 : index
        %swap3A_88 = tpu.vector_load %arg8[%swap3A_87] {strides = array<i32>} : memref<128xi32, #tpu.memory_space<vmem>>, vector<16xi32>,
        tpu.vector_store %arg8[%swap3A_87], %broadcast_in_dim3A_3 {strides = array<i32>} : memref<128xi32, #tpu.memory_space<vmem>>, vector<16xi32>,
        %swap3A_89 = arith.constant 80 : index
        %swap3A_90 = tpu.vector_load %arg8[%swap3A_89] {strides = array<i32>} : memref<128xi32, #tpu.memory_space<vmem>>, vector<16xi32>,
        tpu.vector_store %arg8[%swap3A_89], %broadcast_in_dim3A_3 {strides = array<i32>} : memref<128xi32, #tpu.memory_space<vmem>>, vector<16xi32>,
        %swap3A_91 = arith.constant 96 : index
        %swap3A_92 = tpu.vector_load %arg8[%swap3A_91] {strides = array<i32>} : memref<128xi32, #tpu.memory_space<vmem>>, vector<16xi32>,
        tpu.vector_store %arg8[%swap3A_91], %broadcast_in_dim3A_3 {strides = array<i32>} : memref<128xi32, #tpu.memory_space<vmem>>, vector<16xi32>,
        %swap3A_93 = arith.constant 112 : index
        %swap3A_94 = tpu.vector_load %arg8[%swap3A_93] {strides = array<i32>} : memref<128xi32, #tpu.memory_space<vmem>>, vector<16xi32>,
        tpu.vector_store %arg8[%swap3A_93], %broadcast_in_dim3A_3 {strides = array<i32>} : memref<128xi32, #tpu.memory_space<vmem>>, vector<16xi32>,
        %swap3A_95 = arith.constant 0 : index
        %swap3A_96 = tpu.vector_load %arg9[%swap3A_95] {strides = array<i32>} : memref<64xi32, #tpu.memory_space<vmem>>, vector<16xi32>,
        tpu.vector_store %arg9[%swap3A_95], %broadcast_in_dim3A_3 {strides = array<i32>} : memref<64xi32, #tpu.memory_space<vmem>>, vector<16xi32>,
        %swap3A_97 = arith.constant 16 : index
        %swap3A_98 = tpu.vector_load %arg9[%swap3A_97] {strides = array<i32>} : memref<64xi32, #tpu.memory_space<vmem>>, vector<16xi32>,
        tpu.vector_store %arg9[%swap3A_97], %broadcast_in_dim3A_3 {strides = array<i32>} : memref<64xi32, #tpu.memory_space<vmem>>, vector<16xi32>,
        %swap3A_99 = arith.constant 32 : index
        %swap3A_100 = tpu.vector_load %arg9[%swap3A_99] {strides = array<i32>} : memref<64xi32, #tpu.memory_space<vmem>>, vector<16xi32>,
        tpu.vector_store %arg9[%swap3A_99], %broadcast_in_dim3A_3 {strides = array<i32>} : memref<64xi32, #tpu.memory_space<vmem>>, vector<16xi32>,
        %swap3A_101 = arith.constant 48 : index
        %swap3A_102 = tpu.vector_load %arg9[%swap3A_101] {strides = array<i32>} : memref<64xi32, #tpu.memory_space<vmem>>, vector<16xi32>,
        tpu.vector_store %arg9[%swap3A_101], %broadcast_in_dim3A_3 {strides = array<i32>} : memref<64xi32, #tpu.memory_space<vmem>>, vector<16xi32>,
        %broadcast_in_dim3A_103 = vector.broadcast %add3A_74 : i32 to vector<16xi32>
        %gather3A = tpu.vector_load_idx %arg10[%broadcast_in_dim3A_103] : memref<64xi32, #tpu.memory_space<vmem>>[vector<16xi32>], vector<16xi32>,
        %parallel_loop3A_104 = arith.constant 0 : i32
        %parallel_loop3A_105 = arith.constant 4096 : i32
        %parallel_loop3A_106 = arith.constant 16 : i32
        scf.for %parallel_loop3A_399 = %parallel_loop3A_104 to %parallel_loop3A_105 step %parallel_loop3A_106  : i32 {
          %parallel_loop3A_400 = arith.index_cast %select_n3A_42 : i32 to index
          %parallel_loop3A_401 = arith.index_cast %scan3A_70 : i32 to index
          %parallel_loop3A_402 = arith.index_cast %parallel_loop3A_399 : i32 to index
          %parallel_loop3A_403 = tpu.vector_load %arg5[%parallel_loop3A_400, %parallel_loop3A_401, %parallel_loop3A_402] {strides = array<i32>} : memref<2x8x4096xi32, #tpu.memory_space<vmem>>, vector<16xi32>,
          %parallel_loop3A_404 = arith.constant 20 : i32
          %parallel_loop3A_405 = vector.broadcast %parallel_loop3A_404 : i32 to vector<16xi32>
          %parallel_loop3A_406 = arith.shrsi %parallel_loop3A_403, %parallel_loop3A_405 : vector<16xi32>
          %parallel_loop3A_407 = arith.constant 2047 : i32
          %parallel_loop3A_408 = vector.broadcast %parallel_loop3A_407 : i32 to vector<16xi32>
          %parallel_loop3A_409 = arith.andi %parallel_loop3A_406, %parallel_loop3A_408 : vector<16xi32>
          tpu.vector_store_idx %arg6[%parallel_loop3A_409], %broadcast_in_dim3A_5 {add = true} : memref<2048xi32, #tpu.memory_space<vmem>>[vector<16xi32>], vector<16xi32>,
          %parallel_loop3A_410 = arith.constant 4 : i32
          %parallel_loop3A_411 = vector.broadcast %parallel_loop3A_410 : i32 to vector<16xi32>
          %parallel_loop3A_412 = arith.shrsi %parallel_loop3A_409, %parallel_loop3A_411 : vector<16xi32>
          %parallel_loop3A_413 = arith.constant true
          %parallel_loop3A_414 = vector.broadcast %parallel_loop3A_413 : i1 to vector<16xi1>
          %parallel_loop3A_415, %parallel_loop3A_416 = tpu.scan_count mask(%parallel_loop3A_414 : vector<16xi1>) value(%parallel_loop3A_412 : vector<16xi32>) : vector<16xi1>, vector<16xi32>
          %parallel_loop3A_417 = arith.constant 4 : i32
          %parallel_loop3A_418 = vector.broadcast %parallel_loop3A_417 : i32 to vector<16xi32>
          %parallel_loop3A_419 = arith.shrsi %parallel_loop3A_409, %parallel_loop3A_418 : vector<16xi32>
          tpu.vector_store_idx %arg8[%parallel_loop3A_419], %parallel_loop3A_416 masked %parallel_loop3A_415 {add = true} : memref<128xi32, #tpu.memory_space<vmem>>[vector<16xi32>], vector<16xi32>, vector<16xi1>
        } {sc.loop_unroll_factor = 8 : i64, sc.parallel_access}
        %get3A = arith.constant 0 : index
        %get3A_107 = tpu.vector_load %arg8[%get3A] {strides = array<i32>} : memref<128xi32, #tpu.memory_space<vmem>>, vector<16xi32>,
        %broadcast_in_dim3A_108 = arith.constant true
        %broadcast_in_dim3A_109 = vector.broadcast %broadcast_in_dim3A_108 : i1 to vector<16xi1>
        %masked_cumsum3A = tpu.scan <sum>, %get3A_107 masked %broadcast_in_dim3A_109 : vector<16xi32>, vector<16xi1> -> vector<16xi32>
        %get3A_110 = arith.constant 16 : index
        %get3A_111 = tpu.vector_load %arg8[%get3A_110] {strides = array<i32>} : memref<128xi32, #tpu.memory_space<vmem>>, vector<16xi32>,
        %broadcast_in_dim3A_112 = arith.constant true
        %broadcast_in_dim3A_113 = vector.broadcast %broadcast_in_dim3A_112 : i1 to vector<16xi1>
        %masked_cumsum3A_114 = tpu.scan <sum>, %get3A_111 masked %broadcast_in_dim3A_113 : vector<16xi32>, vector<16xi1> -> vector<16xi32>
        %get3A_115 = arith.constant 32 : index
        %get3A_116 = tpu.vector_load %arg8[%get3A_115] {strides = array<i32>} : memref<128xi32, #tpu.memory_space<vmem>>, vector<16xi32>,
        %broadcast_in_dim3A_117 = arith.constant true
        %broadcast_in_dim3A_118 = vector.broadcast %broadcast_in_dim3A_117 : i1 to vector<16xi1>
        %masked_cumsum3A_119 = tpu.scan <sum>, %get3A_116 masked %broadcast_in_dim3A_118 : vector<16xi32>, vector<16xi1> -> vector<16xi32>
        %get3A_120 = arith.constant 48 : index
        %get3A_121 = tpu.vector_load %arg8[%get3A_120] {strides = array<i32>} : memref<128xi32, #tpu.memory_space<vmem>>, vector<16xi32>,
        %broadcast_in_dim3A_122 = arith.constant true
        %broadcast_in_dim3A_123 = vector.broadcast %broadcast_in_dim3A_122 : i1 to vector<16xi1>
        %masked_cumsum3A_124 = tpu.scan <sum>, %get3A_121 masked %broadcast_in_dim3A_123 : vector<16xi32>, vector<16xi1> -> vector<16xi32>
        %get3A_125 = arith.constant 64 : index
        %get3A_126 = tpu.vector_load %arg8[%get3A_125] {strides = array<i32>} : memref<128xi32, #tpu.memory_space<vmem>>, vector<16xi32>,
        %broadcast_in_dim3A_127 = arith.constant true
        %broadcast_in_dim3A_128 = vector.broadcast %broadcast_in_dim3A_127 : i1 to vector<16xi1>
        %masked_cumsum3A_129 = tpu.scan <sum>, %get3A_126 masked %broadcast_in_dim3A_128 : vector<16xi32>, vector<16xi1> -> vector<16xi32>
        %get3A_130 = arith.constant 80 : index
        %get3A_131 = tpu.vector_load %arg8[%get3A_130] {strides = array<i32>} : memref<128xi32, #tpu.memory_space<vmem>>, vector<16xi32>,
        %broadcast_in_dim3A_132 = arith.constant true
        %broadcast_in_dim3A_133 = vector.broadcast %broadcast_in_dim3A_132 : i1 to vector<16xi1>
        %masked_cumsum3A_134 = tpu.scan <sum>, %get3A_131 masked %broadcast_in_dim3A_133 : vector<16xi32>, vector<16xi1> -> vector<16xi32>
        %get3A_135 = arith.constant 96 : index
        %get3A_136 = tpu.vector_load %arg8[%get3A_135] {strides = array<i32>} : memref<128xi32, #tpu.memory_space<vmem>>, vector<16xi32>,
        %broadcast_in_dim3A_137 = arith.constant true
        %broadcast_in_dim3A_138 = vector.broadcast %broadcast_in_dim3A_137 : i1 to vector<16xi1>
        %masked_cumsum3A_139 = tpu.scan <sum>, %get3A_136 masked %broadcast_in_dim3A_138 : vector<16xi32>, vector<16xi1> -> vector<16xi32>
        %get3A_140 = arith.constant 112 : index
        %get3A_141 = tpu.vector_load %arg8[%get3A_140] {strides = array<i32>} : memref<128xi32, #tpu.memory_space<vmem>>, vector<16xi32>,
        %broadcast_in_dim3A_142 = arith.constant true
        %broadcast_in_dim3A_143 = vector.broadcast %broadcast_in_dim3A_142 : i1 to vector<16xi1>
        %masked_cumsum3A_144 = tpu.scan <sum>, %get3A_141 masked %broadcast_in_dim3A_143 : vector<16xi32>, vector<16xi1> -> vector<16xi32>
        %add3A_145 = arith.addi %broadcast_in_dim3A_3, %masked_cumsum3A : vector<16xi32>
        %le3A = arith.cmpi sle, %add3A_145, %gather3A : vector<16xi32>
        %all_reduce_population_count3A = tpu.all_reduce %le3A {dim = 0 : i64, kind = #tpu.reduction_kind<sum>} : vector<16xi1> -> vector<16xi32>
        %add3A_146 = arith.addi %broadcast_in_dim3A_3, %all_reduce_population_count3A : vector<16xi32>
        %jit3A_147 = arith.constant 0 : i32
        %broadcast_in_dim3A_148 = vector.broadcast %jit3A_147 : i32 to vector<16xi32>
        %select_n3A_149 = arith.select %le3A, %add3A_145, %broadcast_in_dim3A_148 : vector<16xi1>, vector<16xi32>
        %max3A = arith.maxsi %broadcast_in_dim3A_3, %select_n3A_149 : vector<16xi32>
        %broadcast_in_dim3A_150 = arith.constant 15 : i32
        %broadcast_in_dim3A_151 = vector.broadcast %broadcast_in_dim3A_150 : i32 to vector<16xi32>
        %broadcast_in_dim3A_152 = vector.shape_cast %broadcast_in_dim3A_151 : vector<16xi32> to vector<16x1xi32>
        %gather3A_153 = vector.shape_cast %broadcast_in_dim3A_152 : vector<16x1xi32> to vector<16xi32>
        %gather3A_154 = tpu.dynamic_gather %add3A_145[%gather3A_153] in [0] : vector<16xi32>, vector<16xi32> -> vector<16xi32>
        %add3A_155 = arith.addi %gather3A_154, %masked_cumsum3A_114 : vector<16xi32>
        %le3A_156 = arith.cmpi sle, %add3A_155, %gather3A : vector<16xi32>
        %all_reduce_population_count3A_157 = tpu.all_reduce %le3A_156 {dim = 0 : i64, kind = #tpu.reduction_kind<sum>} : vector<16xi1> -> vector<16xi32>
        %add3A_158 = arith.addi %add3A_146, %all_reduce_population_count3A_157 : vector<16xi32>
        %jit3A_159 = arith.constant 0 : i32
        %broadcast_in_dim3A_160 = vector.broadcast %jit3A_159 : i32 to vector<16xi32>
        %select_n3A_161 = arith.select %le3A_156, %add3A_155, %broadcast_in_dim3A_160 : vector<16xi1>, vector<16xi32>
        %max3A_162 = arith.maxsi %max3A, %select_n3A_161 : vector<16xi32>
        %broadcast_in_dim3A_163 = arith.constant 15 : i32
        %broadcast_in_dim3A_164 = vector.broadcast %broadcast_in_dim3A_163 : i32 to vector<16xi32>
        %broadcast_in_dim3A_165 = vector.shape_cast %broadcast_in_dim3A_164 : vector<16xi32> to vector<16x1xi32>
        %gather3A_166 = vector.shape_cast %broadcast_in_dim3A_165 : vector<16x1xi32> to vector<16xi32>
        %gather3A_167 = tpu.dynamic_gather %add3A_155[%gather3A_166] in [0] : vector<16xi32>, vector<16xi32> -> vector<16xi32>
        %add3A_168 = arith.addi %gather3A_167, %masked_cumsum3A_119 : vector<16xi32>
        %le3A_169 = arith.cmpi sle, %add3A_168, %gather3A : vector<16xi32>
        %all_reduce_population_count3A_170 = tpu.all_reduce %le3A_169 {dim = 0 : i64, kind = #tpu.reduction_kind<sum>} : vector<16xi1> -> vector<16xi32>
        %add3A_171 = arith.addi %add3A_158, %all_reduce_population_count3A_170 : vector<16xi32>
        %jit3A_172 = arith.constant 0 : i32
        %broadcast_in_dim3A_173 = vector.broadcast %jit3A_172 : i32 to vector<16xi32>
        %select_n3A_174 = arith.select %le3A_169, %add3A_168, %broadcast_in_dim3A_173 : vector<16xi1>, vector<16xi32>
        %max3A_175 = arith.maxsi %max3A_162, %select_n3A_174 : vector<16xi32>
        %broadcast_in_dim3A_176 = arith.constant 15 : i32
        %broadcast_in_dim3A_177 = vector.broadcast %broadcast_in_dim3A_176 : i32 to vector<16xi32>
        %broadcast_in_dim3A_178 = vector.shape_cast %broadcast_in_dim3A_177 : vector<16xi32> to vector<16x1xi32>
        %gather3A_179 = vector.shape_cast %broadcast_in_dim3A_178 : vector<16x1xi32> to vector<16xi32>
        %gather3A_180 = tpu.dynamic_gather %add3A_168[%gather3A_179] in [0] : vector<16xi32>, vector<16xi32> -> vector<16xi32>
        %add3A_181 = arith.addi %gather3A_180, %masked_cumsum3A_124 : vector<16xi32>
        %le3A_182 = arith.cmpi sle, %add3A_181, %gather3A : vector<16xi32>
        %all_reduce_population_count3A_183 = tpu.all_reduce %le3A_182 {dim = 0 : i64, kind = #tpu.reduction_kind<sum>} : vector<16xi1> -> vector<16xi32>
        %add3A_184 = arith.addi %add3A_171, %all_reduce_population_count3A_183 : vector<16xi32>
        %jit3A_185 = arith.constant 0 : i32
        %broadcast_in_dim3A_186 = vector.broadcast %jit3A_185 : i32 to vector<16xi32>
        %select_n3A_187 = arith.select %le3A_182, %add3A_181, %broadcast_in_dim3A_186 : vector<16xi1>, vector<16xi32>
        %max3A_188 = arith.maxsi %max3A_175, %select_n3A_187 : vector<16xi32>
        %broadcast_in_dim3A_189 = arith.constant 15 : i32
        %broadcast_in_dim3A_190 = vector.broadcast %broadcast_in_dim3A_189 : i32 to vector<16xi32>
        %broadcast_in_dim3A_191 = vector.shape_cast %broadcast_in_dim3A_190 : vector<16xi32> to vector<16x1xi32>
        %gather3A_192 = vector.shape_cast %broadcast_in_dim3A_191 : vector<16x1xi32> to vector<16xi32>
        %gather3A_193 = tpu.dynamic_gather %add3A_181[%gather3A_192] in [0] : vector<16xi32>, vector<16xi32> -> vector<16xi32>
        %add3A_194 = arith.addi %gather3A_193, %masked_cumsum3A_129 : vector<16xi32>
        %le3A_195 = arith.cmpi sle, %add3A_194, %gather3A : vector<16xi32>
        %all_reduce_population_count3A_196 = tpu.all_reduce %le3A_195 {dim = 0 : i64, kind = #tpu.reduction_kind<sum>} : vector<16xi1> -> vector<16xi32>
        %add3A_197 = arith.addi %add3A_184, %all_reduce_population_count3A_196 : vector<16xi32>
        %jit3A_198 = arith.constant 0 : i32
        %broadcast_in_dim3A_199 = vector.broadcast %jit3A_198 : i32 to vector<16xi32>
        %select_n3A_200 = arith.select %le3A_195, %add3A_194, %broadcast_in_dim3A_199 : vector<16xi1>, vector<16xi32>
        %max3A_201 = arith.maxsi %max3A_188, %select_n3A_200 : vector<16xi32>
        %broadcast_in_dim3A_202 = arith.constant 15 : i32
        %broadcast_in_dim3A_203 = vector.broadcast %broadcast_in_dim3A_202 : i32 to vector<16xi32>
        %broadcast_in_dim3A_204 = vector.shape_cast %broadcast_in_dim3A_203 : vector<16xi32> to vector<16x1xi32>
        %gather3A_205 = vector.shape_cast %broadcast_in_dim3A_204 : vector<16x1xi32> to vector<16xi32>
        %gather3A_206 = tpu.dynamic_gather %add3A_194[%gather3A_205] in [0] : vector<16xi32>, vector<16xi32> -> vector<16xi32>
        %add3A_207 = arith.addi %gather3A_206, %masked_cumsum3A_134 : vector<16xi32>
        %le3A_208 = arith.cmpi sle, %add3A_207, %gather3A : vector<16xi32>
        %all_reduce_population_count3A_209 = tpu.all_reduce %le3A_208 {dim = 0 : i64, kind = #tpu.reduction_kind<sum>} : vector<16xi1> -> vector<16xi32>
        %add3A_210 = arith.addi %add3A_197, %all_reduce_population_count3A_209 : vector<16xi32>
        %jit3A_211 = arith.constant 0 : i32
        %broadcast_in_dim3A_212 = vector.broadcast %jit3A_211 : i32 to vector<16xi32>
        %select_n3A_213 = arith.select %le3A_208, %add3A_207, %broadcast_in_dim3A_212 : vector<16xi1>, vector<16xi32>
        %max3A_214 = arith.maxsi %max3A_201, %select_n3A_213 : vector<16xi32>
        %broadcast_in_dim3A_215 = arith.constant 15 : i32
        %broadcast_in_dim3A_216 = vector.broadcast %broadcast_in_dim3A_215 : i32 to vector<16xi32>
        %broadcast_in_dim3A_217 = vector.shape_cast %broadcast_in_dim3A_216 : vector<16xi32> to vector<16x1xi32>
        %gather3A_218 = vector.shape_cast %broadcast_in_dim3A_217 : vector<16x1xi32> to vector<16xi32>
        %gather3A_219 = tpu.dynamic_gather %add3A_207[%gather3A_218] in [0] : vector<16xi32>, vector<16xi32> -> vector<16xi32>
        %add3A_220 = arith.addi %gather3A_219, %masked_cumsum3A_139 : vector<16xi32>
        %le3A_221 = arith.cmpi sle, %add3A_220, %gather3A : vector<16xi32>
        %all_reduce_population_count3A_222 = tpu.all_reduce %le3A_221 {dim = 0 : i64, kind = #tpu.reduction_kind<sum>} : vector<16xi1> -> vector<16xi32>
        %add3A_223 = arith.addi %add3A_210, %all_reduce_population_count3A_222 : vector<16xi32>
        %jit3A_224 = arith.constant 0 : i32
        %broadcast_in_dim3A_225 = vector.broadcast %jit3A_224 : i32 to vector<16xi32>
        %select_n3A_226 = arith.select %le3A_221, %add3A_220, %broadcast_in_dim3A_225 : vector<16xi1>, vector<16xi32>
        %max3A_227 = arith.maxsi %max3A_214, %select_n3A_226 : vector<16xi32>
        %broadcast_in_dim3A_228 = arith.constant 15 : i32
        %broadcast_in_dim3A_229 = vector.broadcast %broadcast_in_dim3A_228 : i32 to vector<16xi32>
        %broadcast_in_dim3A_230 = vector.shape_cast %broadcast_in_dim3A_229 : vector<16xi32> to vector<16x1xi32>
        %gather3A_231 = vector.shape_cast %broadcast_in_dim3A_230 : vector<16x1xi32> to vector<16xi32>
        %gather3A_232 = tpu.dynamic_gather %add3A_220[%gather3A_231] in [0] : vector<16xi32>, vector<16xi32> -> vector<16xi32>
        %add3A_233 = arith.addi %gather3A_232, %masked_cumsum3A_144 : vector<16xi32>
        %le3A_234 = arith.cmpi sle, %add3A_233, %gather3A : vector<16xi32>
        %all_reduce_population_count3A_235 = tpu.all_reduce %le3A_234 {dim = 0 : i64, kind = #tpu.reduction_kind<sum>} : vector<16xi1> -> vector<16xi32>
        %add3A_236 = arith.addi %add3A_223, %all_reduce_population_count3A_235 : vector<16xi32>
        %jit3A_237 = arith.constant 0 : i32
        %broadcast_in_dim3A_238 = vector.broadcast %jit3A_237 : i32 to vector<16xi32>
        %select_n3A_239 = arith.select %le3A_234, %add3A_233, %broadcast_in_dim3A_238 : vector<16xi1>, vector<16xi32>
        %max3A_240 = arith.maxsi %max3A_227, %select_n3A_239 : vector<16xi32>
        %reduce_max3A = arith.constant true
        %reduce_max3A_241 = vector.broadcast %reduce_max3A : i1 to vector<16xi1>
        %reduce_max3A_242 = arith.constant -2147483648 : i32
        %reduce_max3A_243 = vector.broadcast %reduce_max3A_242 : i32 to vector<16xi32>
        %reduce_max3A_244 = arith.xori %max3A_240, %reduce_max3A_243 : vector<16xi32>
        %reduce_max3A_245 = tpu.scan <max>, %reduce_max3A_244 masked %reduce_max3A_241 : vector<16xi32>, vector<16xi1> -> vector<16xi32>
        %reduce_max3A_246 = arith.xori %reduce_max3A_245, %reduce_max3A_243 : vector<16xi32>
        %reduce_max3A_247 = vector.extract %reduce_max3A_246[15] : i32 from vector<16xi32>
        %broadcast_in_dim3A_248 = vector.broadcast %reduce_max3A_247 : i32 to vector<16xi32>
        %sub3A = arith.subi %gather3A, %broadcast_in_dim3A_248 : vector<16xi32>
        %mul3A_249 = arith.constant 16 : i32
        %mul3A_250 = vector.broadcast %mul3A_249 : i32 to vector<16xi32>
        %mul3A_251 = arith.muli %add3A_236, %mul3A_250 : vector<16xi32>
        %add3A_252 = arith.addi %mul3A_251, %iota3A : vector<16xi32>
        %gather3A_253 = tpu.vector_load_idx %arg6[%add3A_252] : memref<2048xi32, #tpu.memory_space<vmem>>[vector<16xi32>], vector<16xi32>,
        %broadcast_in_dim3A_254 = arith.constant true
        %broadcast_in_dim3A_255 = vector.broadcast %broadcast_in_dim3A_254 : i1 to vector<16xi1>
        %masked_cumsum3A_256 = tpu.scan <sum>, %gather3A_253 masked %broadcast_in_dim3A_255 : vector<16xi32>, vector<16xi1> -> vector<16xi32>
        %le3A_257 = arith.cmpi sle, %masked_cumsum3A_256, %sub3A : vector<16xi32>
        %all_reduce_population_count3A_258 = tpu.all_reduce %le3A_257 {dim = 0 : i64, kind = #tpu.reduction_kind<sum>} : vector<16xi1> -> vector<16xi32>
        %eq3A_259 = arith.constant 0 : i32
        %eq3A_260 = vector.broadcast %eq3A_259 : i32 to vector<16xi32>
        %eq3A_261 = arith.cmpi eq, %all_reduce_population_count3A_258, %eq3A_260 : vector<16xi32>
        %sub3A_262 = arith.constant 1 : i32
        %sub3A_263 = vector.broadcast %sub3A_262 : i32 to vector<16xi32>
        %sub3A_264 = arith.subi %all_reduce_population_count3A_258, %sub3A_263 : vector<16xi32>
        %max3A_265 = arith.constant 0 : i32
        %max3A_266 = vector.broadcast %max3A_265 : i32 to vector<16xi32>
        %max3A_267 = arith.maxsi %sub3A_264, %max3A_266 : vector<16xi32>
        %broadcast_in_dim3A_268 = vector.shape_cast %max3A_267 : vector<16xi32> to vector<16x1xi32>
        %gather3A_269 = vector.shape_cast %broadcast_in_dim3A_268 : vector<16x1xi32> to vector<16xi32>
        %gather3A_270 = tpu.dynamic_gather %masked_cumsum3A_256[%gather3A_269] in [0] : vector<16xi32>, vector<16xi32> -> vector<16xi32>
        %jit3A_271 = arith.constant 0 : i32
        %broadcast_in_dim3A_272 = vector.broadcast %jit3A_271 : i32 to vector<16xi32>
        %select_n3A_273 = arith.select %eq3A_261, %broadcast_in_dim3A_272, %gather3A_270 : vector<16xi1>, vector<16xi32>
        %mul3A_274 = arith.constant 16 : i32
        %mul3A_275 = vector.broadcast %mul3A_274 : i32 to vector<16xi32>
        %mul3A_276 = arith.muli %add3A_236, %mul3A_275 : vector<16xi32>
        %add3A_277 = arith.addi %mul3A_276, %all_reduce_population_count3A_258 : vector<16xi32>
        %sub3A_278 = arith.subi %sub3A, %select_n3A_273 : vector<16xi32>
        %parallel_loop3A_279 = arith.constant 0 : i32
        %parallel_loop3A_280 = arith.constant 4096 : i32
        %parallel_loop3A_281 = arith.constant 16 : i32
        scf.for %parallel_loop3A_399 = %parallel_loop3A_279 to %parallel_loop3A_280 step %parallel_loop3A_281  : i32 {
          %parallel_loop3A_400 = arith.index_cast %select_n3A_42 : i32 to index
          %parallel_loop3A_401 = arith.index_cast %scan3A_70 : i32 to index
          %parallel_loop3A_402 = arith.index_cast %parallel_loop3A_399 : i32 to index
          %parallel_loop3A_403 = tpu.vector_load %arg5[%parallel_loop3A_400, %parallel_loop3A_401, %parallel_loop3A_402] {strides = array<i32>} : memref<2x8x4096xi32, #tpu.memory_space<vmem>>, vector<16xi32>,
          %parallel_loop3A_404 = arith.constant 10 : i32
          %parallel_loop3A_405 = vector.broadcast %parallel_loop3A_404 : i32 to vector<16xi32>
          %parallel_loop3A_406 = arith.shrsi %parallel_loop3A_403, %parallel_loop3A_405 : vector<16xi32>
          %parallel_loop3A_407 = arith.constant 10 : i32
          %parallel_loop3A_408 = vector.broadcast %parallel_loop3A_407 : i32 to vector<16xi32>
          %parallel_loop3A_409 = arith.shrsi %parallel_loop3A_406, %parallel_loop3A_408 : vector<16xi32>
          %parallel_loop3A_410 = arith.cmpi eq, %parallel_loop3A_409, %add3A_277 : vector<16xi32>
          %parallel_loop3A_411 = arith.constant 1023 : i32
          %parallel_loop3A_412 = vector.broadcast %parallel_loop3A_411 : i32 to vector<16xi32>
          %parallel_loop3A_413 = arith.andi %parallel_loop3A_406, %parallel_loop3A_412 : vector<16xi32>
          tpu.vector_store_idx %arg7[%parallel_loop3A_413], %broadcast_in_dim3A_5 masked %parallel_loop3A_410 {add = true} : memref<1024xi32, #tpu.memory_space<vmem>>[vector<16xi32>], vector<16xi32>, vector<16xi1>
          %parallel_loop3A_414 = arith.constant 4 : i32
          %parallel_loop3A_415 = vector.broadcast %parallel_loop3A_414 : i32 to vector<16xi32>
          %parallel_loop3A_416 = arith.shrsi %parallel_loop3A_413, %parallel_loop3A_415 : vector<16xi32>
          %parallel_loop3A_417, %parallel_loop3A_418 = tpu.scan_count mask(%parallel_loop3A_410 : vector<16xi1>) value(%parallel_loop3A_416 : vector<16xi32>) : vector<16xi1>, vector<16xi32>
          %parallel_loop3A_419 = arith.constant 4 : i32
          %parallel_loop3A_420 = vector.broadcast %parallel_loop3A_419 : i32 to vector<16xi32>
          %parallel_loop3A_421 = arith.shrsi %parallel_loop3A_413, %parallel_loop3A_420 : vector<16xi32>
          %parallel_loop3A_422 = arith.andi %parallel_loop3A_417, %parallel_loop3A_410 : vector<16xi1>
          tpu.vector_store_idx %arg9[%parallel_loop3A_421], %parallel_loop3A_418 masked %parallel_loop3A_422 {add = true} : memref<64xi32, #tpu.memory_space<vmem>>[vector<16xi32>], vector<16xi32>, vector<16xi1>
        } {sc.loop_unroll_factor = 8 : i64, sc.parallel_access}
        %get3A_282 = arith.constant 0 : index
        %get3A_283 = tpu.vector_load %arg9[%get3A_282] {strides = array<i32>} : memref<64xi32, #tpu.memory_space<vmem>>, vector<16xi32>,
        %broadcast_in_dim3A_284 = arith.constant true
        %broadcast_in_dim3A_285 = vector.broadcast %broadcast_in_dim3A_284 : i1 to vector<16xi1>
        %masked_cumsum3A_286 = tpu.scan <sum>, %get3A_283 masked %broadcast_in_dim3A_285 : vector<16xi32>, vector<16xi1> -> vector<16xi32>
        %get3A_287 = arith.constant 16 : index
        %get3A_288 = tpu.vector_load %arg9[%get3A_287] {strides = array<i32>} : memref<64xi32, #tpu.memory_space<vmem>>, vector<16xi32>,
        %broadcast_in_dim3A_289 = arith.constant true
        %broadcast_in_dim3A_290 = vector.broadcast %broadcast_in_dim3A_289 : i1 to vector<16xi1>
        %masked_cumsum3A_291 = tpu.scan <sum>, %get3A_288 masked %broadcast_in_dim3A_290 : vector<16xi32>, vector<16xi1> -> vector<16xi32>
        %get3A_292 = arith.constant 32 : index
        %get3A_293 = tpu.vector_load %arg9[%get3A_292] {strides = array<i32>} : memref<64xi32, #tpu.memory_space<vmem>>, vector<16xi32>,
        %broadcast_in_dim3A_294 = arith.constant true
        %broadcast_in_dim3A_295 = vector.broadcast %broadcast_in_dim3A_294 : i1 to vector<16xi1>
        %masked_cumsum3A_296 = tpu.scan <sum>, %get3A_293 masked %broadcast_in_dim3A_295 : vector<16xi32>, vector<16xi1> -> vector<16xi32>
        %get3A_297 = arith.constant 48 : index
        %get3A_298 = tpu.vector_load %arg9[%get3A_297] {strides = array<i32>} : memref<64xi32, #tpu.memory_space<vmem>>, vector<16xi32>,
        %broadcast_in_dim3A_299 = arith.constant true
        %broadcast_in_dim3A_300 = vector.broadcast %broadcast_in_dim3A_299 : i1 to vector<16xi1>
        %masked_cumsum3A_301 = tpu.scan <sum>, %get3A_298 masked %broadcast_in_dim3A_300 : vector<16xi32>, vector<16xi1> -> vector<16xi32>
        %add3A_302 = arith.addi %broadcast_in_dim3A_3, %masked_cumsum3A_286 : vector<16xi32>
        %le3A_303 = arith.cmpi sle, %add3A_302, %sub3A_278 : vector<16xi32>
        %all_reduce_population_count3A_304 = tpu.all_reduce %le3A_303 {dim = 0 : i64, kind = #tpu.reduction_kind<sum>} : vector<16xi1> -> vector<16xi32>
        %add3A_305 = arith.addi %broadcast_in_dim3A_3, %all_reduce_population_count3A_304 : vector<16xi32>
        %jit3A_306 = arith.constant 0 : i32
        %broadcast_in_dim3A_307 = vector.broadcast %jit3A_306 : i32 to vector<16xi32>
        %select_n3A_308 = arith.select %le3A_303, %add3A_302, %broadcast_in_dim3A_307 : vector<16xi1>, vector<16xi32>
        %max3A_309 = arith.maxsi %broadcast_in_dim3A_3, %select_n3A_308 : vector<16xi32>
        %broadcast_in_dim3A_310 = arith.constant 15 : i32
        %broadcast_in_dim3A_311 = vector.broadcast %broadcast_in_dim3A_310 : i32 to vector<16xi32>
        %broadcast_in_dim3A_312 = vector.shape_cast %broadcast_in_dim3A_311 : vector<16xi32> to vector<16x1xi32>
        %gather3A_313 = vector.shape_cast %broadcast_in_dim3A_312 : vector<16x1xi32> to vector<16xi32>
        %gather3A_314 = tpu.dynamic_gather %add3A_302[%gather3A_313] in [0] : vector<16xi32>, vector<16xi32> -> vector<16xi32>
        %add3A_315 = arith.addi %gather3A_314, %masked_cumsum3A_291 : vector<16xi32>
        %le3A_316 = arith.cmpi sle, %add3A_315, %sub3A_278 : vector<16xi32>
        %all_reduce_population_count3A_317 = tpu.all_reduce %le3A_316 {dim = 0 : i64, kind = #tpu.reduction_kind<sum>} : vector<16xi1> -> vector<16xi32>
        %add3A_318 = arith.addi %add3A_305, %all_reduce_population_count3A_317 : vector<16xi32>
        %jit3A_319 = arith.constant 0 : i32
        %broadcast_in_dim3A_320 = vector.broadcast %jit3A_319 : i32 to vector<16xi32>
        %select_n3A_321 = arith.select %le3A_316, %add3A_315, %broadcast_in_dim3A_320 : vector<16xi1>, vector<16xi32>
        %max3A_322 = arith.maxsi %max3A_309, %select_n3A_321 : vector<16xi32>
        %broadcast_in_dim3A_323 = arith.constant 15 : i32
        %broadcast_in_dim3A_324 = vector.broadcast %broadcast_in_dim3A_323 : i32 to vector<16xi32>
        %broadcast_in_dim3A_325 = vector.shape_cast %broadcast_in_dim3A_324 : vector<16xi32> to vector<16x1xi32>
        %gather3A_326 = vector.shape_cast %broadcast_in_dim3A_325 : vector<16x1xi32> to vector<16xi32>
        %gather3A_327 = tpu.dynamic_gather %add3A_315[%gather3A_326] in [0] : vector<16xi32>, vector<16xi32> -> vector<16xi32>
        %add3A_328 = arith.addi %gather3A_327, %masked_cumsum3A_296 : vector<16xi32>
        %le3A_329 = arith.cmpi sle, %add3A_328, %sub3A_278 : vector<16xi32>
        %all_reduce_population_count3A_330 = tpu.all_reduce %le3A_329 {dim = 0 : i64, kind = #tpu.reduction_kind<sum>} : vector<16xi1> -> vector<16xi32>
        %add3A_331 = arith.addi %add3A_318, %all_reduce_population_count3A_330 : vector<16xi32>
        %jit3A_332 = arith.constant 0 : i32
        %broadcast_in_dim3A_333 = vector.broadcast %jit3A_332 : i32 to vector<16xi32>
        %select_n3A_334 = arith.select %le3A_329, %add3A_328, %broadcast_in_dim3A_333 : vector<16xi1>, vector<16xi32>
        %max3A_335 = arith.maxsi %max3A_322, %select_n3A_334 : vector<16xi32>
        %broadcast_in_dim3A_336 = arith.constant 15 : i32
        %broadcast_in_dim3A_337 = vector.broadcast %broadcast_in_dim3A_336 : i32 to vector<16xi32>
        %broadcast_in_dim3A_338 = vector.shape_cast %broadcast_in_dim3A_337 : vector<16xi32> to vector<16x1xi32>
        %gather3A_339 = vector.shape_cast %broadcast_in_dim3A_338 : vector<16x1xi32> to vector<16xi32>
        %gather3A_340 = tpu.dynamic_gather %add3A_328[%gather3A_339] in [0] : vector<16xi32>, vector<16xi32> -> vector<16xi32>
        %add3A_341 = arith.addi %gather3A_340, %masked_cumsum3A_301 : vector<16xi32>
        %le3A_342 = arith.cmpi sle, %add3A_341, %sub3A_278 : vector<16xi32>
        %all_reduce_population_count3A_343 = tpu.all_reduce %le3A_342 {dim = 0 : i64, kind = #tpu.reduction_kind<sum>} : vector<16xi1> -> vector<16xi32>
        %add3A_344 = arith.addi %add3A_331, %all_reduce_population_count3A_343 : vector<16xi32>
        %jit3A_345 = arith.constant 0 : i32
        %broadcast_in_dim3A_346 = vector.broadcast %jit3A_345 : i32 to vector<16xi32>
        %select_n3A_347 = arith.select %le3A_342, %add3A_341, %broadcast_in_dim3A_346 : vector<16xi1>, vector<16xi32>
        %max3A_348 = arith.maxsi %max3A_335, %select_n3A_347 : vector<16xi32>
        %reduce_max3A_349 = arith.constant true
        %reduce_max3A_350 = vector.broadcast %reduce_max3A_349 : i1 to vector<16xi1>
        %reduce_max3A_351 = arith.constant -2147483648 : i32
        %reduce_max3A_352 = vector.broadcast %reduce_max3A_351 : i32 to vector<16xi32>
        %reduce_max3A_353 = arith.xori %max3A_348, %reduce_max3A_352 : vector<16xi32>
        %reduce_max3A_354 = tpu.scan <max>, %reduce_max3A_353 masked %reduce_max3A_350 : vector<16xi32>, vector<16xi1> -> vector<16xi32>
        %reduce_max3A_355 = arith.xori %reduce_max3A_354, %reduce_max3A_352 : vector<16xi32>
        %reduce_max3A_356 = vector.extract %reduce_max3A_355[15] : i32 from vector<16xi32>
        %broadcast_in_dim3A_357 = vector.broadcast %reduce_max3A_356 : i32 to vector<16xi32>
        %sub3A_358 = arith.subi %sub3A_278, %broadcast_in_dim3A_357 : vector<16xi32>
        %mul3A_359 = arith.constant 16 : i32
        %mul3A_360 = vector.broadcast %mul3A_359 : i32 to vector<16xi32>
        %mul3A_361 = arith.muli %add3A_344, %mul3A_360 : vector<16xi32>
        %add3A_362 = arith.addi %mul3A_361, %iota3A : vector<16xi32>
        %gather3A_363 = tpu.vector_load_idx %arg7[%add3A_362] : memref<1024xi32, #tpu.memory_space<vmem>>[vector<16xi32>], vector<16xi32>,
        %broadcast_in_dim3A_364 = arith.constant true
        %broadcast_in_dim3A_365 = vector.broadcast %broadcast_in_dim3A_364 : i1 to vector<16xi1>
        %masked_cumsum3A_366 = tpu.scan <sum>, %gather3A_363 masked %broadcast_in_dim3A_365 : vector<16xi32>, vector<16xi1> -> vector<16xi32>
        %le3A_367 = arith.cmpi sle, %masked_cumsum3A_366, %sub3A_358 : vector<16xi32>
        %all_reduce_population_count3A_368 = tpu.all_reduce %le3A_367 {dim = 0 : i64, kind = #tpu.reduction_kind<sum>} : vector<16xi1> -> vector<16xi32>
        %eq3A_369 = arith.constant 0 : i32
        %eq3A_370 = vector.broadcast %eq3A_369 : i32 to vector<16xi32>
        %eq3A_371 = arith.cmpi eq, %all_reduce_population_count3A_368, %eq3A_370 : vector<16xi32>
        %sub3A_372 = arith.constant 1 : i32
        %sub3A_373 = vector.broadcast %sub3A_372 : i32 to vector<16xi32>
        %sub3A_374 = arith.subi %all_reduce_population_count3A_368, %sub3A_373 : vector<16xi32>
        %max3A_375 = arith.constant 0 : i32
        %max3A_376 = vector.broadcast %max3A_375 : i32 to vector<16xi32>
        %max3A_377 = arith.maxsi %sub3A_374, %max3A_376 : vector<16xi32>
        %broadcast_in_dim3A_378 = vector.shape_cast %max3A_377 : vector<16xi32> to vector<16x1xi32>
        %gather3A_379 = vector.shape_cast %broadcast_in_dim3A_378 : vector<16x1xi32> to vector<16xi32>
        %gather3A_380 = tpu.dynamic_gather %masked_cumsum3A_366[%gather3A_379] in [0] : vector<16xi32>, vector<16xi32> -> vector<16xi32>
        %jit3A_381 = arith.constant 0 : i32
        %broadcast_in_dim3A_382 = vector.broadcast %jit3A_381 : i32 to vector<16xi32>
        %select_n3A_383 = arith.select %eq3A_371, %broadcast_in_dim3A_382, %gather3A_380 : vector<16xi1>, vector<16xi32>
        %mul3A_384 = arith.constant 16 : i32
        %mul3A_385 = vector.broadcast %mul3A_384 : i32 to vector<16xi32>
        %mul3A_386 = arith.muli %add3A_344, %mul3A_385 : vector<16xi32>
        %add3A_387 = arith.addi %mul3A_386, %all_reduce_population_count3A_368 : vector<16xi32>
        %sub3A_388 = arith.subi %sub3A_358, %select_n3A_383 : vector<16xi32>
        %shift_left3A = arith.constant 20 : i32
        %shift_left3A_389 = vector.broadcast %shift_left3A : i32 to vector<16xi32>
        %shift_left3A_390 = arith.shli %add3A_277, %shift_left3A_389 : vector<16xi32>
        %shift_left3A_391 = arith.constant 10 : i32
        %shift_left3A_392 = vector.broadcast %shift_left3A_391 : i32 to vector<16xi32>
        %shift_left3A_393 = arith.shli %add3A_387, %shift_left3A_392 : vector<16xi32>
        %or3A = arith.ori %shift_left3A_390, %shift_left3A_393 : vector<16xi32>
        %or3A_394 = arith.constant 512 : i32
        %or3A_395 = vector.broadcast %or3A_394 : i32 to vector<16xi32>
        %or3A_396 = arith.ori %or3A, %or3A_395 : vector<16xi32>
        %broadcast_in_dim3A_397 = vector.broadcast %add3A_74 : i32 to vector<16xi32>
        tpu.vector_store_idx %arg11[%broadcast_in_dim3A_397], %or3A_396 masked %eq3A_7 : memref<64xi32, #tpu.memory_space<vmem>>[vector<16xi32>], vector<16xi32>, vector<16xi1>
        %scan3A_398 = arith.constant 0 : i32
        scf.yield %scan3A_398 : i32
      }
      %scan3A_68 = arith.constant 8 : i32
      %scan3A_69 = arith.constant 0 : i32
      scf.yield %scan3A_69 : i32
    }
    %scan3A_30 = arith.constant 8 : i32
    "tpu.region"() ({
      %run_scoped3A = tpu.sem_alloc : memref<!tpu.dma_semaphore, #tpu.memory_space<semaphore_mem>>
      %dma_start3A_31 = tpu.memref_slice %arg4[%mul3A_2] : memref<2048xi32, #tpu.memory_space<hbm>> -> memref<64xi32, #tpu.memory_space<hbm>>
      %dma_start3A_32 = tpu.memref_slice %arg4[%mul3A_2] : memref<2048xi32, #tpu.memory_space<hbm>> -> memref<64xi32, #tpu.memory_space<hbm>>
      tpu.enqueue_dma source(%arg11 : memref<64xi32, #tpu.memory_space<vmem>>) target(%dma_start3A_32 : memref<64xi32, #tpu.memory_space<hbm>>) target_semaphore(%run_scoped3A : memref<!tpu.dma_semaphore, #tpu.memory_space<semaphore_mem>>)
      %dma_wait3A = tpu.memref_slice %arg4[%mul3A_2] : memref<2048xi32, #tpu.memory_space<hbm>> -> memref<64xi32, #tpu.memory_space<hbm>>
      %dma_wait3A_33 = tpu.memref_slice %arg4[%mul3A_2] : memref<2048xi32, #tpu.memory_space<hbm>> -> memref<64xi32, #tpu.memory_space<hbm>>
      tpu.wait_dma2 semaphore(%run_scoped3A : memref<!tpu.dma_semaphore, #tpu.memory_space<semaphore_mem>>) src(%arg11 : memref<64xi32, #tpu.memory_space<vmem>>) dst(%dma_wait3A_33 : memref<64xi32, #tpu.memory_space<hbm>>)
      tpu.yield
    }) : () -> ()
    return
  }
}

module attributes {stable_mosaic.version = 14 : i64} {
  func.func @_tc_body(%arg0: i32, %arg1: memref<256x512xf32, #tpu.memory_space<vmem>>, %arg2: memref<512x4096xf32, #tpu.memory_space<vmem>>, %arg3: memref<256x4096xi32, #tpu.memory_space<vmem>>, %arg4: memref<256x1xf32, #tpu.memory_space<vmem>>) attributes {dimension_semantics = [#tpu.dimension_semantics<arbitrary>], iteration_bounds = array<i64: 8>, scalar_prefetch = 0 : i64, scratch_operands = 0 : i64, tpu.core_type = #tpu.core_type<tc>, window_params = [{transform_indices = @transform_0, window_bounds = array<i64: 256, 512>}, {pipeline_mode = #tpu.pipeline_mode<synchronous>, transform_indices = @transform_1, window_bounds = array<i64: 512, 4096>}, {transform_indices = @transform_2, window_bounds = array<i64: 256, 4096>}, {transform_indices = @transform_3, window_bounds = array<i64: 256, 1>}]} {
    %mul3A = arith.constant 256 : i32
    %mul3A_0 = arith.muli %arg0, %mul3A : i32
    %add3A = arith.constant 2048 : i32
    %add3A_1 = arith.addi %add3A, %mul3A_0 : i32
    %get3A = arith.constant 0 : index
    %get3A_2 = arith.constant 0 : index
    %get3A_3 = vector.load %arg1[%get3A, %get3A_2] : memref<256x512xf32, #tpu.memory_space<vmem>>, vector<256x512xf32>
    %get3A_4 = arith.constant 0 : index
    %get3A_5 = arith.constant 0 : index
    %get3A_6 = vector.load %arg2[%get3A_4, %get3A_5] : memref<512x4096xf32, #tpu.memory_space<vmem>>, vector<512x4096xf32>
    %mul3A_7 = arith.mulf %get3A_3, %get3A_3 : vector<256x512xf32>
    %reduce_sum3A = arith.constant dense<0.000000e+00> : vector<256xf32>
    %reduce_sum3A_8 = vector.multi_reduction <add>, %mul3A_7, %reduce_sum3A [1] : vector<256x512xf32> to vector<256xf32>
    %broadcast_in_dim3A = vector.shape_cast %reduce_sum3A_8 : vector<256xf32> to vector<256x1xf32>
    %mul3A_9 = arith.mulf %get3A_6, %get3A_6 : vector<512x4096xf32>
    %reduce_sum3A_10 = arith.constant dense<0.000000e+00> : vector<4096xf32>
    %reduce_sum3A_11 = vector.multi_reduction <add>, %mul3A_9, %reduce_sum3A_10 [0] : vector<512x4096xf32> to vector<4096xf32>
    %broadcast_in_dim3A_12 = vector.shape_cast %reduce_sum3A_11 : vector<4096xf32> to vector<1x4096xf32>
    %convert_element_type3A = arith.truncf %get3A_3 : vector<256x512xf32> to vector<256x512xbf16>
    %convert_element_type3A_13 = arith.truncf %get3A_6 : vector<512x4096xf32> to vector<512x4096xbf16>
    %dot_general3A = arith.constant dense<0.000000e+00> : vector<256x4096xf32>
    %dot_general3A_14 = tpu.matmul %convert_element_type3A, %convert_element_type3A_13, %dot_general3A {dimension_numbers = #tpu.dot_dimension_numbers<[1], [0], [0], [1], [0, 0, 1, 1], [], []>, transpose_lhs_hint = false} : vector<256x512xbf16>, vector<512x4096xbf16>, vector<256x4096xf32> -> vector<256x4096xf32>
    %mul3A_15 = arith.constant 2.000000e+00 : f32
    %mul3A_16 = vector.broadcast %mul3A_15 : f32 to vector<256x4096xf32>
    %mul3A_17 = arith.mulf %mul3A_16, %dot_general3A_14 : vector<256x4096xf32>
    %sub3A = vector.broadcast %broadcast_in_dim3A : vector<256x1xf32> to vector<256x4096xf32>
    %sub3A_18 = arith.subf %sub3A, %mul3A_17 : vector<256x4096xf32>
    %add3A_19 = vector.broadcast %broadcast_in_dim3A_12 : vector<1x4096xf32> to vector<256x4096xf32>
    %add3A_20 = arith.addf %sub3A_18, %add3A_19 : vector<256x4096xf32>
    %iota3A = tpu.iota {dimensions = array<i32: 1>} : vector<256x4096xi32>
    %iota3A_21 = tpu.iota {dimensions = array<i32: 0>} : vector<256x4096xi32>
    %add3A_22 = vector.broadcast %add3A_1 : i32 to vector<256x4096xi32>
    %add3A_23 = arith.addi %iota3A_21, %add3A_22 : vector<256x4096xi32>
    %eq3A = arith.cmpi eq, %iota3A, %add3A_23 : vector<256x4096xi32>
    %jit3A = arith.constant 0x7F800000 : f32
    %broadcast_in_dim3A_24 = vector.broadcast %jit3A : f32 to vector<256x4096xf32>
    %select_n3A = arith.select %eq3A, %broadcast_in_dim3A_24, %add3A_20 : vector<256x4096xi1>, vector<256x4096xf32>
    %max3A = arith.constant 9.99999996E-13 : f32
    %max3A_25 = vector.broadcast %max3A : f32 to vector<256x4096xf32>
    %max3A_26 = arith.maximumf %select_n3A, %max3A_25 : vector<256x4096xf32>
    %bitcast_convert_type3A = tpu.bitcast %max3A_26 : vector<256x4096xf32> -> vector<256x4096xi32>
    %swap3A = arith.constant 0 : index
    %swap3A_27 = arith.constant 0 : index
    %swap3A_28 = vector.load %arg3[%swap3A, %swap3A_27] : memref<256x4096xi32, #tpu.memory_space<vmem>>, vector<256x4096xi32>
    tpu.vector_store %arg3[%swap3A, %swap3A_27], %bitcast_convert_type3A {strides = array<i32>} : memref<256x4096xi32, #tpu.memory_space<vmem>>, vector<256x4096xi32>,
    %convert_element_type3A_29 = arith.extui %eq3A : vector<256x4096xi1> to vector<256x4096xi32>
    %convert_element_type3A_30 = arith.sitofp %convert_element_type3A_29 : vector<256x4096xi32> to vector<256x4096xf32>
    %mul3A_31 = arith.mulf %dot_general3A_14, %convert_element_type3A_30 : vector<256x4096xf32>
    %reduce_sum3A_32 = arith.constant dense<0.000000e+00> : vector<256xf32>
    %reduce_sum3A_33 = vector.multi_reduction <add>, %mul3A_31, %reduce_sum3A_32 [1] : vector<256x4096xf32> to vector<256xf32>
    %broadcast_in_dim3A_34 = vector.shape_cast %reduce_sum3A_33 : vector<256xf32> to vector<256x1xf32>
    %mul3A_35 = vector.broadcast %broadcast_in_dim3A_12 : vector<1x4096xf32> to vector<256x4096xf32>
    %mul3A_36 = arith.mulf %mul3A_35, %convert_element_type3A_30 : vector<256x4096xf32>
    %reduce_sum3A_37 = arith.constant dense<0.000000e+00> : vector<256xf32>
    %reduce_sum3A_38 = vector.multi_reduction <add>, %mul3A_36, %reduce_sum3A_37 [1] : vector<256x4096xf32> to vector<256xf32>
    %broadcast_in_dim3A_39 = vector.shape_cast %reduce_sum3A_38 : vector<256xf32> to vector<256x1xf32>
    %add3A_40 = arith.addf %broadcast_in_dim3A, %broadcast_in_dim3A_39 : vector<256x1xf32>
    %mul3A_41 = arith.constant 2.000000e+00 : f32
    %mul3A_42 = vector.broadcast %mul3A_41 : f32 to vector<256x1xf32>
    %mul3A_43 = arith.mulf %mul3A_42, %broadcast_in_dim3A_34 : vector<256x1xf32>
    %sub3A_44 = arith.subf %add3A_40, %mul3A_43 : vector<256x1xf32>
    %swap3A_45 = arith.constant 0 : index
    %swap3A_46 = arith.constant 0 : index
    %swap3A_47 = vector.load %arg4[%swap3A_45, %swap3A_46] : memref<256x1xf32, #tpu.memory_space<vmem>>, vector<256x1xf32>
    tpu.vector_store %arg4[%swap3A_45, %swap3A_46], %sub3A_44 {strides = array<i32>} : memref<256x1xf32, #tpu.memory_space<vmem>>, vector<256x1xf32>,
    return
  }
  func.func @transform_0(%arg0: i32) -> (i32, i32) {
    %c0_i32 = arith.constant 0 : i32
    %c0_i32_0 = arith.constant 0 : i32
    return %arg0, %c0_i32 : i32, i32
  }
  func.func @transform_1(%arg0: i32) -> (i32, i32) {
    %c0_i32 = arith.constant 0 : i32
    %c0_i32_0 = arith.constant 0 : i32
    %c0_i32_1 = arith.constant 0 : i32
    return %c0_i32, %c0_i32_0 : i32, i32
  }
  func.func @transform_2(%arg0: i32) -> (i32, i32) {
    %c0_i32 = arith.constant 0 : i32
    %c0_i32_0 = arith.constant 0 : i32
    return %arg0, %c0_i32 : i32, i32
  }
  func.func @transform_3(%arg0: i32) -> (i32, i32) {
    %c0_i32 = arith.constant 0 : i32
    %c0_i32_0 = arith.constant 0 : i32
    return %arg0, %c0_i32 : i32, i32
  }
}

module attributes {stable_mosaic.version = 14 : i64} {
  func.func @_tc_body(%arg0: i32, %arg1: memref<256x512xf32, #tpu.memory_space<vmem>>, %arg2: memref<512x4096xf32, #tpu.memory_space<vmem>>, %arg3: memref<256x4096xi32, #tpu.memory_space<vmem>>, %arg4: memref<256x1xf32, #tpu.memory_space<vmem>>) attributes {dimension_semantics = [#tpu.dimension_semantics<arbitrary>], iteration_bounds = array<i64: 8>, scalar_prefetch = 0 : i64, scratch_operands = 0 : i64, tpu.core_type = #tpu.core_type<tc>, window_params = [{transform_indices = @transform_0, window_bounds = array<i64: 256, 512>}, {pipeline_mode = #tpu.pipeline_mode<synchronous>, transform_indices = @transform_1, window_bounds = array<i64: 512, 4096>}, {transform_indices = @transform_2, window_bounds = array<i64: 256, 4096>}, {transform_indices = @transform_3, window_bounds = array<i64: 256, 1>}]} {
    %mul3A = arith.constant 256 : i32
    %mul3A_0 = arith.muli %arg0, %mul3A : i32
    %add3A = arith.constant 0 : i32
    %add3A_1 = arith.addi %add3A, %mul3A_0 : i32
    %get3A = arith.constant 0 : index
    %get3A_2 = arith.constant 0 : index
    %get3A_3 = vector.load %arg1[%get3A, %get3A_2] : memref<256x512xf32, #tpu.memory_space<vmem>>, vector<256x512xf32>
    %get3A_4 = arith.constant 0 : index
    %get3A_5 = arith.constant 0 : index
    %get3A_6 = vector.load %arg2[%get3A_4, %get3A_5] : memref<512x4096xf32, #tpu.memory_space<vmem>>, vector<512x4096xf32>
    %mul3A_7 = arith.mulf %get3A_3, %get3A_3 : vector<256x512xf32>
    %reduce_sum3A = arith.constant dense<0.000000e+00> : vector<256xf32>
    %reduce_sum3A_8 = vector.multi_reduction <add>, %mul3A_7, %reduce_sum3A [1] : vector<256x512xf32> to vector<256xf32>
    %broadcast_in_dim3A = vector.shape_cast %reduce_sum3A_8 : vector<256xf32> to vector<256x1xf32>
    %mul3A_9 = arith.mulf %get3A_6, %get3A_6 : vector<512x4096xf32>
    %reduce_sum3A_10 = arith.constant dense<0.000000e+00> : vector<4096xf32>
    %reduce_sum3A_11 = vector.multi_reduction <add>, %mul3A_9, %reduce_sum3A_10 [0] : vector<512x4096xf32> to vector<4096xf32>
    %broadcast_in_dim3A_12 = vector.shape_cast %reduce_sum3A_11 : vector<4096xf32> to vector<1x4096xf32>
    %convert_element_type3A = arith.truncf %get3A_3 : vector<256x512xf32> to vector<256x512xbf16>
    %convert_element_type3A_13 = arith.truncf %get3A_6 : vector<512x4096xf32> to vector<512x4096xbf16>
    %dot_general3A = arith.constant dense<0.000000e+00> : vector<256x4096xf32>
    %dot_general3A_14 = tpu.matmul %convert_element_type3A, %convert_element_type3A_13, %dot_general3A {dimension_numbers = #tpu.dot_dimension_numbers<[1], [0], [0], [1], [0, 0, 1, 1], [], []>, transpose_lhs_hint = false} : vector<256x512xbf16>, vector<512x4096xbf16>, vector<256x4096xf32> -> vector<256x4096xf32>
    %mul3A_15 = arith.constant 2.000000e+00 : f32
    %mul3A_16 = vector.broadcast %mul3A_15 : f32 to vector<256x4096xf32>
    %mul3A_17 = arith.mulf %mul3A_16, %dot_general3A_14 : vector<256x4096xf32>
    %sub3A = vector.broadcast %broadcast_in_dim3A : vector<256x1xf32> to vector<256x4096xf32>
    %sub3A_18 = arith.subf %sub3A, %mul3A_17 : vector<256x4096xf32>
    %add3A_19 = vector.broadcast %broadcast_in_dim3A_12 : vector<1x4096xf32> to vector<256x4096xf32>
    %add3A_20 = arith.addf %sub3A_18, %add3A_19 : vector<256x4096xf32>
    %iota3A = tpu.iota {dimensions = array<i32: 1>} : vector<256x4096xi32>
    %iota3A_21 = tpu.iota {dimensions = array<i32: 0>} : vector<256x4096xi32>
    %add3A_22 = vector.broadcast %add3A_1 : i32 to vector<256x4096xi32>
    %add3A_23 = arith.addi %iota3A_21, %add3A_22 : vector<256x4096xi32>
    %eq3A = arith.cmpi eq, %iota3A, %add3A_23 : vector<256x4096xi32>
    %jit3A = arith.constant 0x7F800000 : f32
    %broadcast_in_dim3A_24 = vector.broadcast %jit3A : f32 to vector<256x4096xf32>
    %select_n3A = arith.select %eq3A, %broadcast_in_dim3A_24, %add3A_20 : vector<256x4096xi1>, vector<256x4096xf32>
    %max3A = arith.constant 9.99999996E-13 : f32
    %max3A_25 = vector.broadcast %max3A : f32 to vector<256x4096xf32>
    %max3A_26 = arith.maximumf %select_n3A, %max3A_25 : vector<256x4096xf32>
    %bitcast_convert_type3A = tpu.bitcast %max3A_26 : vector<256x4096xf32> -> vector<256x4096xi32>
    %swap3A = arith.constant 0 : index
    %swap3A_27 = arith.constant 0 : index
    %swap3A_28 = vector.load %arg3[%swap3A, %swap3A_27] : memref<256x4096xi32, #tpu.memory_space<vmem>>, vector<256x4096xi32>
    tpu.vector_store %arg3[%swap3A, %swap3A_27], %bitcast_convert_type3A {strides = array<i32>} : memref<256x4096xi32, #tpu.memory_space<vmem>>, vector<256x4096xi32>,
    %convert_element_type3A_29 = arith.extui %eq3A : vector<256x4096xi1> to vector<256x4096xi32>
    %convert_element_type3A_30 = arith.sitofp %convert_element_type3A_29 : vector<256x4096xi32> to vector<256x4096xf32>
    %mul3A_31 = arith.mulf %dot_general3A_14, %convert_element_type3A_30 : vector<256x4096xf32>
    %reduce_sum3A_32 = arith.constant dense<0.000000e+00> : vector<256xf32>
    %reduce_sum3A_33 = vector.multi_reduction <add>, %mul3A_31, %reduce_sum3A_32 [1] : vector<256x4096xf32> to vector<256xf32>
    %broadcast_in_dim3A_34 = vector.shape_cast %reduce_sum3A_33 : vector<256xf32> to vector<256x1xf32>
    %mul3A_35 = vector.broadcast %broadcast_in_dim3A_12 : vector<1x4096xf32> to vector<256x4096xf32>
    %mul3A_36 = arith.mulf %mul3A_35, %convert_element_type3A_30 : vector<256x4096xf32>
    %reduce_sum3A_37 = arith.constant dense<0.000000e+00> : vector<256xf32>
    %reduce_sum3A_38 = vector.multi_reduction <add>, %mul3A_36, %reduce_sum3A_37 [1] : vector<256x4096xf32> to vector<256xf32>
    %broadcast_in_dim3A_39 = vector.shape_cast %reduce_sum3A_38 : vector<256xf32> to vector<256x1xf32>
    %add3A_40 = arith.addf %broadcast_in_dim3A, %broadcast_in_dim3A_39 : vector<256x1xf32>
    %mul3A_41 = arith.constant 2.000000e+00 : f32
    %mul3A_42 = vector.broadcast %mul3A_41 : f32 to vector<256x1xf32>
    %mul3A_43 = arith.mulf %mul3A_42, %broadcast_in_dim3A_34 : vector<256x1xf32>
    %sub3A_44 = arith.subf %add3A_40, %mul3A_43 : vector<256x1xf32>
    %swap3A_45 = arith.constant 0 : index
    %swap3A_46 = arith.constant 0 : index
    %swap3A_47 = vector.load %arg4[%swap3A_45, %swap3A_46] : memref<256x1xf32, #tpu.memory_space<vmem>>, vector<256x1xf32>
    tpu.vector_store %arg4[%swap3A_45, %swap3A_46], %sub3A_44 {strides = array<i32>} : memref<256x1xf32, #tpu.memory_space<vmem>>, vector<256x1xf32>,
    return
  }
  func.func @transform_0(%arg0: i32) -> (i32, i32) {
    %c0_i32 = arith.constant 0 : i32
    %c0_i32_0 = arith.constant 0 : i32
    return %arg0, %c0_i32 : i32, i32
  }
  func.func @transform_1(%arg0: i32) -> (i32, i32) {
    %c0_i32 = arith.constant 0 : i32
    %c0_i32_0 = arith.constant 0 : i32
    %c0_i32_1 = arith.constant 0 : i32
    return %c0_i32, %c0_i32_0 : i32, i32
  }
  func.func @transform_2(%arg0: i32) -> (i32, i32) {
    %c0_i32 = arith.constant 0 : i32
    %c0_i32_0 = arith.constant 0 : i32
    return %arg0, %c0_i32 : i32, i32
  }
  func.func @transform_3(%arg0: i32) -> (i32, i32) {
    %c0_i32 = arith.constant 0 : i32
    %c0_i32_0 = arith.constant 0 : i32
    return %arg0, %c0_i32 : i32, i32
  }
}

</mosaic_0001>

<sc_bundles>
// kernel: _run.6.cloned.1.call-start
scs
__scs_entry_jumppad:
0x0: {  	(pc) =	sbr.rel $0x88, $3  }
0x1: {  	(tag) =	ssettag $0x0;
	lr =	simm.s32 $0x1  }
0x2: {  	[smem:$0x3F9E] =	sst lr;
	_ =	strace $0xD0000000  }
0x3: {  	_ = 	snop  }
0x4: {  	_ = 	snop  }
0x5: {  	_ = 	snop  }
0x6: {  	_ = 	snop  }
0x7: {  	_ = 	snop  }
__scs_overlays_trampoline_lowered:
0x8: {  	[smem:$0x3FAD] =	sst s0  }
0x9: {  	[smem:$0x3FAE] =	sst s1  }
0xa: {  	[smem:$0x3FAF] =	sst s2  }
0xb: {  	[smem:$0x3FB0] =	sst s3  }
0xc: {  	[smem:$0x3FB1] =	sst s4  }
0xd: {  	[smem:$0x3FB2] =	sst s5  }
0xe: {  	[smem:$0x3FB3] =	sst s6  }
0xf: {  	[smem:$0x3FB4] =	sst s7  }
0x10: {  	[smem:$0x3FB5] =	sst s8  }
0x11: {  	[smem:$0x3FB6] =	sst s9;
	s0 =	simm.s32 @!p0 $0x0  }
0x12: {  	s1 =	sld [smem:$0x3F9C];
	s0 =	simm.s32 @p0 $0x1  }
0x13: {  	[smem:$0x3FB7] =	sst s0;
	s0 =	simm.s32 @!p1 $0x0  }
0x14: {  	s2 =	sld [smem:$0x3F9B];
	s0 =	simm.s32 @p1 $0x1  }
0x15: {  	[smem:$0x3FB8] =	sst s0;
	s0 =	simm.s32 @!p2 $0x0  }
0x16: {  	s3 =	sld [smem:$0x3FDB];
	s0 =	simm.s32 @p2 $0x1  }
0x17: {  	s4 =	simm.s32 $0x1BF5;
	[smem:$0x3FBA] =	sst s0  }
0x18: {  	s0 =	sld [smem:$0x3F9D];
	_ =	swait.ge [sflag:s4], $0x0  }
0x19: {  	s7 =	sld [smem:$0x3F9E]  }
0x1a: {  	s8 =	sadd.s32 $0xFFFFE003, lr  }
0x1b: {  	s9 =	sadd.s32 $0xFFFFFEF7, lr;
	s5 =	simm.s32 $0xFFFFFFFF;
	p2 =	slt.u32 s8, $0xFFFFF086  }
0x1c: {  	p1 =	slt.u32 s9, $0xF7A;
	s5 =	simm.s32 @!p2 $0x0  }
0x1d: {  	s5 =	simm.s32 @p1 $0x1;
	p0 =	seq.s32 s7, s2  }
0x1e: {  	s7 =	smul.u32 @!p0 $0xF7A, s2;
	p2 =	seq.s32 @!p0 s5, $0x0  }
0x1f: {  	s9 =	smul.u32 $0xF7A, s1;
	s8 =	simm.s32 @!p0 $0x1BF5;
	p2 =	por !p2, p0  }
0x20: {  	[sflag:s8] =	ssyncset.s32 @!p0 $0xFFFFF086;
	s6 =	sadd.s32 @!p0 s3, s7;
	s7 =	simm.s32 @!p0 $0x108  }
0x21: {  	s3 =	sadd.s32 s3, s9;
	s6 =	sadd.s32 @!p0 $0x88, s6;
	s7 =	simm.s32 @p2 $0x1082  }
0x22: {  	[simem:s7], [sflag:s8] =	dma.local @!p0 [hbm:s6], $0xF7A  }
0x23: {  	s9 =	sor.u32 $0xD0000000, s2;
	s6 =	simm.s32 $0x108;
	_ =	swait.ge @!p0 [sflag:s8], $0x0  }
0x24: {  	s3 =	sadd.s32 $0x88, s3;
	s6 =	simm.s32 @!p1 $0x1082;
	[sflag:s4] =	ssyncset.s32 $0xFFFFF086  }
0x25: {  	[simem:s6], [sflag:s4] =	dma.local [hbm:s3], $0xF7A  }
0x26: {  	[smem:$0x3F9E] =	sst s1;
	(tag) =	ssettag s2;
	_ =	strace s9  }
0x27: {  	s1 =	sld [smem:$0x3FAE]  }
0x28: {  	s2 =	sld [smem:$0x3FAF]  }
0x29: {  	s4 =	sld [smem:$0x3FB1]  }
0x2a: {  	p0 =	seq.s32 s5, $0x0;
	s5 =	sld [smem:$0x3FB2]  }
0x2b: {  	s6 =	sld [smem:$0x3FB3]  }
0x2c: {  	s7 =	sld [smem:$0x3FB4]  }
0x2d: {  	s3 =	simm.s32 $0x108;
	s8 =	sld [smem:$0x3FB5]  }
0x2e: {  	s3 =	simm.s32 @!p0 $0x1082;
	s9 =	sld [smem:$0x3FB6]  }
0x2f: {  	lr =	sadd.s32 s0, s3;
	s0 =	sld [smem:$0x3FAD]  }
0x30: {  	s3 =	sld [smem:$0x3FB0]  }
0x31: {  	[smem:$0x3FB9] =	sst s10  }
0x32: {  	s10 =	sld [smem:$0x3FB7];
	_ =	sdelay $0x3  }
0x33: {  	p0 =	seq.s32 s10, $0x1;
	s10 =	sld [smem:$0x3FB9];
	_ =	sdelay $0x3  }
0x34: {  	[smem:$0x3FB9] =	sst s10  }
0x35: {  	s10 =	sld [smem:$0x3FB8];
	_ =	sdelay $0x3  }
0x36: {  	p1 =	seq.s32 s10, $0x1;
	s10 =	sld [smem:$0x3FB9];
	_ =	sdelay $0x3  }
0x37: {  	[smem:$0x3FB9] =	sst s10  }
0x38: {  	s10 =	sld [smem:$0x3FBA]  }
0x39: {  	_ = 	snop;
	(pc) =	sbr.ind lr, $3  }
0x3a: {  	_ = 	snop  }
0x3b: {  	_ = 	snop  }
0x3c: {  	p2 =	seq.s32 s10, $0x1;
	s10 =	sld [smem:$0x3FB9]  }
0x3d: {  	_ =	shalt  }
0x3e: {  	_ =	shalt  }
0x3f: {  	_ =	shalt  }
0x40: {  	_ =	shalt  }
0x41: {  	_ =	shalt  }
0x42: {  	_ =	shalt  }
0x43: {  	_ =	shalt  }
0x44: {  	_ =	shalt  }
0x45: {  	_ =	shalt  }
0x46: {  	_ =	shalt  }
0x47: {  	_ =	shalt  }
0x48: {  	_ =	shalt  }
0x49: {  	_ =	shalt  }
0x4a: {  	_ =	shalt  }
0x4b: {  	_ =	shalt  }
0x4c: {  	_ =	shalt  }
0x4d: {  	_ =	shalt  }
0x4e: {  	_ =	shalt  }
0x4f: {  	_ =	shalt  }
0x50: {  	_ =	shalt  }
0x51: {  	_ =	shalt  }
0x52: {  	_ =	shalt  }
0x53: {  	_ =	shalt  }
0x54: {  	_ =	shalt  }
0x55: {  	_ =	shalt  }
0x56: {  	_ =	shalt  }
0x57: {  	_ =	shalt  }
0x58: {  	_ =	shalt  }
0x59: {  	_ =	shalt  }
0x5a: {  	_ =	shalt  }
0x5b: {  	_ =	shalt  }
0x5c: {  	_ =	shalt  }
0x5d: {  	_ =	shalt  }
0x5e: {  	_ =	shalt  }
0x5f: {  	_ =	shalt  }
0x60: {  	_ =	shalt  }
0x61: {  	_ =	shalt  }
0x62: {  	_ =	shalt  }
0x63: {  	_ =	shalt  }
0x64: {  	_ =	shalt  }
0x65: {  	_ =	shalt  }
0x66: {  	_ =	shalt  }
0x67: {  	_ =	shalt  }
0x68: {  	_ =	shalt  }
0x69: {  	_ =	shalt  }
0x6a: {  	_ =	shalt  }
0x6b: {  	_ =	shalt  }
0x6c: {  	_ =	shalt  }
0x6d: {  	_ =	shalt  }
0x6e: {  	_ =	shalt  }
0x6f: {  	_ =	shalt  }
0x70: {  	_ =	shalt  }
0x71: {  	_ =	shalt  }
0x72: {  	_ =	shalt  }
0x73: {  	_ =	shalt  }
0x74: {  	_ =	shalt  }
0x75: {  	_ =	shalt  }
0x76: {  	_ =	shalt  }
0x77: {  	_ =	shalt  }
0x78: {  	_ =	shalt  }
0x79: {  	_ =	shalt  }
0x7a: {  	_ =	shalt  }
0x7b: {  	_ =	shalt  }
0x7c: {  	_ =	shalt  }
0x7d: {  	_ =	shalt  }
0x7e: {  	_ =	shalt  }
0x7f: {  	_ =	shalt  }
0x80: {  	_ =	shalt  }
0x81: {  	_ =	shalt  }
0x82: {  	_ =	shalt  }
0x83: {  	_ =	shalt  }
0x84: {  	_ =	shalt  }
0x85: {  	_ =	shalt  }
0x86: {  	_ =	shalt  }
0x87: {  	_ =	shalt  }
.Lfunc_end0:
.L_simem_size_0:
called_computation_lowered:
.L_overlay_start_0:
0x88: {  	s2 =	sld [smem:$0x3FD9]  }
0x89: {  	s3 =	sld [smem:$0x3FFE];
	_ =	sdelay $0x1  }
0x8a: {  	s1 =	srdreg.scid  }
0x8b: {  	s0 =	sand.u32 $0x1, s1  }
0x8c: {  	s16 =	sshll.u32 s0, $0xA;
	s2 =	sadd.s32 s3, s2  }
0x8d: {  	s2 =	sadd.s32 s2, s16  }
0x8e: {  	[smem:$0x3FC5] =	sst s2  }
0x8f: {  	_ = 	snop  }
0x90: {  	(tm) =	ssettm $0x1  }
0x91: {  	s17 =	sld [smem:$0x3FFB];
	_ =	sdelay $0x3  }
0x92: {  	_ =	strace s17  }
0x93: {  	s2 =	sld [smem:$0x3FFC];
	_ =	sdelay $0x3  }
0x94: {  	_ =	strace s2  }
0x95: {  	s2 =	sld [smem:$0x3FFD];
	_ =	sdelay $0x3  }
0x96: {  	_ =	strace s2  }
0x97: {  	_ =	strace $0x8FFFFFFF  }
0x98: {  	s18 =	sld [smem:$0x3FDB];
	_ =	sdelay $0x1  }
0x99: {  	s19 =	simm.s32 $_scs_section_size  }
0x9a: {  	s4 =	simm.s32 $_size__tile_overlayer_lowered;
	s5 =	simm.s32 $_tile_overlayer_lowered  }
0x9b: {  	s22 =	simm.s32 $0x1BFF;
	s21 =	sshll.u32 s5, $0x1;
	s2 =	sadd.s32 s19, s18  }
0x9c: {  	s6 =	simm.s32 $0x0;
	s20 =	sshll.u32 s4, $0x1;
	s4 =	sadd.s32 s21, s2  }
0x9d: {  	[timem:s6], [sflag:s22] =	dma.local [hbm:s4], s20  }
0x9e: {  	_ =	swait.ge [sflag:s22], s20  }
0x9f: {  	s3 =	ssub.s32 $0x0, s20;
	[sflag:s22] =	ssyncset.done $0x0  }
0xa0: {  	[sflag:s22] =	ssyncadd.s32 s3;
	_ =	sdelay $0x1  }
0xa1: {  	s23 =	simm.s32 $0x1B8B  }
0xa2: {  	_ =	swait.ge [sflag:s23], $0x1  }
0xa3: {  	[sflag:s23] =	ssyncset.done $0x0  }
0xa4: {  	s25 =	simm.s32 $0x1B8E;
	s24 =	sld [smem:$0x3FFE];
	[sflag:s23] =	ssyncadd.s32 $0xFFFFFFFF  }
0xa5: {  	s26 =	simm.s32 $execute0_lowered;
	[smem:$0x3FD2] =	sst s25  }
0xa6: {  	s4 =	sshll.u32 s26, $0x1;
	_ =	strace $0x80000046;
	[dreg:$0x1] =	wrdreg $0xFFFFFFFF  }
0xa7: {  	s28 =	simm.s32 $_size_execute0_lowered;
	s2 =	sadd.s32 s2, s4;
	[dreg:$0x0] =	wrdreg $0x0  }
0xa8: {  	s4 =	sshll.u32 s28, $0x1;
	[dreg:$0x2] =	wrdreg s2  }
0xa9: {  	[dreg:$0x3] =	wrdreg s4  }
0xaa: {  	[dreg:$0x4] =	wrdreg $0xC0  }
0xab: {  	_ =	task [dreg:s6], $0x5FFFF  }
0xac: {  	[dreg:$0x1] =	wrdreg $0xFFFFFFFF  }
0xad: {  	[dreg:$0x0] =	wrdreg $0x60  }
0xae: {  	[dreg:$0x2] =	wrdreg s24  }
0xaf: {  	[dreg:$0x3] =	wrdreg $0x9  }
0xb0: {  	_ =	task.clear_ibuf [dreg:s6], $0x4FFFF;
	_ =	strace $0x90000046  }
0xb1: {  	s29 =	simm.s32 $0x9;
	_ =	strace $0x80000048  }
0xb2: {  	_ =	swait.ge [sflag:s29], $0x1  }
0xb3: {  	[sflag:s29] =	ssyncadd.s32 $0xFFFFFFFF  }
0xb4: {  	_ =	strace $0x90000048  }
0xb5: {  	_ =	sfence  }
0xb6: {  	s30 =	sld [smem:$0x0];
	_ =	sdelay $0x2  }
0xb7: {  	s31 =	sshll.u32 s1, $0xD;
	s1 =	sshrl.u32 s1, $0x2  }
0xb8: {  	s3 =	sand.u32 $0x4000, s31;
	s1 =	sadd.s32 s1, s30  }
0xb9: {  	s0 =	sor.u32 s3, s0;
	s1 =	sshll.u32 s1, $0x11  }
0xba: {  	s0 =	sor.u32 s1, s0  }
0xbb: {  	s0 =	sadd.s32 $0x8F2B, s0  }
0xbc: {  	[sflag:s0] =	ssyncadd.remote.s32 $0x1  }
0xbd: {  	_ =	sfence.sel $0xFFFF  }
0xbe: {  	[dreg:$0x0] =	wrdreg $0xFFFFFFFF;
	(pc) =	sbr.abs _section_cstart, $3  }
0xbf: {  	[dreg:$0x1] =	wrdreg $0xFFFFFFFF  }
0xc0: {  	_ =	task.clear_ibuf [dreg:s6], $0x2FFFF;
	_ =	strace $0x9FFFFFFF  }
0xc1: {  	(tm) =	ssettm $0x7FFFFFFF  }
tec
execute0_lowered:
.L_overlay_start_1:
0x0: {  	(tag) =	ssettag $0x1  }
0x1: {  	s4 =	rddreg [dreg:$0x0];
	s2 =	srdreg.scid  }
0x2: {  	s0 =	rddreg [dreg:$0x1];
	s1 =	stileid.u32  }
0x3: {  	s10 =	simm.s32 $0x3;
	s11 =	simm.s32 $0x10000;
	s12 =	simm.s32 $0x10C00  }
0x4: {  	s13 =	simm.s32 $0x10800;
	s14 =	simm.s32 $0x10C80;
	s15 =	simm.s32 $0x10D80  }
0x5: {  	s16 =	simm.s32 $0x0;
	s3 =	sand.u32 $0x1, s2;
	s2 =	simm.s32 $0x0  }
0x6: {  	s5 =	sshll.u32 s1, $0x7;
	s6 =	sshll.u32 s3, $0x6;
	[smem:$0x7FF] =	sst s2  }
0x7: {  	s7 =	ssub.s32 $0x2, s3;
	s3 =	sadd.s32 $0x800, s4;
	s6 =	sor.u32 s6, s5  }
0x8: {  	_ =	strace $0x80000047;
	s30 =	sshrl.u32 s7, $0x1;
	s5 =	sshrl.u32 s6, $0x3  }
0x9: {  	s9 =	ssub.s32 s7, s30;
	s31 =	sshll.u32 s6, $0x9;
	s8 =	sadd.s32 s5, s4  }
0xa: {  	v0 =	vimm.s32 $0x0;
	s6 =	sor.u32 $0x8, s6;
	s5 =	sadd.s32 s3, s31;
	s4 =	sadd.s32 $0x400, s8  }
0xb: {  	v1 =	vimm.s32 $0x1;
	v2 =	vimm.s32 $0xF;
	v3 =	vlaneseq.u32;
	s7 =	sadd.s32 $0x100800, s8;
	s8 =	smax.u32 s9, $0x1;
	s9 =	simm.s32 $0x10D00  }
.LBB2_1:
0xc: {  	[tilespmem:s9], [sflag:$0x3] =	stream.linear.gather [hbm4b:s4+s2], $0x40, $0x38;
	[tilespmem:$0x10E00] =	vst v63  }
0xd: {  	_ =	swait.ge [sflag:s10], $0x40  }
0xe: {  	[sflag:s10] =	ssyncset.done $0x0  }
0xf: {  	p0 =	por $0x0, $0x0;
	s17 =	simm.s32 $0x0;
	[sflag:s10] =	ssyncadd.s32 $0xFFFFFFC0  }
0x10: {  	[tilespmem:s2], [sflag:$0x1] =	stream.linear.gather [hbm4b:s5+s2], $0x8000, $0x38;
	[tilespmem:$0x10E00] =	vst v63  }
.LBB2_2:
0x11: {  	s19 =	simm.s32 $0x1;
	s20 =	sand.u32 $0x1, s17  }
0x12: {  	s18 =	sshll.u32 s17, $0x3;
	p1 =	seq.s32 s17, $0x7;
	s19 =	simm.s32 @!p0 $0x0  }
0x13: {  	s21 =	sadd.s32 $0x1, s20;
	s20 =	sxor.u32 @!p1 $0x1, s20;
	s22 =	sadd.s32 @!p1 s18, s6  }
0x14: {  	s23 =	simm.s32 @!p1 $0x0;
	_ =	swait.ge [sflag:s21], $0x8000;
	s22 =	sshll.u32 @!p1 s22, $0x9  }
0x15: {  	s19 =	sshll.u32 s19, $0xF;
	[sflag:s21] =	ssyncset.done $0x0;
	s22 =	sadd.s32 @!p1 s3, s22  }
0x16: {  	[sflag:s21] =	ssyncadd.s32 $0xFFFF8000;
	s21 =	sshll.u32 @!p1 s20, $0xF;
	s20 =	sadd.s32 @!p1 $0x1, s20  }
0x17: {  	[tilespmem:s21], [sflag:s20] =	stream.linear.gather @!p1 [hbm4b:s22+s23], $0x8000, $0x38;
	[tilespmem:$0x10E00] =	vst v63  }
0x18: {  	s19 =	sor.u32 $0x40, s19;
	s20 =	simm.s32 $0x0  }
.LBB2_3:
0x19: {  	s22 =	simm.s32 $0x10040  }
0x1a: {  	[tilespmem:s22+$0xFFFFFFC0] =	vst v0  }
0x1b: {  	[tilespmem:s22+$0x30] =	vst v0  }
0x1c: {  	[tilespmem:s22+$0x20] =	vst v0  }
0x1d: {  	[tilespmem:s22+$0x10] =	vst v0  }
0x1e: {  	[tilespmem:s22+$0x0] =	vst v0  }
0x1f: {  	[tilespmem:s22+$0xFFFFFFF0] =	vst v0  }
0x20: {  	s23 =	simm.s32 $0x0;
	[tilespmem:s22+$0xFFFFFFE0] =	vst v0  }
.LBB2_4:
0x21: {  	s23 =	sadd.s32 $0x80, s23;
	[tilespmem:s22+$0xFFFFFFD0] =	vst v0;
	s22 =	sadd.s32 $0x80, s22;
	s21 =	simm.s32 $0x10840  }
0x22: {  	[tilespmem:s22+$0xFFFFFFC0] =	vst v0;
	p1 =	slt.u32 s23, $0x780  }
0x23: {  	[tilespmem:s22+$0x30] =	vst v0  }
.Ltmp0:
0x24: {  	[tilespmem:s22+$0x20] =	vst v0;
	(pc) =	sbr.rel @p1 .LBB2_4-.Ltmp0, $4  }
0x25: {  	[tilespmem:s22+$0x10] =	vst v0  }
0x26: {  	[tilespmem:s22+$0x0] =	vst v0  }
0x27: {  	[tilespmem:s22+$0xFFFFFFF0] =	vst v0  }
0x28: {  	[tilespmem:s22+$0xFFFFFFE0] =	vst v0  }
0x29: {  	[tilespmem:s22+$0xFFFFFFD0] =	vst v0  }
0x2a: {  	[tilespmem:s21+$0xFFFFFFC0] =	vst v0  }
0x2b: {  	[tilespmem:s21+$0x30] =	vst v0  }
0x2c: {  	[tilespmem:s21+$0x20] =	vst v0  }
0x2d: {  	[tilespmem:s21+$0x10] =	vst v0  }
0x2e: {  	[tilespmem:s21+$0x0] =	vst v0  }
0x2f: {  	[tilespmem:s21+$0xFFFFFFF0] =	vst v0  }
0x30: {  	s22 =	simm.s32 $0x0;
	[tilespmem:s21+$0xFFFFFFE0] =	vst v0  }
.LBB2_6:
0x31: {  	s22 =	sadd.s32 $0x80, s22;
	[tilespmem:s21+$0xFFFFFFD0] =	vst v0;
	s21 =	sadd.s32 $0x80, s21  }
0x32: {  	[tilespmem:s21+$0xFFFFFFC0] =	vst v0;
	p1 =	slt.u32 s22, $0x380  }
0x33: {  	[tilespmem:s21+$0x30] =	vst v0  }
.Ltmp1:
0x34: {  	[tilespmem:s21+$0x20] =	vst v0;
	(pc) =	sbr.rel @p1 .LBB2_6-.Ltmp1, $4  }
0x35: {  	[tilespmem:s21+$0x10] =	vst v0  }
0x36: {  	[tilespmem:s21+$0x0] =	vst v0  }
0x37: {  	[tilespmem:s21+$0xFFFFFFF0] =	vst v0  }
0x38: {  	[tilespmem:s21+$0xFFFFFFE0] =	vst v0  }
0x39: {  	[tilespmem:s21+$0xFFFFFFD0] =	vst v0  }
0x3a: {  	[tilespmem:$0x10C00] =	vst v0  }
0x3b: {  	[tilespmem:$0x10C10] =	vst v0  }
0x3c: {  	[tilespmem:$0x10C20] =	vst v0  }
0x3d: {  	[tilespmem:$0x10C30] =	vst v0  }
0x3e: {  	[tilespmem:$0x10C40] =	vst v0  }
0x3f: {  	[tilespmem:$0x10C50] =	vst v0  }
0x40: {  	[tilespmem:$0x10C60] =	vst v0  }
0x41: {  	[tilespmem:$0x10C70] =	vst v0  }
0x42: {  	[tilespmem:$0x10C80] =	vst v0  }
0x43: {  	[tilespmem:$0x10C90] =	vst v0  }
0x44: {  	[tilespmem:$0x10CA0] =	vst v0  }
0x45: {  	[tilespmem:$0x10CB0] =	vst v0  }
0x46: {  	v6 =	vld [tilespmem:s19+$0xFFFFFFC0];
	_ =	sdelay $0x4  }
0x47: {  	v4 =	vshrl.u32 v6, $0x18  }
0x48: {  	v12 =	vand.u32 $0x7F, v4  }
0x49: {  	(xrf1) =	vunique.msk.u32 $0xffff, v12  }
0x4a: {  	v7 =	vld [tilespmem:s19+$0x0]  }
0x4b: {  	v11 =	vld [tilespmem:s19+$0x10]  }
0x4c: {  	v10 =	vld [tilespmem:s19+$0x20]  }
0x4d: {  	v9 =	vld [tilespmem:s19+$0x30]  }
0x4e: {  	s31 =	sor.u32 s18, s20;
	v8 =	vld [tilespmem:s19+$0xFFFFFFF0]  }
0x4f: {  	v5 =	vshrl.u32 v7, $0x14;
	v4 =	vmov s31  }
0x50: {  	v17 =	vshrl.u32 v11, $0x14;
	v13 =	vand.u32 $0x7FF, v5  }
0x51: {  	v15 =	vshrl.u32 v10, $0x18;
	v17 =	vand.u32 $0x7FF, v17  }
0x52: {  	v18 =	vld [tilespmem:s19+$0xFFFFFFD0];
	v16 =	vshrl.u32 v9, $0x18;
	v15 =	vand.u32 $0x7F, v15  }
0x53: {  	v19 =	vld [tilespmem:s19+$0xFFFFFFE0];
	v11 =	vshrl.u32 v11, $0x18;
	v5 =	vshrl.u32 v8, $0x14;
	v16 =	vand.u32 $0x7F, v16;
	(xrf1) =	vunique.msk.u32 $0xffff, v15  }
0x54: {  	v21 =	vand.u32 $0x7F, v11;
	v14 =	vand.u32 $0x7FF, v5;
	(xrf1) =	vunique.msk.u32 $0xffff, v16;
	v5 =	vld.idx.msk [tilespmem:v4+s9+$0x0], $0xffff  }
0x55: {  	v6 =	vshrl.u32 v6, $0x14;
	(xrf1) =	vunique.msk.u32 $0xffff, v21;
	[tilespmem:v13+s11+$0x0] =	vst.idx.add.s32.msk $0xffff, v1  }
0x56: {  	s21 =	sadd.s32 $0x400, s19;
	v11 =	vand.u32 $0x7FF, v6;
	v6 =	vshrl.u32 v8, $0x18;
	[tilespmem:v17+s11+$0x0] =	vst.idx.add.s32.msk $0xffff, v1  }
0x57: {  	v7 =	vshrl.u32 v7, $0x18;
	v24 =	vand.u32 $0x7F, v6;
	v13 =	vld [tilespmem:s21+$0x0];
	_, v17, vm0 =	vpop (xrf1)  }
0x58: {  	v20 =	vshrl.u32 v18, $0x18;
	v18 =	vshrl.u32 v18, $0x14;
	v8 =	vshrl.u32 v19, $0x18;
	(xrf1) =	vunique.msk.u32 $0xffff, v24  }
0x59: {  	v18 =	vand.u32 $0x7FF, v18;
	v8 =	vand.u32 $0x7F, v8;
	[tilespmem:v14+s11+$0x0] =	vst.idx.add.s32.msk $0xffff, v1;
	v14 =	vshrl.u32 v9, $0x14  }
0x5a: {  	(xrf1) =	vunique.msk.u32 $0xffff, v8;
	v9 =	vand.u32 $0x7F, v7;
	v23 =	vand.u32 $0x7FF, v14;
	v14 =	vshrl.u32 v19, $0x14  }
0x5b: {  	v22 =	vld [tilespmem:s21+$0xFFFFFFC0];
	(xrf1) =	vunique.msk.u32 $0xffff, v9;
	v19 =	vand.u32 $0x7FF, v14  }
0x5c: {  	[tilespmem:v11+s11+$0x0] =	vst.idx.add.s32.msk $0xffff, v1;
	v7 =	vand.u32 $0x7F, v20;
	v20 =	vshrl.u32 v13, $0x14  }
0x5d: {  	(xrf1) =	vunique.msk.u32 $0xffff, v7;
	[tilespmem:v12+s12+$0x0] =	vst.idx.add.s32.msk vm0, v17;
	v12 =	vand.u32 $0x7FF, v20  }
0x5e: {  	[tilespmem:v18+s11+$0x0] =	vst.idx.add.s32.msk $0xffff, v1  }
0x5f: {  	[tilespmem:v23+s11+$0x0] =	vst.idx.add.s32.msk $0xffff, v1  }
0x60: {  	v10 =	vshrl.u32 v10, $0x14;
	[tilespmem:v19+s11+$0x0] =	vst.idx.add.s32.msk $0xffff, v1  }
0x61: {  	v10 =	vand.u32 $0x7FF, v10;
	v17 =	vld [tilespmem:s21+$0xFFFFFFF0];
	_, v18, vm0 =	vpop (xrf1)  }
0x62: {  	_, v19, vm1 =	vpop (xrf1);
	[tilespmem:v12+s11+$0x0] =	vst.idx.add.s32.msk $0xffff, v1;
	v12 =	vshrl.u32 v22, $0x18  }
0x63: {  	v20 =	vld [tilespmem:s21+$0x30];
	_, v23, vm2 =	vpop (xrf1);
	v12 =	vand.u32 $0x7F, v12  }
0x64: {  	v27 =	vld [tilespmem:s21+$0x10];
	(xrf1) =	vunique.msk.u32 $0xffff, v12  }
0x65: {  	v6 =	vld [tilespmem:s21+$0x20]  }
0x66: {  	[tilespmem:v10+s11+$0x0] =	vst.idx.add.s32.msk $0xffff, v1;
	_, v26, vm3 =	vpop (xrf1)  }
0x67: {  	v25 =	vshrl.u32 v17, $0x14;
	[tilespmem:v15+s12+$0x0] =	vst.idx.add.s32.msk vm0, v18  }
0x68: {  	v25 =	vand.u32 $0x7FF, v25;
	v18 =	vshrl.u32 v20, $0x14;
	v15 =	vshrl.u32 v20, $0x18;
	_, v20, vm0 =	vpop (xrf1);
	[tilespmem:v16+s12+$0x0] =	vst.idx.add.s32.msk vm1, v19  }
0x69: {  	[tilespmem:v21+s12+$0x0] =	vst.idx.add.s32.msk vm2, v23;
	_, v21, vm1 =	vpop (xrf1)  }
0x6a: {  	v10 =	vshrl.u32 v22, $0x14;
	v14 =	vld [tilespmem:s21+$0xFFFFFFE0]  }
0x6b: {  	v63 =	vshrl.u32 v27, $0x18;
	v11 =	vld [tilespmem:s21+$0xFFFFFFD0];
	v19 =	vand.u32 $0x7FF, v10;
	v16 =	vshrl.u32 v6, $0x18;
	_, v22, vm2 =	vpop (xrf1)  }
0x6c: {  	v10 =	vand.u32 $0x7F, v15;
	v15 =	vshrl.u32 v27, $0x14;
	v16 =	vand.u32 $0x7F, v16;
	[tilespmem:v24+s12+$0x0] =	vst.idx.add.s32.msk vm3, v26  }
0x6d: {  	s22 =	simm.s32 $0x80;
	v23 =	vand.u32 $0x7FF, v15;
	v15 =	vand.u32 $0x7F, v63;
	(xrf1) =	vunique.msk.u32 $0xffff, v16;
	[tilespmem:v25+s11+$0x0] =	vst.idx.add.s32.msk $0xffff, v1  }
.LBB2_8:
0x6e: {  	s22 =	sadd.s32 $0x80, s22;
	v17 =	vshrl.u32 v17, $0x18;
	v13 =	vshrl.u32 v13, $0x18;
	(xrf1) =	vunique.msk.u32 $0xffff, v10;
	[tilespmem:v8+s12+$0x0] =	vst.idx.add.s32.msk vm0, v20  }
0x6f: {  	v8 =	vshrl.u32 v14, $0x18;
	s21 =	sadd.s32 $0x400, s21;
	p1 =	slt.u32 s22, $0xF80;
	v24 =	vand.u32 $0x7F, v17;
	(xrf1) =	vunique.msk.u32 $0xffff, v15;
	[tilespmem:v9+s12+$0x0] =	vst.idx.add.s32.msk vm1, v21  }
0x70: {  	v14 =	vshrl.u32 v14, $0x14;
	v9 =	vshrl.u32 v11, $0x18;
	v8 =	vand.u32 $0x7F, v8;
	v17 =	vld [tilespmem:s21+$0x20];
	(xrf1) =	vunique.msk.u32 $0xffff, v24  }
0x71: {  	v20 =	vshrl.u32 v11, $0x14;
	v21 =	vand.u32 $0x7FF, v14;
	(xrf1) =	vunique.msk.u32 $0xffff, v8;
	[tilespmem:v7+s12+$0x0] =	vst.idx.add.s32.msk vm2, v22  }
0x72: {  	v7 =	vand.u32 $0x7F, v9;
	v9 =	vand.u32 $0x7F, v13;
	v22 =	vshrl.u32 v6, $0x14;
	[tilespmem:v23+s11+$0x0] =	vst.idx.add.s32.msk $0xffff, v1;
	_, v23, vm0 =	vpop (xrf1)  }
0x73: {  	v13 =	vld [tilespmem:s21+$0x0];
	(xrf1) =	vunique.msk.u32 $0xffff, v9  }
0x74: {  	[tilespmem:v19+s11+$0x0] =	vst.idx.add.s32.msk $0xffff, v1  }
0x75: {  	v18 =	vand.u32 $0x7FF, v18;
	v19 =	vld [tilespmem:s21+$0xFFFFFFC0];
	(xrf1) =	vunique.msk.u32 $0xffff, v7;
	v6 =	vmov v17  }
0x76: {  	v20 =	vand.u32 $0x7FF, v20;
	v11 =	vld [tilespmem:s21+$0xFFFFFFD0]  }
0x77: {  	v14 =	vld [tilespmem:s21+$0xFFFFFFE0]  }
0x78: {  	v25 =	vshrl.u32 v13, $0x14;
	[tilespmem:v12+s12+$0x0] =	vst.idx.add.s32.msk vm0, v23  }
0x79: {  	v17 =	vld [tilespmem:s21+$0xFFFFFFF0];
	v23 =	vand.u32 $0x7FF, v25  }
0x7a: {  	v25 =	vshrl.u32 v19, $0x14;
	v12 =	vshrl.u32 v19, $0x18;
	[tilespmem:v18+s11+$0x0] =	vst.idx.add.s32.msk $0xffff, v1  }
0x7b: {  	v18 =	vand.u32 $0x7FF, v22;
	v12 =	vand.u32 $0x7F, v12;
	[tilespmem:v20+s11+$0x0] =	vst.idx.add.s32.msk $0xffff, v1;
	_, v19, vm1 =	vpop (xrf1)  }
0x7c: {  	(xrf1) =	vunique.msk.u32 $0xffff, v12;
	[tilespmem:v21+s11+$0x0] =	vst.idx.add.s32.msk $0xffff, v1;
	_, v22, vm2 =	vpop (xrf1)  }
0x7d: {  	v26 =	vld [tilespmem:s21+$0x30];
	_, v27, vm3 =	vpop (xrf1)  }
0x7e: {  	v30 =	vshrl.u32 v17, $0x14;
	[tilespmem:v23+s11+$0x0] =	vst.idx.add.s32.msk $0xffff, v1;
	_, v28, vm4 =	vpop (xrf1)  }
0x7f: {  	v23 =	vand.u32 $0x7FF, v30;
	v29 =	vld [tilespmem:s21+$0x10];
	_, v20, vm0 =	vpop (xrf1)  }
0x80: {  	[tilespmem:v18+s11+$0x0] =	vst.idx.add.s32.msk $0xffff, v1  }
.Ltmp2:
0x81: {  	[tilespmem:v16+s12+$0x0] =	vst.idx.add.s32.msk vm1, v19;
	_, v21, vm1 =	vpop (xrf1);
	(pc) =	sbr.rel @p1 .LBB2_8-.Ltmp2, $4  }
0x82: {  	v18 =	vshrl.u32 v26, $0x14;
	v16 =	vshrl.u32 v26, $0x18;
	[tilespmem:v10+s12+$0x0] =	vst.idx.add.s32.msk vm2, v22  }
0x83: {  	v19 =	vand.u32 $0x7FF, v25;
	v25 =	vshrl.u32 v6, $0x18;
	v10 =	vand.u32 $0x7F, v16;
	[tilespmem:v15+s12+$0x0] =	vst.idx.add.s32.msk vm3, v27;
	_, v22, vm2 =	vpop (xrf1)  }
0x84: {  	v16 =	vand.u32 $0x7F, v25;
	[tilespmem:v23+s11+$0x0] =	vst.idx.add.s32.msk $0xffff, v1;
	v15 =	vshrl.u32 v29, $0x14;
	v26 =	vshrl.u32 v29, $0x18  }
0x85: {  	v23 =	vand.u32 $0x7FF, v15;
	v15 =	vand.u32 $0x7F, v26;
	(xrf1) =	vunique.msk.u32 $0xffff, v16;
	[tilespmem:v24+s12+$0x0] =	vst.idx.add.s32.msk vm4, v28  }
0x86: {  	v17 =	vshrl.u32 v17, $0x18;
	(xrf1) =	vunique.msk.u32 $0xffff, v10  }
0x87: {  	v24 =	vshrl.u32 v14, $0x18;
	v17 =	vand.u32 $0x7F, v17;
	(xrf1) =	vunique.msk.u32 $0xffff, v15  }
0x88: {  	v13 =	vshrl.u32 v13, $0x18;
	v24 =	vand.u32 $0x7F, v24;
	(xrf1) =	vunique.msk.u32 $0xffff, v17  }
0x89: {  	v25 =	vshrl.u32 v11, $0x18;
	v13 =	vand.u32 $0x7F, v13;
	(xrf1) =	vunique.msk.u32 $0xffff, v24  }
0x8a: {  	v25 =	vand.u32 $0x7F, v25;
	(xrf1) =	vunique.msk.u32 $0xffff, v13  }
0x8b: {  	(xrf1) =	vunique.msk.u32 $0xffff, v25;
	_ =	sdelay $0x2  }
0x8c: {  	_, v26, vm3 =	vpop (xrf1)  }
0x8d: {  	[tilespmem:v8+s12+$0x0] =	vst.idx.add.s32.msk vm0, v20;
	v8 =	vshrl.u32 v11, $0x14;
	v11 =	vshrl.u32 v14, $0x14  }
0x8e: {  	[tilespmem:v9+s12+$0x0] =	vst.idx.add.s32.msk vm1, v21;
	v9 =	vand.u32 $0x7FF, v18  }
0x8f: {  	[tilespmem:v7+s12+$0x0] =	vst.idx.add.s32.msk vm2, v22;
	v7 =	vand.u32 $0x7FF, v8  }
0x90: {  	[tilespmem:v23+s11+$0x0] =	vst.idx.add.s32.msk $0xffff, v1;
	v6 =	vshrl.u32 v6, $0x14;
	v8 =	vand.u32 $0x7FF, v11  }
0x91: {  	[tilespmem:v19+s11+$0x0] =	vst.idx.add.s32.msk $0xffff, v1;
	v6 =	vand.u32 $0x7FF, v6;
	_, v11, vm0 =	vpop (xrf1)  }
0x92: {  	[tilespmem:v12+s12+$0x0] =	vst.idx.add.s32.msk vm3, v26;
	_, v12, vm1 =	vpop (xrf1)  }
0x93: {  	[tilespmem:v9+s11+$0x0] =	vst.idx.add.s32.msk $0xffff, v1;
	_, v9, vm2 =	vpop (xrf1)  }
0x94: {  	[tilespmem:v7+s11+$0x0] =	vst.idx.add.s32.msk $0xffff, v1;
	_, v7, vm3 =	vpop (xrf1)  }
0x95: {  	[tilespmem:v8+s11+$0x0] =	vst.idx.add.s32.msk $0xffff, v1;
	_, v8, vm4 =	vpop (xrf1)  }
0x96: {  	[tilespmem:v6+s11+$0x0] =	vst.idx.add.s32.msk $0xffff, v1;
	_, v6, vm5 =	vpop (xrf1)  }
0x97: {  	[tilespmem:v16+s12+$0x0] =	vst.idx.add.s32.msk vm0, v11;
	_, v11, vm0 =	vpop (xrf1)  }
0x98: {  	[tilespmem:v10+s12+$0x0] =	vst.idx.add.s32.msk vm1, v12  }
0x99: {  	[tilespmem:v15+s12+$0x0] =	vst.idx.add.s32.msk vm2, v9  }
0x9a: {  	[tilespmem:v17+s12+$0x0] =	vst.idx.add.s32.msk vm3, v7  }
0x9b: {  	[tilespmem:v24+s12+$0x0] =	vst.idx.add.s32.msk vm4, v8  }
0x9c: {  	[tilespmem:v13+s12+$0x0] =	vst.idx.add.s32.msk vm5, v6  }
0x9d: {  	[tilespmem:v25+s12+$0x0] =	vst.idx.add.s32.msk vm0, v11  }
0x9e: {  	v6 =	vld [tilespmem:$0x10C00];
	_ =	sdelay $0x1  }
0x9f: {  	v7 =	vld [tilespmem:$0x10C10];
	_ =	sdelay $0x2  }
0xa0: {  	(xrf0) =	vadd.scan.msk.s32 $0xffff, v6;
	v6 =	vld [tilespmem:$0x10C20];
	_ =	sdelay $0x1  }
0xa1: {  	(xrf0) =	vadd.scan.msk.s32 $0xffff, v7  }
0xa2: {  	v7 =	vld [tilespmem:$0x10C30];
	_ =	sdelay $0x1  }
0xa3: {  	(xrf0) =	vadd.scan.msk.s32 $0xffff, v6  }
0xa4: {  	v8 =	vld [tilespmem:$0x10C40];
	v6, _, _ =	vpop (xrf0)  }
0xa5: {  	v9 =	vperm.xlane v6, v2  }
0xa6: {  	(xrf0) =	vadd.scan.msk.s32 $0xffff, v7;
	v10, _, _ =	vpop (xrf0)  }
0xa7: {  	v7 =	vld [tilespmem:$0x10C50];
	v9 =	vadd.s32 v10, v9  }
0xa8: {  	v10 =	vperm.xlane v9, v2  }
0xa9: {  	(xrf0) =	vadd.scan.msk.s32 $0xffff, v8;
	v11, _, _ =	vpop (xrf0)  }
0xaa: {  	v8 =	vld [tilespmem:$0x10C60];
	vm1 =	vgt.s32 v6, $0x0;
	v10 =	vadd.s32 v11, v10  }
0xab: {  	vm0 =	vle.s32 v6, v5;
	v6 =	vnsel vm1, $0x0, v6;
	v11 =	vperm.xlane v10, v2  }
0xac: {  	v6 =	vnsel vm0, $0x0, v6;
	v12, _, _ =	vpop (xrf0);
	(xrf0) =	vadd.scan.msk.s32 $0xffff, v7  }
0xad: {  	vm2 =	vgt.s32 v6, v9;
	v7 =	vld [tilespmem:$0x10C70];
	v11 =	vadd.s32 v12, v11  }
0xae: {  	vm1 =	vle.s32 v9, v5;
	v9 =	vsel vm2, v6, v9;
	v12 =	vperm.xlane v11, v2  }
0xaf: {  	v6 =	vsel vm1, v9, v6;
	v13, _, _ =	vpop (xrf0);
	(xrf0) =	vadd.scan.msk.s32 $0xffff, v8  }
0xb0: {  	vm3 =	vgt.s32 v6, v10;
	v8 =	vadd.s32 v13, v12  }
0xb1: {  	vm2 =	vle.s32 v10, v5;
	v9 =	vsel vm3, v6, v10;
	v10 =	vperm.xlane v8, v2  }
0xb2: {  	v6 =	vsel vm2, v9, v6;
	v12, _, _ =	vpop (xrf0);
	(xrf0) =	vadd.scan.msk.s32 $0xffff, v7  }
0xb3: {  	vm3 =	vle.s32 v11, v5;
	vm4 =	vgt.s32 v6, v11;
	v7 =	vadd.s32 v12, v10  }
0xb4: {  	v9 =	vsel vm4, v6, v11;
	vm4 =	vle.s32 v8, v5;
	v10 =	vperm.xlane v7, v2  }
0xb5: {  	v6 =	vsel vm3, v9, v6;
	v8 =	vnsel vm4, $0x0, v8;
	v11, _, _ =	vpop (xrf0)  }
0xb6: {  	vm5 =	vgt.s32 v6, v8;
	vm6 =	vle.s32 v7, v5;
	v9 =	vadd.s32 v11, v10  }
0xb7: {  	v6 =	vsel vm5, v6, v8;
	v7 =	vnsel vm6, $0x0, v7;
	v8 =	vperm.xlane v9, v2  }
0xb8: {  	vm5 =	vgt.s32 v6, v7;
	vm7 =	vle.s32 v9, v5;
	v10, _, _ =	vpop (xrf0)  }
0xb9: {  	v6 =	vsel vm5, v6, v7;
	v7 =	vnsel vm7, $0x0, v9;
	v8 =	vadd.s32 v10, v8  }
0xba: {  	vm5 =	vgt.s32 v6, v7;
	vm8 =	vle.s32 v8, v5  }
0xbb: {  	v6 =	vsel vm5, v6, v7;
	v7 =	vnsel vm8, $0x0, v8  }
0xbc: {  	vm5 =	vgt.s32 v6, v7  }
0xbd: {  	v8 =	vmpcnt.ones.xlane vm1;
	v6 =	vsel vm5, v6, v7;
	v7 =	vmpcnt.ones.xlane vm0  }
0xbe: {  	v9 =	vmpcnt.ones.xlane vm2;
	v6 =	vxor.u32 $0x80000000, v6  }
0xbf: {  	(xrf0) =	vmax.scan.msk.u32 $0xffff, v6;
	v6 =	vadd.s32 v7, v8;
	v7 =	vmpcnt.ones.xlane vm3  }
0xc0: {  	v8 =	vmpcnt.ones.xlane vm4;
	v6 =	vadd.s32 v9, v6  }
0xc1: {  	v6 =	vadd.s32 v7, v6  }
0xc2: {  	v6 =	vadd.s32 v8, v6;
	v8 =	vmpcnt.ones.xlane vm7  }
0xc3: {  	v7 =	vmpcnt.ones.xlane vm6;
	_ =	sdelay $0x1  }
0xc4: {  	v6 =	vadd.s32 v7, v6;
	v7 =	vmpcnt.ones.xlane vm8  }
0xc5: {  	v6 =	vadd.s32 v8, v6;
	v8, _, _ =	vpop (xrf0)  }
0xc6: {  	v6 =	vadd.s32 v7, v6;
	(v2sf) =	vpush v8, $0xF  }
0xc7: {  	v8 =	vshll.u32 v6, $0x4  }
0xc8: {  	v6 =	vor.u32 v3, v8;
	_ =	sdelay $0x4  }
0xc9: {  	v6 =	vld.idx.msk [tilespmem:v6+s11+$0x0], $0xffff;
	_ =	sdelay $0x4  }
0xca: {  	(xrf0) =	vadd.scan.msk.s32 $0xffff, v6;
	_ =	sdelay $0x2  }
0xcb: {  	s21 =	spop (v2sf)  }
0xcc: {  	s21 =	sxor.u32 $0x80000000, s21  }
0xcd: {  	v10 =	vld [tilespmem:s19+$0x20];
	v6 =	vmov s21  }
0xce: {  	v9, _, _ =	vpop (xrf0);
	v6 =	vsub.s32 v5, v6  }
0xcf: {  	vm0 =	vle.s32 v9, v6  }
0xd0: {  	v12 =	vld [tilespmem:s19+$0x10];
	v7 =	vmpcnt.ones.xlane vm0;
	_ =	sdelay $0x1  }
0xd1: {  	v15 =	vld [tilespmem:s19+$0x30];
	v14 =	vshrl.u32 v10, $0xE;
	v11 =	vadd.s32 $0xFFFFFFFF, v7  }
0xd2: {  	v20 =	vld [tilespmem:s19+$0xFFFFFFD0];
	v5 =	vadd.s32 v7, v8;
	v8 =	vshra.s32 v10, $0x14;
	vm0 =	vgt.s32 v11, $0x0  }
0xd3: {  	v22 =	vld [tilespmem:s19+$0xFFFFFFF0];
	v19 =	vand.u32 $0x3F, v14;
	vm5 =	veq.s32 v8, v5;
	v11 =	vnsel vm0, $0x0, v11  }
0xd4: {  	v8 =	vperm.xlane v9, v11;
	v9 =	vshrl.u32 v12, $0xE;
	v11 =	vshra.s32 v12, $0x14  }
0xd5: {  	v13 =	vld [tilespmem:s19+$0xFFFFFFC0];
	(xrf1) =	vunique.msk.u32 vm5, v19;
	v33 =	vand.u32 $0x3F, v9;
	vm4 =	veq.s32 v11, v5  }
0xd6: {  	(xrf1) =	vunique.msk.u32 vm4, v33  }
0xd7: {  	v18 =	vld [tilespmem:s19+$0xFFFFFFE0];
	v23 =	vshrl.u32 v15, $0xA  }
0xd8: {  	v26 =	vshrl.u32 v22, $0xE;
	v28 =	vshrl.u32 v20, $0xA;
	v24 =	vshrl.u32 v12, $0xA  }
0xd9: {  	v16 =	vld [tilespmem:s19+$0x0];
	v29 =	vshra.s32 v22, $0x14;
	v30 =	vand.u32 $0x3FF, v28;
	v28 =	vand.u32 $0x3FF, v24  }
0xda: {  	v9 =	vshrl.u32 v13, $0xA;
	v11 =	vshra.s32 v13, $0x14;
	v13 =	vshrl.u32 v13, $0xE  }
0xdb: {  	v10 =	vshrl.u32 v10, $0xA;
	vm3 =	veq.s32 v11, v5;
	v14 =	vand.u32 $0x3F, v13  }
0xdc: {  	v25 =	vand.u32 $0x3FF, v10;
	v10 =	vshra.s32 v18, $0x14;
	vm1 =	veq.s32 v29, v5;
	(xrf1) =	vunique.msk.u32 vm3, v14  }
0xdd: {  	s21 =	sadd.s32 $0x400, s19;
	vm8 =	veq.s32 v10, v5;
	v21 =	vand.u32 $0x3FF, v9;
	v9 =	vshra.s32 v15, $0x14  }
0xde: {  	v17 =	vld [tilespmem:s21+$0xFFFFFFE0];
	v11 =	vshrl.u32 v15, $0xE;
	vm7 =	veq.s32 v9, v5;
	v9 =	vshra.s32 v16, $0x14  }
0xdf: {  	v27 =	vld [tilespmem:s21+$0x20];
	v11 =	vand.u32 $0x3F, v11;
	vm6 =	veq.s32 v9, v5;
	v9 =	vshrl.u32 v18, $0xE  }
0xe0: {  	v34 =	vld [tilespmem:s21+$0x10];
	v12 =	vshrl.u32 v20, $0xE;
	v13 =	vshrl.u32 v16, $0xE;
	(xrf1) =	vunique.msk.u32 vm7, v11;
	v9 =	vand.u32 $0x3F, v9  }
0xe1: {  	v10 =	vand.u32 $0x3F, v12;
	v15 =	vld [tilespmem:s21+$0xFFFFFFD0];
	v12 =	vand.u32 $0x3F, v13;
	v13 =	vshra.s32 v20, $0x14;
	(xrf1) =	vunique.msk.u32 vm8, v9  }
0xe2: {  	v20 =	vld [tilespmem:s21+$0x30];
	v18 =	vshrl.u32 v18, $0xA;
	vm0 =	veq.s32 v13, v5;
	v13 =	vand.u32 $0x3F, v26;
	(xrf1) =	vunique.msk.u32 vm6, v12  }
0xe3: {  	[tilespmem:v25+s13+$0x0] =	vst.idx.add.s32.msk vm5, v1;
	v18 =	vand.u32 $0x3FF, v18;
	_, v32, vm9 =	vpop (xrf1);
	(xrf1) =	vunique.msk.u32 vm1, v13  }
0xe4: {  	v26 =	vld [tilespmem:s21+$0xFFFFFFC0];
	v25 =	vshrl.u32 v16, $0xA;
	v16 =	vshrl.u32 v22, $0xA;
	vm5 =	vmand vm5, vm9;
	_, v36, vm9 =	vpop (xrf1);
	(xrf1) =	vunique.msk.u32 vm0, v10  }
0xe5: {  	v35 =	vand.u32 $0x3FF, v16;
	v16 =	vld [tilespmem:s21+$0xFFFFFFF0]  }
0xe6: {  	v31 =	vand.u32 $0x3FF, v23;
	[tilespmem:v28+s13+$0x0] =	vst.idx.add.s32.msk vm4, v1  }
0xe7: {  	v24 =	vshrl.u32 v27, $0xA;
	vm6 =	vmmov vm6;
	[tilespmem:v21+s13+$0x0] =	vst.idx.add.s32.msk vm3, v1  }
0xe8: {  	vm2 =	vmmov vm8;
	v25 =	vand.u32 $0x3FF, v25;
	v23 =	vshrl.u32 v20, $0xA;
	[tilespmem:v18+s13+$0x0] =	vst.idx.add.s32.msk vm8, v1  }
0xe9: {  	v21 =	vshrl.u32 v26, $0xA;
	v37 =	vshra.s32 v26, $0x14;
	v29 =	vshrl.u32 v26, $0xE;
	v18 =	vld [tilespmem:s21+$0x0]  }
0xea: {  	[tilespmem:v30+s13+$0x0] =	vst.idx.add.s32.msk vm0, v1;
	v30 =	vshra.s32 v27, $0x14;
	v27 =	vshrl.u32 v27, $0xE;
	vm11 =	vmand vm4, vm9;
	_, v28, vm4 =	vpop (xrf1)  }
0xeb: {  	v26 =	vshrl.u32 v34, $0xE;
	[tilespmem:v31+s13+$0x0] =	vst.idx.add.s32.msk vm7, v1;
	v31 =	vshra.s32 v20, $0x14;
	vm10 =	vmand vm3, vm4  }
0xec: {  	v20 =	vshrl.u32 v20, $0xE;
	vm8 =	vmmov vm7;
	v21 =	vand.u32 $0x3FF, v21;
	[tilespmem:v35+s13+$0x0] =	vst.idx.add.s32.msk vm1, v1  }
0xed: {  	v22 =	vand.u32 $0x3F, v20;
	v26 =	vand.u32 $0x3F, v26;
	v20 =	vand.u32 $0x3F, v27;
	[tilespmem:v25+s13+$0x0] =	vst.idx.add.s32.msk vm6, v1  }
0xee: {  	vm3 =	veq.s32 v31, v5;
	_, v27, vm4 =	vpop (xrf1);
	v31 =	vshrl.u32 v18, $0xE;
	[tilespmem:v19+s14+$0x0] =	vst.idx.add.s32.msk vm5, v32;
	vm5 =	veq.s32 v30, v5  }
0xef: {  	vm9 =	vmand vm8, vm4;
	vm4 =	veq.s32 v37, v5;
	_, v19, vm8 =	vpop (xrf1);
	v30 =	vshra.s32 v18, $0x14;
	(xrf1) =	vunique.msk.u32 vm5, v20  }
0xf0: {  	s22 =	simm.s32 $0x80;
	v32 =	vshra.s32 v34, $0x14;
	_, v25, vm12 =	vpop (xrf1);
	vm7 =	veq.s32 v30, v5;
	v30 =	vshrl.u32 v34, $0xA;
	[tilespmem:v33+s14+$0x0] =	vst.idx.add.s32.msk vm11, v36  }
.LBB2_10:
0xf1: {  	s22 =	sadd.s32 $0x80, s22;
	v33 =	vshrl.u32 v17, $0xE;
	v34 =	vshrl.u32 v16, $0xE;
	vm11 =	veq.s32 v32, v5;
	s21 =	sadd.s32 $0x400, s21;
	[tilespmem:v14+s14+$0x0] =	vst.idx.add.s32.msk vm10, v28;
	_, v32, vm13 =	vpop (xrf1)  }
0xf2: {  	v35 =	vshrl.u32 v15, $0xE;
	v36 =	vand.u32 $0x3FF, v24;
	v28 =	vld [tilespmem:s21+$0xFFFFFFD0];
	p1 =	slt.u32 s22, $0xF80;
	v33 =	vand.u32 $0x3F, v33;
	(xrf1) =	vunique.msk.u32 vm11, v26;
	_, v37, vm14 =	vpop (xrf1)  }
0xf3: {  	v14 =	vand.u32 $0x3F, v29;
	v29 =	vshra.s32 v17, $0x14;
	v38 =	vmovc v9;
	v35 =	vand.u32 $0x3F, v35;
	v24 =	vld [tilespmem:s21+$0xFFFFFFE0];
	v9 =	vmovc v33  }
0xf4: {  	v39 =	vshrl.u32 v15, $0xA;
	v15 =	vshra.s32 v15, $0x14;
	vm10 =	vmand vm6, vm12;
	v40 =	vmovc v26;
	v33 =	vld [tilespmem:s21+$0x20];
	(xrf1) =	vunique.msk.u32 vm4, v14  }
0xf5: {  	v34 =	vand.u32 $0x3F, v34;
	vm12 =	vmand vm0, vm14;
	vm0 =	veq.s32 v15, v5;
	v26 =	vld [tilespmem:s21+$0x30]  }
0xf6: {  	v44 =	vshrl.u32 v17, $0xA;
	v39 =	vand.u32 $0x3FF, v39;
	vm6 =	veq.s32 v29, v5;
	v41 =	vld [tilespmem:s21+$0xFFFFFFC0]  }
0xf7: {  	v31 =	vand.u32 $0x3F, v31;
	v30 =	vand.u32 $0x3FF, v30;
	v42 =	vand.u32 $0x3FF, v44;
	v29 =	vld [tilespmem:s21+$0xFFFFFFF0];
	(xrf1) =	vunique.msk.u32 vm3, v22;
	v15 =	vmovc v28  }
0xf8: {  	v43 =	vshrl.u32 v18, $0xA;
	v23 =	vand.u32 $0x3FF, v23;
	v28 =	vshra.s32 v16, $0x14;
	v18 =	vld [tilespmem:s21+$0x0];
	(xrf1) =	vunique.msk.u32 vm6, v9;
	v17 =	vmovc v24  }
0xf9: {  	vm8 =	vmand vm2, vm8;
	vm13 =	vmand vm1, vm13;
	(xrf1) =	vunique.msk.u32 vm7, v31;
	[tilespmem:v11+s14+$0x0] =	vst.idx.add.s32.msk vm9, v27;
	v11 =	vmovc v22  }
0xfa: {  	vm1 =	veq.s32 v28, v5;
	v24 =	vshrl.u32 v33, $0xA;
	v22 =	vshrl.u32 v16, $0xA;
	[tilespmem:v36+s13+$0x0] =	vst.idx.add.s32.msk vm5, v1  }
0xfb: {  	v27 =	vand.u32 $0x3FF, v43;
	v36 =	vand.u32 $0x3FF, v22;
	[tilespmem:v21+s13+$0x0] =	vst.idx.add.s32.msk vm4, v1;
	(xrf1) =	vunique.msk.u32 vm1, v34  }
0xfc: {  	vm2 =	vmmov vm6;
	vm9 =	vmmov vm3;
	[tilespmem:v42+s13+$0x0] =	vst.idx.add.s32.msk vm6, v1;
	(xrf1) =	vunique.msk.u32 vm0, v35;
	v16 =	vmovc v29  }
0xfd: {  	vm6 =	vmmov vm7;
	v42 =	vld [tilespmem:s21+$0x10];
	_, v43, vm14 =	vpop (xrf1)  }
0xfe: {  	[tilespmem:v30+s13+$0x0] =	vst.idx.add.s32.msk vm11, v1;
	vm5 =	vmand vm5, vm14  }
0xff: {  	v21 =	vshrl.u32 v41, $0xA;
	[tilespmem:v23+s13+$0x0] =	vst.idx.add.s32.msk vm3, v1  }
0x100: {  	_, v44, vm3 =	vpop (xrf1);
	[tilespmem:v12+s14+$0x0] =	vst.idx.add.s32.msk vm10, v25;
	v12 =	vmov v31  }
0x101: {  	v21 =	vand.u32 $0x3FF, v21;
	v23 =	vshrl.u32 v26, $0xA;
	[tilespmem:v39+s13+$0x0] =	vst.idx.add.s32.msk vm0, v1;
	vm11 =	vmand vm11, vm3  }
0x102: {  	v29 =	vshrl.u32 v41, $0xE;
	v30 =	vshra.s32 v41, $0x14;
	v25 =	vshrl.u32 v42, $0xE;
	_, v28, vm3 =	vpop (xrf1);
	[tilespmem:v13+s14+$0x0] =	vst.idx.add.s32.msk vm13, v32  }
0x103: {  	v22 =	vshrl.u32 v26, $0xE;
	v31 =	vshra.s32 v26, $0x14;
	v13 =	vmovc v34;
	vm10 =	vmand vm4, vm3;
	[tilespmem:v10+s14+$0x0] =	vst.idx.add.s32.msk vm12, v37;
	v10 =	vmovc v35  }
.Ltmp3:
0x104: {  	v22 =	vand.u32 $0x3F, v22;
	v26 =	vshra.s32 v33, $0x14;
	v32 =	vshrl.u32 v33, $0xE;
	[tilespmem:v20+s14+$0x0] =	vst.idx.add.s32.msk vm5, v43;
	(pc) =	sbr.rel @p1 .LBB2_10-.Ltmp3, $4  }
0x105: {  	vm3 =	veq.s32 v31, v5;
	vm5 =	veq.s32 v26, v5;
	v20 =	vand.u32 $0x3F, v32;
	[tilespmem:v27+s13+$0x0] =	vst.idx.add.s32.msk vm7, v1;
	_, v27, vm4 =	vpop (xrf1)  }
0x106: {  	v32 =	vshra.s32 v42, $0x14;
	v26 =	vand.u32 $0x3F, v25;
	vm9 =	vmand vm9, vm4;
	[tilespmem:v38+s14+$0x0] =	vst.idx.add.s32.msk vm8, v19;
	_, v19, vm8 =	vpop (xrf1)  }
0x107: {  	v33 =	vshra.s32 v18, $0x14;
	v31 =	vshrl.u32 v18, $0xE;
	(xrf1) =	vunique.msk.u32 vm5, v20;
	[tilespmem:v36+s13+$0x0] =	vst.idx.add.s32.msk vm1, v1;
	_, v25, vm12 =	vpop (xrf1)  }
0x108: {  	vm7 =	veq.s32 v33, v5;
	vm4 =	veq.s32 v30, v5;
	v30 =	vshrl.u32 v42, $0xA;
	[tilespmem:v40+s14+$0x0] =	vst.idx.add.s32.msk vm11, v44  }
0x109: {  	vm13 =	veq.s32 v32, v5  }
0x10a: {  	v29 =	vand.u32 $0x3F, v29;
	(xrf1) =	vunique.msk.u32 vm13, v26  }
0x10b: {  	v61 =	vshrl.u32 v17, $0xE;
	v33 =	vshrl.u32 v16, $0xE;
	v34 =	vshra.s32 v17, $0x14;
	(xrf1) =	vunique.msk.u32 vm4, v29  }
0x10c: {  	v35 =	vshrl.u32 v15, $0xE;
	v32 =	vand.u32 $0x3F, v61;
	vm11 =	veq.s32 v34, v5;
	(xrf1) =	vunique.msk.u32 vm3, v22  }
0x10d: {  	v24 =	vand.u32 $0x3FF, v24;
	v31 =	vand.u32 $0x3F, v31;
	v62 =	vshra.s32 v16, $0x14;
	(xrf1) =	vunique.msk.u32 vm11, v32  }
0x10e: {  	v36 =	vshra.s32 v15, $0x14;
	v33 =	vand.u32 $0x3F, v33;
	vm14 =	veq.s32 v62, v5;
	(xrf1) =	vunique.msk.u32 vm7, v31  }
0x10f: {  	v23 =	vand.u32 $0x3FF, v23;
	v63 =	vand.u32 $0x3F, v35;
	vm15 =	veq.s32 v36, v5;
	(xrf1) =	vunique.msk.u32 vm14, v33  }
0x110: {  	[tilespmem:v14+s14+$0x0] =	vst.idx.add.s32.msk vm10, v28;
	v37 =	vand.u32 $0x3FF, v30;
	vm6 =	vmand vm6, vm12;
	(xrf1) =	vunique.msk.u32 vm15, v63  }
0x111: {  	[tilespmem:v11+s14+$0x0] =	vst.idx.add.s32.msk vm9, v27;
	vm2 =	vmand vm2, vm8  }
0x112: {  	[tilespmem:v21+s13+$0x0] =	vst.idx.add.s32.msk vm4, v1;
	v36 =	vshrl.u32 v17, $0xA  }
0x113: {  	_, v11, vm9 =	vpop (xrf1);
	v38 =	vshrl.u32 v15, $0xA;
	v17 =	vand.u32 $0x3FF, v36;
	[tilespmem:v24+s13+$0x0] =	vst.idx.add.s32.msk vm5, v1  }
0x114: {  	vm1 =	vmand vm1, vm9;
	_, v39, vm12 =	vpop (xrf1);
	v15 =	vand.u32 $0x3FF, v38;
	[tilespmem:v23+s13+$0x0] =	vst.idx.add.s32.msk vm3, v1  }
0x115: {  	vm0 =	vmand vm0, vm12;
	[tilespmem:v37+s13+$0x0] =	vst.idx.add.s32.msk vm13, v1  }
0x116: {  	v41 =	vshrl.u32 v18, $0xA;
	vm7 =	vmmov vm7;
	[tilespmem:v12+s14+$0x0] =	vst.idx.add.s32.msk vm6, v25  }
0x117: {  	v43 =	vshrl.u32 v16, $0xA;
	v14 =	vand.u32 $0x3FF, v41;
	[tilespmem:v9+s14+$0x0] =	vst.idx.add.s32.msk vm2, v19;
	_, v40, vm12 =	vpop (xrf1)  }
0x118: {  	v12 =	vand.u32 $0x3FF, v43;
	[tilespmem:v17+s13+$0x0] =	vst.idx.add.s32.msk vm11, v1;
	vm5 =	vmand vm5, vm12;
	_, v42, vm8 =	vpop (xrf1)  }
0x119: {  	[tilespmem:v15+s13+$0x0] =	vst.idx.add.s32.msk vm15, v1;
	_, v44, vm12 =	vpop (xrf1);
	vm8 =	vmand vm13, vm8  }
0x11a: {  	[tilespmem:v13+s14+$0x0] =	vst.idx.add.s32.msk vm1, v11;
	vm13 =	vmmov vm3;
	_, v11, vm1 =	vpop (xrf1);
	vm9 =	vmand vm4, vm12  }
0x11b: {  	[tilespmem:v10+s14+$0x0] =	vst.idx.add.s32.msk vm0, v39;
	_, v10, vm0 =	vpop (xrf1);
	vm1 =	vmand vm13, vm1;
	vm13 =	vmmov vm11  }
0x11c: {  	[tilespmem:v14+s13+$0x0] =	vst.idx.add.s32.msk vm7, v1;
	_, v45, vm10 =	vpop (xrf1);
	vm0 =	vmand vm13, vm0  }
0x11d: {  	[tilespmem:v12+s13+$0x0] =	vst.idx.add.s32.msk vm14, v1;
	_, v46, vm12 =	vpop (xrf1);
	vm3 =	vmand vm7, vm10  }
0x11e: {  	[tilespmem:v20+s14+$0x0] =	vst.idx.add.s32.msk vm5, v40;
	_, v9, vm2 =	vpop (xrf1);
	vm5 =	vmand vm14, vm12  }
0x11f: {  	vm2 =	vmand vm15, vm2;
	[tilespmem:v26+s14+$0x0] =	vst.idx.add.s32.msk vm8, v42  }
0x120: {  	[tilespmem:v29+s14+$0x0] =	vst.idx.add.s32.msk vm9, v44  }
0x121: {  	[tilespmem:v22+s14+$0x0] =	vst.idx.add.s32.msk vm1, v11  }
0x122: {  	[tilespmem:v32+s14+$0x0] =	vst.idx.add.s32.msk vm0, v10  }
0x123: {  	[tilespmem:v31+s14+$0x0] =	vst.idx.add.s32.msk vm3, v45  }
0x124: {  	[tilespmem:v33+s14+$0x0] =	vst.idx.add.s32.msk vm5, v46  }
0x125: {  	[tilespmem:v63+s14+$0x0] =	vst.idx.add.s32.msk vm2, v9  }
0x126: {  	v9 =	vld [tilespmem:$0x10C80];
	_ =	sdelay $0x1  }
0x127: {  	v10 =	vld [tilespmem:$0x10C90];
	_ =	sdelay $0x2  }
0x128: {  	v47 =	vld [tilespmem:$0x10CA0];
	(xrf0) =	vadd.scan.msk.s32 $0xffff, v9;
	_ =	sdelay $0x1  }
0x129: {  	(xrf0) =	vadd.scan.msk.s32 $0xffff, v10  }
0x12a: {  	v48 =	vld [tilespmem:$0x10CB0];
	_ =	sdelay $0x1  }
0x12b: {  	vm6 =	veq.s32 v7, $0x0;
	(xrf0) =	vadd.scan.msk.s32 $0xffff, v47  }
0x12c: {  	v8 =	vsel vm6, $0x0, v8;
	v49, _, _ =	vpop (xrf0)  }
0x12d: {  	v6 =	vsub.s32 v6, v8;
	vm7 =	vgt.s32 v49, $0x0;
	v50 =	vperm.xlane v49, v2  }
0x12e: {  	(xrf0) =	vadd.scan.msk.s32 $0xffff, v48;
	v51, _, _ =	vpop (xrf0);
	vm8 =	vle.s32 v49, v6;
	v7 =	vnsel vm7, $0x0, v49  }
0x12f: {  	v7 =	vnsel vm8, $0x0, v7;
	v8 =	vadd.s32 v51, v50  }
0x130: {  	vm9 =	vgt.s32 v7, v8;
	v9 =	vperm.xlane v8, v2  }
0x131: {  	v52, _, _ =	vpop (xrf0);
	vm10 =	vle.s32 v8, v6;
	v8 =	vsel vm9, v7, v8  }
0x132: {  	v7 =	vsel vm10, v8, v7;
	v53 =	vadd.s32 v52, v9  }
0x133: {  	vm11 =	vgt.s32 v7, v53;
	v9 =	vperm.xlane v53, v2  }
0x134: {  	v54, _, _ =	vpop (xrf0);
	vm12 =	vle.s32 v53, v6;
	v8 =	vsel vm11, v7, v53  }
0x135: {  	v7 =	vsel vm12, v8, v7;
	v55 =	vadd.s32 v54, v9  }
0x136: {  	vm13 =	vgt.s32 v7, v55  }
0x137: {  	vm14 =	vle.s32 v55, v6;
	v8 =	vsel vm13, v7, v55  }
0x138: {  	v7 =	vsel vm14, v8, v7  }
0x139: {  	v7 =	vxor.u32 $0x80000000, v7  }
0x13a: {  	(xrf0) =	vmax.scan.msk.u32 $0xffff, v7;
	_ =	sdelay $0x2  }
0x13b: {  	v56 =	vmpcnt.ones.xlane vm8;
	v57 =	vmpcnt.ones.xlane vm10  }
0x13c: {  	v58 =	vmpcnt.ones.xlane vm12  }
0x13d: {  	v59 =	vmpcnt.ones.xlane vm14;
	v7 =	vadd.s32 v56, v57  }
0x13e: {  	v7 =	vadd.s32 v58, v7;
	v60, _, _ =	vpop (xrf0)  }
0x13f: {  	v7 =	vadd.s32 v59, v7;
	(v2sf) =	vpush v60, $0xF  }
0x140: {  	v7 =	vshll.u32 v7, $0x4  }
0x141: {  	v61 =	vor.u32 v3, v7;
	_ =	sdelay $0x4  }
0x142: {  	v8 =	vld.idx.msk [tilespmem:v61+s13+$0x0], $0xffff;
	_ =	sdelay $0x4  }
0x143: {  	(xrf0) =	vadd.scan.msk.s32 $0xffff, v8;
	_ =	sdelay $0x2  }
0x144: {  	s21 =	spop (v2sf)  }
0x145: {  	s21 =	sxor.u32 $0x80000000, s21  }
0x146: {  	v62 =	vmov s21  }
0x147: {  	v63, _, _ =	vpop (xrf0);
	v6 =	vsub.s32 v6, v62  }
0x148: {  	vm15 =	vle.s32 v63, v6  }
0x149: {  	s20 =	sadd.s32 $0x1, s20;
	v6 =	vmpcnt.ones.xlane vm15  }
0x14a: {  	p1 =	sne.s32 s20, $0x8  }
.Ltmp4:
0x14b: {  	v6 =	vadd.s32 v6, v7;
	(pc) =	sbr.rel @p1 .LBB2_3-.Ltmp4, $4  }
0x14c: {  	v5 =	vshll.u32 v5, $0x14;
	v6 =	vshll.u32 v6, $0xA  }
0x14d: {  	v5 =	vor.u32 v6, v5  }
0x14e: {  	v5 =	vor.u32 $0x200, v5  }
0x14f: {  	s19 =	sadd.s32 $0x80, s19;
	[tilespmem:v4+s15+$0x0] =	vst.idx.msk $0x1, v5  }
0x150: {  	s17 =	sadd.s32 $0x1, s17  }
0x151: {  	p1 =	sne.s32 s17, $0x8  }
.Ltmp5:
0x152: {  	_ = 	snop;
	(pc) =	sbr.rel @p1 .LBB2_2-.Ltmp5, $2  }
0x153: {  	_ =	sdelay $0x2  }
0x154: {  	p0 =	por !p0, !p0  }
0x155: {  	s16 =	sadd.s32 $0x1, s16  }
0x156: {  	p0 =	sne.s32 s16, s8  }
.Ltmp6:
0x157: {  	_ = 	snop;
	(pc) =	sbr.rel @p0 .LBB2_1-.Ltmp6, $4  }
0x158: {  	[hbm4b:s7+s2] =	stream.linear.scatter [tilespmem:s15], [sflag:$0x3], $0x40, $0x38;
	[tilespmem:$0x10E00] =	vst v63  }
0x159: {  	_ =	swait.ge [sflag:s10], $0x40  }
0x15a: {  	[sflag:s10] =	ssyncset.done $0x0  }
0x15b: {  	[sflag:s10] =	ssyncadd.s32 $0xFFFFFFC0  }
0x15c: {  	_ =	sfence.sel $0x180000  }
0x15d: {  	[bflag:$0x0] =	sbarrier.arrive $0xFFFF  }
0x15e: {  	p0 =	sne.s32 s1, $0x0;
	_ =	strace $0x90000047  }
0x15f: {  	s0 =	sadd.s32 @!p0 $0x100000, s0;
	[bflag:$0x2] =	sbarrier.arrive $0xFFFF  }
0x160: {  	[sflag:s0] =	ssyncadd.tile.s32 @!p0 $0x1;
	_ =	shalt  }
.Lfunc_end2:
_tile_overlayer_lowered:
.L_overlay_start_2:
0x161: {  	(tag) =	ssettag $0x2  }
0x162: {  	s0 =	rddreg [dreg:$0x0];
	s2 =	stileid.u32  }
0x163: {  	s1 =	rddreg [dreg:$0x1];
	p0 =	sne.s32 s2, $0x0  }
0x164: {  	s3 =	rddreg [dreg:$0x2];
	[bflag:$0x3] =	sbarrier.arrive $0xFFFF;
	s2 =	simm.s32 @!p0 $0x1C03  }
0x165: {  	[timem:s3], [sflag:s2] =	dma.local @!p0 [hbm:s0], s1  }
0x166: {  	s0 =	simm.s32 @!p0 $0x3  }
0x167: {  	_ =	swait.ge @!p0 [sflag:s0], s1  }
0x168: {  	s1 =	ssub.s32 @!p0 $0x0, s1;
	[sflag:s0] =	ssyncset.done @!p0 $0x0  }
0x169: {  	[sflag:s0] =	ssyncadd.s32 @!p0 s1  }
0x16a: {  	[bflag:$0x3] =	sbarrier.arrive $0xFFFF  }
0x16b: {  	_ =	shalt  }

// kernel: _run.9.cloned.1.call-start
scs
__scs_entry_jumppad:
0x0: {  	(pc) =	sbr.rel $0x88, $3  }
0x1: {  	(tag) =	ssettag $0x0;
	lr =	simm.s32 $0x1  }
0x2: {  	[smem:$0x3F9E] =	sst lr;
	_ =	strace $0xD0000000  }
0x3: {  	_ = 	snop  }
0x4: {  	_ = 	snop  }
0x5: {  	_ = 	snop  }
0x6: {  	_ = 	snop  }
0x7: {  	_ = 	snop  }
__scs_overlays_trampoline_lowered:
0x8: {  	[smem:$0x3FAD] =	sst s0  }
0x9: {  	[smem:$0x3FAE] =	sst s1  }
0xa: {  	[smem:$0x3FAF] =	sst s2  }
0xb: {  	[smem:$0x3FB0] =	sst s3  }
0xc: {  	[smem:$0x3FB1] =	sst s4  }
0xd: {  	[smem:$0x3FB2] =	sst s5  }
0xe: {  	[smem:$0x3FB3] =	sst s6  }
0xf: {  	[smem:$0x3FB4] =	sst s7  }
0x10: {  	[smem:$0x3FB5] =	sst s8  }
0x11: {  	[smem:$0x3FB6] =	sst s9;
	s0 =	simm.s32 @!p0 $0x0  }
0x12: {  	s1 =	sld [smem:$0x3F9C];
	s0 =	simm.s32 @p0 $0x1  }
0x13: {  	[smem:$0x3FB7] =	sst s0;
	s0 =	simm.s32 @!p1 $0x0  }
0x14: {  	s2 =	sld [smem:$0x3F9B];
	s0 =	simm.s32 @p1 $0x1  }
0x15: {  	[smem:$0x3FB8] =	sst s0;
	s0 =	simm.s32 @!p2 $0x0  }
0x16: {  	s3 =	sld [smem:$0x3FDB];
	s0 =	simm.s32 @p2 $0x1  }
0x17: {  	s4 =	simm.s32 $0x1BF5;
	[smem:$0x3FBA] =	sst s0  }
0x18: {  	s0 =	sld [smem:$0x3F9D];
	_ =	swait.ge [sflag:s4], $0x0  }
0x19: {  	s7 =	sld [smem:$0x3F9E]  }
0x1a: {  	s8 =	sadd.s32 $0xFFFFE003, lr  }
0x1b: {  	s9 =	sadd.s32 $0xFFFFFEF7, lr;
	s5 =	simm.s32 $0xFFFFFFFF;
	p2 =	slt.u32 s8, $0xFFFFF086  }
0x1c: {  	p1 =	slt.u32 s9, $0xF7A;
	s5 =	simm.s32 @!p2 $0x0  }
0x1d: {  	s5 =	simm.s32 @p1 $0x1;
	p0 =	seq.s32 s7, s2  }
0x1e: {  	s7 =	smul.u32 @!p0 $0xF7A, s2;
	p2 =	seq.s32 @!p0 s5, $0x0  }
0x1f: {  	s9 =	smul.u32 $0xF7A, s1;
	s8 =	simm.s32 @!p0 $0x1BF5;
	p2 =	por !p2, p0  }
0x20: {  	[sflag:s8] =	ssyncset.s32 @!p0 $0xFFFFF086;
	s6 =	sadd.s32 @!p0 s3, s7;
	s7 =	simm.s32 @!p0 $0x108  }
0x21: {  	s3 =	sadd.s32 s3, s9;
	s6 =	sadd.s32 @!p0 $0x88, s6;
	s7 =	simm.s32 @p2 $0x1082  }
0x22: {  	[simem:s7], [sflag:s8] =	dma.local @!p0 [hbm:s6], $0xF7A  }
0x23: {  	s9 =	sor.u32 $0xD0000000, s2;
	s6 =	simm.s32 $0x108;
	_ =	swait.ge @!p0 [sflag:s8], $0x0  }
0x24: {  	s3 =	sadd.s32 $0x88, s3;
	s6 =	simm.s32 @!p1 $0x1082;
	[sflag:s4] =	ssyncset.s32 $0xFFFFF086  }
0x25: {  	[simem:s6], [sflag:s4] =	dma.local [hbm:s3], $0xF7A  }
0x26: {  	[smem:$0x3F9E] =	sst s1;
	(tag) =	ssettag s2;
	_ =	strace s9  }
0x27: {  	s1 =	sld [smem:$0x3FAE]  }
0x28: {  	s2 =	sld [smem:$0x3FAF]  }
0x29: {  	s4 =	sld [smem:$0x3FB1]  }
0x2a: {  	p0 =	seq.s32 s5, $0x0;
	s5 =	sld [smem:$0x3FB2]  }
0x2b: {  	s6 =	sld [smem:$0x3FB3]  }
0x2c: {  	s7 =	sld [smem:$0x3FB4]  }
0x2d: {  	s3 =	simm.s32 $0x108;
	s8 =	sld [smem:$0x3FB5]  }
0x2e: {  	s3 =	simm.s32 @!p0 $0x1082;
	s9 =	sld [smem:$0x3FB6]  }
0x2f: {  	lr =	sadd.s32 s0, s3;
	s0 =	sld [smem:$0x3FAD]  }
0x30: {  	s3 =	sld [smem:$0x3FB0]  }
0x31: {  	[smem:$0x3FB9] =	sst s10  }
0x32: {  	s10 =	sld [smem:$0x3FB7];
	_ =	sdelay $0x3  }
0x33: {  	p0 =	seq.s32 s10, $0x1;
	s10 =	sld [smem:$0x3FB9];
	_ =	sdelay $0x3  }
0x34: {  	[smem:$0x3FB9] =	sst s10  }
0x35: {  	s10 =	sld [smem:$0x3FB8];
	_ =	sdelay $0x3  }
0x36: {  	p1 =	seq.s32 s10, $0x1;
	s10 =	sld [smem:$0x3FB9];
	_ =	sdelay $0x3  }
0x37: {  	[smem:$0x3FB9] =	sst s10  }
0x38: {  	s10 =	sld [smem:$0x3FBA]  }
0x39: {  	_ = 	snop;
	(pc) =	sbr.ind lr, $3  }
0x3a: {  	_ = 	snop  }
0x3b: {  	_ = 	snop  }
0x3c: {  	p2 =	seq.s32 s10, $0x1;
	s10 =	sld [smem:$0x3FB9]  }
0x3d: {  	_ =	shalt  }
0x3e: {  	_ =	shalt  }
0x3f: {  	_ =	shalt  }
0x40: {  	_ =	shalt  }
0x41: {  	_ =	shalt  }
0x42: {  	_ =	shalt  }
0x43: {  	_ =	shalt  }
0x44: {  	_ =	shalt  }
0x45: {  	_ =	shalt  }
0x46: {  	_ =	shalt  }
0x47: {  	_ =	shalt  }
0x48: {  	_ =	shalt  }
0x49: {  	_ =	shalt  }
0x4a: {  	_ =	shalt  }
0x4b: {  	_ =	shalt  }
0x4c: {  	_ =	shalt  }
0x4d: {  	_ =	shalt  }
0x4e: {  	_ =	shalt  }
0x4f: {  	_ =	shalt  }
0x50: {  	_ =	shalt  }
0x51: {  	_ =	shalt  }
0x52: {  	_ =	shalt  }
0x53: {  	_ =	shalt  }
0x54: {  	_ =	shalt  }
0x55: {  	_ =	shalt  }
0x56: {  	_ =	shalt  }
0x57: {  	_ =	shalt  }
0x58: {  	_ =	shalt  }
0x59: {  	_ =	shalt  }
0x5a: {  	_ =	shalt  }
0x5b: {  	_ =	shalt  }
0x5c: {  	_ =	shalt  }
0x5d: {  	_ =	shalt  }
0x5e: {  	_ =	shalt  }
0x5f: {  	_ =	shalt  }
0x60: {  	_ =	shalt  }
0x61: {  	_ =	shalt  }
0x62: {  	_ =	shalt  }
0x63: {  	_ =	shalt  }
0x64: {  	_ =	shalt  }
0x65: {  	_ =	shalt  }
0x66: {  	_ =	shalt  }
0x67: {  	_ =	shalt  }
0x68: {  	_ =	shalt  }
0x69: {  	_ =	shalt  }
0x6a: {  	_ =	shalt  }
0x6b: {  	_ =	shalt  }
0x6c: {  	_ =	shalt  }
0x6d: {  	_ =	shalt  }
0x6e: {  	_ =	shalt  }
0x6f: {  	_ =	shalt  }
0x70: {  	_ =	shalt  }
0x71: {  	_ =	shalt  }
0x72: {  	_ =	shalt  }
0x73: {  	_ =	shalt  }
0x74: {  	_ =	shalt  }
0x75: {  	_ =	shalt  }
0x76: {  	_ =	shalt  }
0x77: {  	_ =	shalt  }
0x78: {  	_ =	shalt  }
0x79: {  	_ =	shalt  }
0x7a: {  	_ =	shalt  }
0x7b: {  	_ =	shalt  }
0x7c: {  	_ =	shalt  }
0x7d: {  	_ =	shalt  }
0x7e: {  	_ =	shalt  }
0x7f: {  	_ =	shalt  }
0x80: {  	_ =	shalt  }
0x81: {  	_ =	shalt  }
0x82: {  	_ =	shalt  }
0x83: {  	_ =	shalt  }
0x84: {  	_ =	shalt  }
0x85: {  	_ =	shalt  }
0x86: {  	_ =	shalt  }
0x87: {  	_ =	shalt  }
.Lfunc_end0:
.L_simem_size_0:
called_computation.1_lowered:
.L_overlay_start_0:
0x88: {  	s2 =	sld [smem:$0x3FD9]  }
0x89: {  	s3 =	sld [smem:$0x3FFE];
	_ =	sdelay $0x1  }
0x8a: {  	s1 =	srdreg.scid  }
0x8b: {  	s0 =	sand.u32 $0x1, s1  }
0x8c: {  	s17 =	sshll.u32 s0, $0xA;
	s2 =	sadd.s32 s3, s2  }
0x8d: {  	s2 =	sadd.s32 s2, s17  }
0x8e: {  	[smem:$0x3FC5] =	sst s2  }
0x8f: {  	_ = 	snop  }
0x90: {  	(tm) =	ssettm $0x1  }
0x91: {  	s18 =	sld [smem:$0x3FFB];
	_ =	sdelay $0x3  }
0x92: {  	_ =	strace s18  }
0x93: {  	s2 =	sld [smem:$0x3FFC];
	_ =	sdelay $0x3  }
0x94: {  	_ =	strace s2  }
0x95: {  	s2 =	sld [smem:$0x3FFD];
	_ =	sdelay $0x3  }
0x96: {  	_ =	strace s2  }
0x97: {  	_ =	strace $0x8FFFFFFF  }
0x98: {  	s19 =	sld [smem:$0x3FDB];
	_ =	sdelay $0x1  }
0x99: {  	s20 =	simm.s32 $_scs_section_size  }
0x9a: {  	s4 =	simm.s32 $_size__tile_overlayer_lowered;
	s5 =	simm.s32 $_tile_overlayer_lowered  }
0x9b: {  	s6 =	simm.s32 $0x1BFF;
	s21 =	sshll.u32 s5, $0x1;
	s3 =	sadd.s32 s20, s19  }
0x9c: {  	s22 =	simm.s32 $0x0;
	s4 =	sshll.u32 s4, $0x1;
	s5 =	sadd.s32 s21, s3  }
0x9d: {  	[timem:s22], [sflag:s6] =	dma.local [hbm:s5], s4  }
0x9e: {  	_ =	swait.ge [sflag:s6], s4  }
0x9f: {  	s4 =	ssub.s32 $0x0, s4;
	[sflag:s6] =	ssyncset.done $0x0  }
0xa0: {  	[sflag:s6] =	ssyncadd.s32 s4;
	_ =	sdelay $0x1  }
0xa1: {  	s23 =	simm.s32 $0x1B8B  }
0xa2: {  	_ =	swait.ge [sflag:s23], $0x1  }
0xa3: {  	[sflag:s23] =	ssyncset.done $0x0  }
0xa4: {  	[sflag:s23] =	ssyncadd.s32 $0xFFFFFFFF  }
0xa5: {  	s4 =	sld [smem:$0x0]  }
0xa6: {  	s5 =	sand.u32 $0xFFFFFFFE, s1  }
0xa7: {  	p0 =	sne.s32 s1, s5  }
0xa8: {  	s5 =	sshll.u32 @p0 s5, $0xE  }
0xa9: {  	s5 =	sadd.s32 @p0 $0x11B8D, s5;
	s6 =	sshll.u32 @p0 s4, $0x11  }
0xaa: {  	s5 =	sor.u32 @p0 s6, s5  }
0xab: {  	[sflag:s5] =	ssyncadd.remote.s32 @p0 $0x1;
	_ =	sdelay $0x1  }
0xac: {  	s5 =	simm.s32 @p0 $0x1B8D  }
0xad: {  	_ =	swait.eq @p0 [sflag:s5], $0x1  }
0xae: {  	[sflag:s5] =	ssyncadd.s32 @p0 $0xFFFFFFFF  }
0xaf: {  	s6 =	sshll.u32 @!p0 s1, $0xE  }
0xb0: {  	s6 =	sor.u32 @!p0 $0x4000, s6;
	s5 =	simm.s32 @!p0 $0x1B8D  }
0xb1: {  	s4 =	sshll.u32 @!p0 s4, $0x11;
	s6 =	sadd.s32 @!p0 $0x11B8D, s6;
	_ =	swait.eq @!p0 [sflag:s5], $0x1  }
0xb2: {  	s4 =	sor.u32 @!p0 s4, s6;
	[sflag:s5] =	ssyncadd.s32 @!p0 $0xFFFFFFFF  }
0xb3: {  	s25 =	simm.s32 $0x1B8E;
	s24 =	sld [smem:$0x3FFE];
	[sflag:s4] =	ssyncadd.remote.s32 @!p0 $0x1  }
0xb4: {  	s26 =	simm.s32 $execute0_lowered;
	[smem:$0x3FD2] =	sst s25  }
0xb5: {  	s5 =	sshll.u32 s26, $0x1;
	_ =	strace $0x80000049;
	[dreg:$0x1] =	wrdreg $0xFFFFFFFF  }
0xb6: {  	s28 =	simm.s32 $_size_execute0_lowered;
	s3 =	sadd.s32 s3, s5;
	[dreg:$0x0] =	wrdreg $0x0  }
0xb7: {  	s5 =	sshll.u32 s28, $0x1;
	[dreg:$0x2] =	wrdreg s3  }
0xb8: {  	[dreg:$0x3] =	wrdreg s5  }
0xb9: {  	[dreg:$0x4] =	wrdreg $0xC0  }
0xba: {  	_ =	task [dreg:s22], $0x5FFFF  }
0xbb: {  	[dreg:$0x1] =	wrdreg $0xFFFFFFFF  }
0xbc: {  	[dreg:$0x0] =	wrdreg $0x60  }
0xbd: {  	[dreg:$0x2] =	wrdreg s24  }
0xbe: {  	[dreg:$0x3] =	wrdreg $0xA  }
0xbf: {  	_ =	task.clear_ibuf [dreg:s22], $0x4FFFF;
	_ =	strace $0x90000049  }
0xc0: {  	s29 =	simm.s32 $0xA;
	_ =	strace $0x8000004B  }
0xc1: {  	_ =	swait.ge [sflag:s29], $0x1  }
0xc2: {  	[sflag:s29] =	ssyncadd.s32 $0xFFFFFFFF  }
0xc3: {  	_ =	strace $0x9000004B  }
0xc4: {  	_ =	sfence  }
0xc5: {  	s30 =	sld [smem:$0x0];
	_ =	sdelay $0x2  }
0xc6: {  	s31 =	sshll.u32 s1, $0xD;
	s1 =	sshrl.u32 s1, $0x2  }
0xc7: {  	s4 =	sand.u32 $0x4000, s31;
	s1 =	sadd.s32 s1, s30  }
0xc8: {  	s0 =	sor.u32 s4, s0;
	s1 =	sshll.u32 s1, $0x11  }
0xc9: {  	s0 =	sor.u32 s1, s0  }
0xca: {  	s0 =	sadd.s32 $0x8F2B, s0  }
0xcb: {  	[sflag:s0] =	ssyncadd.remote.s32 $0x1  }
0xcc: {  	_ =	sfence.sel $0xFFFF  }
0xcd: {  	[dreg:$0x0] =	wrdreg $0xFFFFFFFF;
	(pc) =	sbr.abs _section_cstart, $3  }
0xce: {  	[dreg:$0x1] =	wrdreg $0xFFFFFFFF  }
0xcf: {  	_ =	task.clear_ibuf [dreg:s22], $0x2FFFF;
	_ =	strace $0x9FFFFFFF  }
0xd0: {  	(tm) =	ssettm $0x7FFFFFFF  }
0xd1: {  	_ =	shalt  }
tec
execute0_lowered:
.L_overlay_start_1:
0x0: {  	(tag) =	ssettag $0x1  }
0x1: {  	s4 =	rddreg [dreg:$0x0];
	s2 =	srdreg.scid  }
0x2: {  	s0 =	rddreg [dreg:$0x1];
	s1 =	stileid.u32  }
0x3: {  	s10 =	simm.s32 $0x3;
	s11 =	simm.s32 $0x10000;
	s12 =	simm.s32 $0x10C00  }
0x4: {  	s13 =	simm.s32 $0x10800;
	s14 =	simm.s32 $0x10C80;
	s15 =	simm.s32 $0x10D80  }
0x5: {  	s16 =	simm.s32 $0x0;
	s3 =	sand.u32 $0x1, s2;
	s2 =	simm.s32 $0x0  }
0x6: {  	s5 =	sshll.u32 s1, $0x7;
	s6 =	sshll.u32 s3, $0x6;
	[smem:$0x7FF] =	sst s2  }
0x7: {  	s7 =	ssub.s32 $0x2, s3;
	s3 =	sadd.s32 $0x100A00, s4;
	s6 =	sor.u32 s6, s5  }
0x8: {  	_ =	strace $0x8000004A;
	s30 =	sshrl.u32 s7, $0x1;
	s5 =	sshrl.u32 s6, $0x3  }
0x9: {  	s9 =	ssub.s32 s7, s30;
	s31 =	sshll.u32 s6, $0x9;
	s8 =	sadd.s32 s5, s4  }
0xa: {  	v0 =	vimm.s32 $0x0;
	s6 =	sor.u32 $0x8, s6;
	s5 =	sadd.s32 s3, s31;
	s4 =	sadd.s32 $0x600, s8  }
0xb: {  	v1 =	vimm.s32 $0x1;
	v2 =	vimm.s32 $0xF;
	v3 =	vlaneseq.u32;
	s7 =	sadd.s32 $0x200A00, s8;
	s8 =	smax.u32 s9, $0x1;
	s9 =	simm.s32 $0x10D00  }
.LBB2_1:
0xc: {  	[tilespmem:s9], [sflag:$0x3] =	stream.linear.gather [hbm4b:s4+s2], $0x40, $0x38;
	[tilespmem:$0x10E00] =	vst v63  }
0xd: {  	_ =	swait.ge [sflag:s10], $0x40  }
0xe: {  	[sflag:s10] =	ssyncset.done $0x0  }
0xf: {  	p0 =	por $0x0, $0x0;
	s17 =	simm.s32 $0x0;
	[sflag:s10] =	ssyncadd.s32 $0xFFFFFFC0  }
0x10: {  	[tilespmem:s2], [sflag:$0x1] =	stream.linear.gather [hbm4b:s5+s2], $0x8000, $0x38;
	[tilespmem:$0x10E00] =	vst v63  }
.LBB2_2:
0x11: {  	s19 =	simm.s32 $0x1;
	s20 =	sand.u32 $0x1, s17  }
0x12: {  	s18 =	sshll.u32 s17, $0x3;
	p1 =	seq.s32 s17, $0x7;
	s19 =	simm.s32 @!p0 $0x0  }
0x13: {  	s21 =	sadd.s32 $0x1, s20;
	s20 =	sxor.u32 @!p1 $0x1, s20;
	s22 =	sadd.s32 @!p1 s18, s6  }
0x14: {  	s23 =	simm.s32 @!p1 $0x0;
	_ =	swait.ge [sflag:s21], $0x8000;
	s22 =	sshll.u32 @!p1 s22, $0x9  }
0x15: {  	s19 =	sshll.u32 s19, $0xF;
	[sflag:s21] =	ssyncset.done $0x0;
	s22 =	sadd.s32 @!p1 s3, s22  }
0x16: {  	[sflag:s21] =	ssyncadd.s32 $0xFFFF8000;
	s21 =	sshll.u32 @!p1 s20, $0xF;
	s20 =	sadd.s32 @!p1 $0x1, s20  }
0x17: {  	[tilespmem:s21], [sflag:s20] =	stream.linear.gather @!p1 [hbm4b:s22+s23], $0x8000, $0x38;
	[tilespmem:$0x10E00] =	vst v63  }
0x18: {  	s19 =	sor.u32 $0x40, s19;
	s20 =	simm.s32 $0x0  }
.LBB2_3:
0x19: {  	s22 =	simm.s32 $0x10040  }
0x1a: {  	[tilespmem:s22+$0xFFFFFFC0] =	vst v0  }
0x1b: {  	[tilespmem:s22+$0x30] =	vst v0  }
0x1c: {  	[tilespmem:s22+$0x20] =	vst v0  }
0x1d: {  	[tilespmem:s22+$0x10] =	vst v0  }
0x1e: {  	[tilespmem:s22+$0x0] =	vst v0  }
0x1f: {  	[tilespmem:s22+$0xFFFFFFF0] =	vst v0  }
0x20: {  	s23 =	simm.s32 $0x0;
	[tilespmem:s22+$0xFFFFFFE0] =	vst v0  }
.LBB2_4:
0x21: {  	s23 =	sadd.s32 $0x80, s23;
	[tilespmem:s22+$0xFFFFFFD0] =	vst v0;
	s22 =	sadd.s32 $0x80, s22;
	s21 =	simm.s32 $0x10840  }
0x22: {  	[tilespmem:s22+$0xFFFFFFC0] =	vst v0;
	p1 =	slt.u32 s23, $0x780  }
0x23: {  	[tilespmem:s22+$0x30] =	vst v0  }
.Ltmp0:
0x24: {  	[tilespmem:s22+$0x20] =	vst v0;
	(pc) =	sbr.rel @p1 .LBB2_4-.Ltmp0, $4  }
0x25: {  	[tilespmem:s22+$0x10] =	vst v0  }
0x26: {  	[tilespmem:s22+$0x0] =	vst v0  }
0x27: {  	[tilespmem:s22+$0xFFFFFFF0] =	vst v0  }
0x28: {  	[tilespmem:s22+$0xFFFFFFE0] =	vst v0  }
0x29: {  	[tilespmem:s22+$0xFFFFFFD0] =	vst v0  }
0x2a: {  	[tilespmem:s21+$0xFFFFFFC0] =	vst v0  }
0x2b: {  	[tilespmem:s21+$0x30] =	vst v0  }
0x2c: {  	[tilespmem:s21+$0x20] =	vst v0  }
0x2d: {  	[tilespmem:s21+$0x10] =	vst v0  }
0x2e: {  	[tilespmem:s21+$0x0] =	vst v0  }
0x2f: {  	[tilespmem:s21+$0xFFFFFFF0] =	vst v0  }
0x30: {  	s22 =	simm.s32 $0x0;
	[tilespmem:s21+$0xFFFFFFE0] =	vst v0  }
.LBB2_6:
0x31: {  	s22 =	sadd.s32 $0x80, s22;
	[tilespmem:s21+$0xFFFFFFD0] =	vst v0;
	s21 =	sadd.s32 $0x80, s21  }
0x32: {  	[tilespmem:s21+$0xFFFFFFC0] =	vst v0;
	p1 =	slt.u32 s22, $0x380  }
0x33: {  	[tilespmem:s21+$0x30] =	vst v0  }
.Ltmp1:
0x34: {  	[tilespmem:s21+$0x20] =	vst v0;
	(pc) =	sbr.rel @p1 .LBB2_6-.Ltmp1, $4  }
0x35: {  	[tilespmem:s21+$0x10] =	vst v0  }
0x36: {  	[tilespmem:s21+$0x0] =	vst v0  }
0x37: {  	[tilespmem:s21+$0xFFFFFFF0] =	vst v0  }
0x38: {  	[tilespmem:s21+$0xFFFFFFE0] =	vst v0  }
0x39: {  	[tilespmem:s21+$0xFFFFFFD0] =	vst v0  }
0x3a: {  	[tilespmem:$0x10C00] =	vst v0  }
0x3b: {  	[tilespmem:$0x10C10] =	vst v0  }
0x3c: {  	[tilespmem:$0x10C20] =	vst v0  }
0x3d: {  	[tilespmem:$0x10C30] =	vst v0  }
0x3e: {  	[tilespmem:$0x10C40] =	vst v0  }
0x3f: {  	[tilespmem:$0x10C50] =	vst v0  }
0x40: {  	[tilespmem:$0x10C60] =	vst v0  }
0x41: {  	[tilespmem:$0x10C70] =	vst v0  }
0x42: {  	[tilespmem:$0x10C80] =	vst v0  }
0x43: {  	[tilespmem:$0x10C90] =	vst v0  }
0x44: {  	[tilespmem:$0x10CA0] =	vst v0  }
0x45: {  	[tilespmem:$0x10CB0] =	vst v0  }
0x46: {  	v6 =	vld [tilespmem:s19+$0xFFFFFFC0];
	_ =	sdelay $0x4  }
0x47: {  	v4 =	vshrl.u32 v6, $0x18  }
0x48: {  	v12 =	vand.u32 $0x7F, v4  }
0x49: {  	(xrf1) =	vunique.msk.u32 $0xffff, v12  }
0x4a: {  	v7 =	vld [tilespmem:s19+$0x0]  }
0x4b: {  	v11 =	vld [tilespmem:s19+$0x10]  }
0x4c: {  	v10 =	vld [tilespmem:s19+$0x20]  }
0x4d: {  	v9 =	vld [tilespmem:s19+$0x30]  }
0x4e: {  	s31 =	sor.u32 s18, s20;
	v8 =	vld [tilespmem:s19+$0xFFFFFFF0]  }
0x4f: {  	v5 =	vshrl.u32 v7, $0x14;
	v4 =	vmov s31  }
0x50: {  	v17 =	vshrl.u32 v11, $0x14;
	v13 =	vand.u32 $0x7FF, v5  }
0x51: {  	v15 =	vshrl.u32 v10, $0x18;
	v17 =	vand.u32 $0x7FF, v17  }
0x52: {  	v18 =	vld [tilespmem:s19+$0xFFFFFFD0];
	v16 =	vshrl.u32 v9, $0x18;
	v15 =	vand.u32 $0x7F, v15  }
0x53: {  	v19 =	vld [tilespmem:s19+$0xFFFFFFE0];
	v11 =	vshrl.u32 v11, $0x18;
	v5 =	vshrl.u32 v8, $0x14;
	v16 =	vand.u32 $0x7F, v16;
	(xrf1) =	vunique.msk.u32 $0xffff, v15  }
0x54: {  	v21 =	vand.u32 $0x7F, v11;
	v14 =	vand.u32 $0x7FF, v5;
	(xrf1) =	vunique.msk.u32 $0xffff, v16;
	v5 =	vld.idx.msk [tilespmem:v4+s9+$0x0], $0xffff  }
0x55: {  	v6 =	vshrl.u32 v6, $0x14;
	(xrf1) =	vunique.msk.u32 $0xffff, v21;
	[tilespmem:v13+s11+$0x0] =	vst.idx.add.s32.msk $0xffff, v1  }
0x56: {  	s21 =	sadd.s32 $0x400, s19;
	v11 =	vand.u32 $0x7FF, v6;
	v6 =	vshrl.u32 v8, $0x18;
	[tilespmem:v17+s11+$0x0] =	vst.idx.add.s32.msk $0xffff, v1  }
0x57: {  	v7 =	vshrl.u32 v7, $0x18;
	v24 =	vand.u32 $0x7F, v6;
	v13 =	vld [tilespmem:s21+$0x0];
	_, v17, vm0 =	vpop (xrf1)  }
0x58: {  	v20 =	vshrl.u32 v18, $0x18;
	v18 =	vshrl.u32 v18, $0x14;
	v8 =	vshrl.u32 v19, $0x18;
	(xrf1) =	vunique.msk.u32 $0xffff, v24  }
0x59: {  	v18 =	vand.u32 $0x7FF, v18;
	v8 =	vand.u32 $0x7F, v8;
	[tilespmem:v14+s11+$0x0] =	vst.idx.add.s32.msk $0xffff, v1;
	v14 =	vshrl.u32 v9, $0x14  }
0x5a: {  	(xrf1) =	vunique.msk.u32 $0xffff, v8;
	v9 =	vand.u32 $0x7F, v7;
	v23 =	vand.u32 $0x7FF, v14;
	v14 =	vshrl.u32 v19, $0x14  }
0x5b: {  	v22 =	vld [tilespmem:s21+$0xFFFFFFC0];
	(xrf1) =	vunique.msk.u32 $0xffff, v9;
	v19 =	vand.u32 $0x7FF, v14  }
0x5c: {  	[tilespmem:v11+s11+$0x0] =	vst.idx.add.s32.msk $0xffff, v1;
	v7 =	vand.u32 $0x7F, v20;
	v20 =	vshrl.u32 v13, $0x14  }
0x5d: {  	(xrf1) =	vunique.msk.u32 $0xffff, v7;
	[tilespmem:v12+s12+$0x0] =	vst.idx.add.s32.msk vm0, v17;
	v12 =	vand.u32 $0x7FF, v20  }
0x5e: {  	[tilespmem:v18+s11+$0x0] =	vst.idx.add.s32.msk $0xffff, v1  }
0x5f: {  	[tilespmem:v23+s11+$0x0] =	vst.idx.add.s32.msk $0xffff, v1  }
0x60: {  	v10 =	vshrl.u32 v10, $0x14;
	[tilespmem:v19+s11+$0x0] =	vst.idx.add.s32.msk $0xffff, v1  }
0x61: {  	v10 =	vand.u32 $0x7FF, v10;
	v17 =	vld [tilespmem:s21+$0xFFFFFFF0];
	_, v18, vm0 =	vpop (xrf1)  }
0x62: {  	_, v19, vm1 =	vpop (xrf1);
	[tilespmem:v12+s11+$0x0] =	vst.idx.add.s32.msk $0xffff, v1;
	v12 =	vshrl.u32 v22, $0x18  }
0x63: {  	v20 =	vld [tilespmem:s21+$0x30];
	_, v23, vm2 =	vpop (xrf1);
	v12 =	vand.u32 $0x7F, v12  }
0x64: {  	v27 =	vld [tilespmem:s21+$0x10];
	(xrf1) =	vunique.msk.u32 $0xffff, v12  }
0x65: {  	v6 =	vld [tilespmem:s21+$0x20]  }
0x66: {  	[tilespmem:v10+s11+$0x0] =	vst.idx.add.s32.msk $0xffff, v1;
	_, v26, vm3 =	vpop (xrf1)  }
0x67: {  	v25 =	vshrl.u32 v17, $0x14;
	[tilespmem:v15+s12+$0x0] =	vst.idx.add.s32.msk vm0, v18  }
0x68: {  	v25 =	vand.u32 $0x7FF, v25;
	v18 =	vshrl.u32 v20, $0x14;
	v15 =	vshrl.u32 v20, $0x18;
	_, v20, vm0 =	vpop (xrf1);
	[tilespmem:v16+s12+$0x0] =	vst.idx.add.s32.msk vm1, v19  }
0x69: {  	[tilespmem:v21+s12+$0x0] =	vst.idx.add.s32.msk vm2, v23;
	_, v21, vm1 =	vpop (xrf1)  }
0x6a: {  	v10 =	vshrl.u32 v22, $0x14;
	v14 =	vld [tilespmem:s21+$0xFFFFFFE0]  }
0x6b: {  	v63 =	vshrl.u32 v27, $0x18;
	v11 =	vld [tilespmem:s21+$0xFFFFFFD0];
	v19 =	vand.u32 $0x7FF, v10;
	v16 =	vshrl.u32 v6, $0x18;
	_, v22, vm2 =	vpop (xrf1)  }
0x6c: {  	v10 =	vand.u32 $0x7F, v15;
	v15 =	vshrl.u32 v27, $0x14;
	v16 =	vand.u32 $0x7F, v16;
	[tilespmem:v24+s12+$0x0] =	vst.idx.add.s32.msk vm3, v26  }
0x6d: {  	s22 =	simm.s32 $0x80;
	v23 =	vand.u32 $0x7FF, v15;
	v15 =	vand.u32 $0x7F, v63;
	(xrf1) =	vunique.msk.u32 $0xffff, v16;
	[tilespmem:v25+s11+$0x0] =	vst.idx.add.s32.msk $0xffff, v1  }
.LBB2_8:
0x6e: {  	s22 =	sadd.s32 $0x80, s22;
	v17 =	vshrl.u32 v17, $0x18;
	v13 =	vshrl.u32 v13, $0x18;
	(xrf1) =	vunique.msk.u32 $0xffff, v10;
	[tilespmem:v8+s12+$0x0] =	vst.idx.add.s32.msk vm0, v20  }
0x6f: {  	v8 =	vshrl.u32 v14, $0x18;
	s21 =	sadd.s32 $0x400, s21;
	p1 =	slt.u32 s22, $0xF80;
	v24 =	vand.u32 $0x7F, v17;
	(xrf1) =	vunique.msk.u32 $0xffff, v15;
	[tilespmem:v9+s12+$0x0] =	vst.idx.add.s32.msk vm1, v21  }
0x70: {  	v14 =	vshrl.u32 v14, $0x14;
	v9 =	vshrl.u32 v11, $0x18;
	v8 =	vand.u32 $0x7F, v8;
	v17 =	vld [tilespmem:s21+$0x20];
	(xrf1) =	vunique.msk.u32 $0xffff, v24  }
0x71: {  	v20 =	vshrl.u32 v11, $0x14;
	v21 =	vand.u32 $0x7FF, v14;
	(xrf1) =	vunique.msk.u32 $0xffff, v8;
	[tilespmem:v7+s12+$0x0] =	vst.idx.add.s32.msk vm2, v22  }
0x72: {  	v7 =	vand.u32 $0x7F, v9;
	v9 =	vand.u32 $0x7F, v13;
	v22 =	vshrl.u32 v6, $0x14;
	[tilespmem:v23+s11+$0x0] =	vst.idx.add.s32.msk $0xffff, v1;
	_, v23, vm0 =	vpop (xrf1)  }
0x73: {  	v13 =	vld [tilespmem:s21+$0x0];
	(xrf1) =	vunique.msk.u32 $0xffff, v9  }
0x74: {  	[tilespmem:v19+s11+$0x0] =	vst.idx.add.s32.msk $0xffff, v1  }
0x75: {  	v18 =	vand.u32 $0x7FF, v18;
	v19 =	vld [tilespmem:s21+$0xFFFFFFC0];
	(xrf1) =	vunique.msk.u32 $0xffff, v7;
	v6 =	vmov v17  }
0x76: {  	v20 =	vand.u32 $0x7FF, v20;
	v11 =	vld [tilespmem:s21+$0xFFFFFFD0]  }
0x77: {  	v14 =	vld [tilespmem:s21+$0xFFFFFFE0]  }
0x78: {  	v25 =	vshrl.u32 v13, $0x14;
	[tilespmem:v12+s12+$0x0] =	vst.idx.add.s32.msk vm0, v23  }
0x79: {  	v17 =	vld [tilespmem:s21+$0xFFFFFFF0];
	v23 =	vand.u32 $0x7FF, v25  }
0x7a: {  	v25 =	vshrl.u32 v19, $0x14;
	v12 =	vshrl.u32 v19, $0x18;
	[tilespmem:v18+s11+$0x0] =	vst.idx.add.s32.msk $0xffff, v1  }
0x7b: {  	v18 =	vand.u32 $0x7FF, v22;
	v12 =	vand.u32 $0x7F, v12;
	[tilespmem:v20+s11+$0x0] =	vst.idx.add.s32.msk $0xffff, v1;
	_, v19, vm1 =	vpop (xrf1)  }
0x7c: {  	(xrf1) =	vunique.msk.u32 $0xffff, v12;
	[tilespmem:v21+s11+$0x0] =	vst.idx.add.s32.msk $0xffff, v1;
	_, v22, vm2 =	vpop (xrf1)  }
0x7d: {  	v26 =	vld [tilespmem:s21+$0x30];
	_, v27, vm3 =	vpop (xrf1)  }
0x7e: {  	v30 =	vshrl.u32 v17, $0x14;
	[tilespmem:v23+s11+$0x0] =	vst.idx.add.s32.msk $0xffff, v1;
	_, v28, vm4 =	vpop (xrf1)  }
0x7f: {  	v23 =	vand.u32 $0x7FF, v30;
	v29 =	vld [tilespmem:s21+$0x10];
	_, v20, vm0 =	vpop (xrf1)  }
0x80: {  	[tilespmem:v18+s11+$0x0] =	vst.idx.add.s32.msk $0xffff, v1  }
.Ltmp2:
0x81: {  	[tilespmem:v16+s12+$0x0] =	vst.idx.add.s32.msk vm1, v19;
	_, v21, vm1 =	vpop (xrf1);
	(pc) =	sbr.rel @p1 .LBB2_8-.Ltmp2, $4  }
0x82: {  	v18 =	vshrl.u32 v26, $0x14;
	v16 =	vshrl.u32 v26, $0x18;
	[tilespmem:v10+s12+$0x0] =	vst.idx.add.s32.msk vm2, v22  }
0x83: {  	v19 =	vand.u32 $0x7FF, v25;
	v25 =	vshrl.u32 v6, $0x18;
	v10 =	vand.u32 $0x7F, v16;
	[tilespmem:v15+s12+$0x0] =	vst.idx.add.s32.msk vm3, v27;
	_, v22, vm2 =	vpop (xrf1)  }
0x84: {  	v16 =	vand.u32 $0x7F, v25;
	[tilespmem:v23+s11+$0x0] =	vst.idx.add.s32.msk $0xffff, v1;
	v15 =	vshrl.u32 v29, $0x14;
	v26 =	vshrl.u32 v29, $0x18  }
0x85: {  	v23 =	vand.u32 $0x7FF, v15;
	v15 =	vand.u32 $0x7F, v26;
	(xrf1) =	vunique.msk.u32 $0xffff, v16;
	[tilespmem:v24+s12+$0x0] =	vst.idx.add.s32.msk vm4, v28  }
0x86: {  	v17 =	vshrl.u32 v17, $0x18;
	(xrf1) =	vunique.msk.u32 $0xffff, v10  }
0x87: {  	v24 =	vshrl.u32 v14, $0x18;
	v17 =	vand.u32 $0x7F, v17;
	(xrf1) =	vunique.msk.u32 $0xffff, v15  }
0x88: {  	v13 =	vshrl.u32 v13, $0x18;
	v24 =	vand.u32 $0x7F, v24;
	(xrf1) =	vunique.msk.u32 $0xffff, v17  }
0x89: {  	v25 =	vshrl.u32 v11, $0x18;
	v13 =	vand.u32 $0x7F, v13;
	(xrf1) =	vunique.msk.u32 $0xffff, v24  }
0x8a: {  	v25 =	vand.u32 $0x7F, v25;
	(xrf1) =	vunique.msk.u32 $0xffff, v13  }
0x8b: {  	(xrf1) =	vunique.msk.u32 $0xffff, v25;
	_ =	sdelay $0x2  }
0x8c: {  	_, v26, vm3 =	vpop (xrf1)  }
0x8d: {  	[tilespmem:v8+s12+$0x0] =	vst.idx.add.s32.msk vm0, v20;
	v8 =	vshrl.u32 v11, $0x14;
	v11 =	vshrl.u32 v14, $0x14  }
0x8e: {  	[tilespmem:v9+s12+$0x0] =	vst.idx.add.s32.msk vm1, v21;
	v9 =	vand.u32 $0x7FF, v18  }
0x8f: {  	[tilespmem:v7+s12+$0x0] =	vst.idx.add.s32.msk vm2, v22;
	v7 =	vand.u32 $0x7FF, v8  }
0x90: {  	[tilespmem:v23+s11+$0x0] =	vst.idx.add.s32.msk $0xffff, v1;
	v6 =	vshrl.u32 v6, $0x14;
	v8 =	vand.u32 $0x7FF, v11  }
0x91: {  	[tilespmem:v19+s11+$0x0] =	vst.idx.add.s32.msk $0xffff, v1;
	v6 =	vand.u32 $0x7FF, v6;
	_, v11, vm0 =	vpop (xrf1)  }
0x92: {  	[tilespmem:v12+s12+$0x0] =	vst.idx.add.s32.msk vm3, v26;
	_, v12, vm1 =	vpop (xrf1)  }
0x93: {  	[tilespmem:v9+s11+$0x0] =	vst.idx.add.s32.msk $0xffff, v1;
	_, v9, vm2 =	vpop (xrf1)  }
0x94: {  	[tilespmem:v7+s11+$0x0] =	vst.idx.add.s32.msk $0xffff, v1;
	_, v7, vm3 =	vpop (xrf1)  }
0x95: {  	[tilespmem:v8+s11+$0x0] =	vst.idx.add.s32.msk $0xffff, v1;
	_, v8, vm4 =	vpop (xrf1)  }
0x96: {  	[tilespmem:v6+s11+$0x0] =	vst.idx.add.s32.msk $0xffff, v1;
	_, v6, vm5 =	vpop (xrf1)  }
0x97: {  	[tilespmem:v16+s12+$0x0] =	vst.idx.add.s32.msk vm0, v11;
	_, v11, vm0 =	vpop (xrf1)  }
0x98: {  	[tilespmem:v10+s12+$0x0] =	vst.idx.add.s32.msk vm1, v12  }
0x99: {  	[tilespmem:v15+s12+$0x0] =	vst.idx.add.s32.msk vm2, v9  }
0x9a: {  	[tilespmem:v17+s12+$0x0] =	vst.idx.add.s32.msk vm3, v7  }
0x9b: {  	[tilespmem:v24+s12+$0x0] =	vst.idx.add.s32.msk vm4, v8  }
0x9c: {  	[tilespmem:v13+s12+$0x0] =	vst.idx.add.s32.msk vm5, v6  }
0x9d: {  	[tilespmem:v25+s12+$0x0] =	vst.idx.add.s32.msk vm0, v11  }
0x9e: {  	v6 =	vld [tilespmem:$0x10C00];
	_ =	sdelay $0x1  }
0x9f: {  	v7 =	vld [tilespmem:$0x10C10];
	_ =	sdelay $0x2  }
0xa0: {  	(xrf0) =	vadd.scan.msk.s32 $0xffff, v6;
	v6 =	vld [tilespmem:$0x10C20];
	_ =	sdelay $0x1  }
0xa1: {  	(xrf0) =	vadd.scan.msk.s32 $0xffff, v7  }
0xa2: {  	v7 =	vld [tilespmem:$0x10C30];
	_ =	sdelay $0x1  }
0xa3: {  	(xrf0) =	vadd.scan.msk.s32 $0xffff, v6  }
0xa4: {  	v8 =	vld [tilespmem:$0x10C40];
	v6, _, _ =	vpop (xrf0)  }
0xa5: {  	v9 =	vperm.xlane v6, v2  }
0xa6: {  	(xrf0) =	vadd.scan.msk.s32 $0xffff, v7;
	v10, _, _ =	vpop (xrf0)  }
0xa7: {  	v7 =	vld [tilespmem:$0x10C50];
	v9 =	vadd.s32 v10, v9  }
0xa8: {  	v10 =	vperm.xlane v9, v2  }
0xa9: {  	(xrf0) =	vadd.scan.msk.s32 $0xffff, v8;
	v11, _, _ =	vpop (xrf0)  }
0xaa: {  	v8 =	vld [tilespmem:$0x10C60];
	vm1 =	vgt.s32 v6, $0x0;
	v10 =	vadd.s32 v11, v10  }
0xab: {  	vm0 =	vle.s32 v6, v5;
	v6 =	vnsel vm1, $0x0, v6;
	v11 =	vperm.xlane v10, v2  }
0xac: {  	v6 =	vnsel vm0, $0x0, v6;
	v12, _, _ =	vpop (xrf0);
	(xrf0) =	vadd.scan.msk.s32 $0xffff, v7  }
0xad: {  	vm2 =	vgt.s32 v6, v9;
	v7 =	vld [tilespmem:$0x10C70];
	v11 =	vadd.s32 v12, v11  }
0xae: {  	vm1 =	vle.s32 v9, v5;
	v9 =	vsel vm2, v6, v9;
	v12 =	vperm.xlane v11, v2  }
0xaf: {  	v6 =	vsel vm1, v9, v6;
	v13, _, _ =	vpop (xrf0);
	(xrf0) =	vadd.scan.msk.s32 $0xffff, v8  }
0xb0: {  	vm3 =	vgt.s32 v6, v10;
	v8 =	vadd.s32 v13, v12  }
0xb1: {  	vm2 =	vle.s32 v10, v5;
	v9 =	vsel vm3, v6, v10;
	v10 =	vperm.xlane v8, v2  }
0xb2: {  	v6 =	vsel vm2, v9, v6;
	v12, _, _ =	vpop (xrf0);
	(xrf0) =	vadd.scan.msk.s32 $0xffff, v7  }
0xb3: {  	vm3 =	vle.s32 v11, v5;
	vm4 =	vgt.s32 v6, v11;
	v7 =	vadd.s32 v12, v10  }
0xb4: {  	v9 =	vsel vm4, v6, v11;
	vm4 =	vle.s32 v8, v5;
	v10 =	vperm.xlane v7, v2  }
0xb5: {  	v6 =	vsel vm3, v9, v6;
	v8 =	vnsel vm4, $0x0, v8;
	v11, _, _ =	vpop (xrf0)  }
0xb6: {  	vm5 =	vgt.s32 v6, v8;
	vm6 =	vle.s32 v7, v5;
	v9 =	vadd.s32 v11, v10  }
0xb7: {  	v6 =	vsel vm5, v6, v8;
	v7 =	vnsel vm6, $0x0, v7;
	v8 =	vperm.xlane v9, v2  }
0xb8: {  	vm5 =	vgt.s32 v6, v7;
	vm7 =	vle.s32 v9, v5;
	v10, _, _ =	vpop (xrf0)  }
0xb9: {  	v6 =	vsel vm5, v6, v7;
	v7 =	vnsel vm7, $0x0, v9;
	v8 =	vadd.s32 v10, v8  }
0xba: {  	vm5 =	vgt.s32 v6, v7;
	vm8 =	vle.s32 v8, v5  }
0xbb: {  	v6 =	vsel vm5, v6, v7;
	v7 =	vnsel vm8, $0x0, v8  }
0xbc: {  	vm5 =	vgt.s32 v6, v7  }
0xbd: {  	v8 =	vmpcnt.ones.xlane vm1;
	v6 =	vsel vm5, v6, v7;
	v7 =	vmpcnt.ones.xlane vm0  }
0xbe: {  	v9 =	vmpcnt.ones.xlane vm2;
	v6 =	vxor.u32 $0x80000000, v6  }
0xbf: {  	(xrf0) =	vmax.scan.msk.u32 $0xffff, v6;
	v6 =	vadd.s32 v7, v8;
	v7 =	vmpcnt.ones.xlane vm3  }
0xc0: {  	v8 =	vmpcnt.ones.xlane vm4;
	v6 =	vadd.s32 v9, v6  }
0xc1: {  	v6 =	vadd.s32 v7, v6  }
0xc2: {  	v6 =	vadd.s32 v8, v6;
	v8 =	vmpcnt.ones.xlane vm7  }
0xc3: {  	v7 =	vmpcnt.ones.xlane vm6;
	_ =	sdelay $0x1  }
0xc4: {  	v6 =	vadd.s32 v7, v6;
	v7 =	vmpcnt.ones.xlane vm8  }
0xc5: {  	v6 =	vadd.s32 v8, v6;
	v8, _, _ =	vpop (xrf0)  }
0xc6: {  	v6 =	vadd.s32 v7, v6;
	(v2sf) =	vpush v8, $0xF  }
0xc7: {  	v8 =	vshll.u32 v6, $0x4  }
0xc8: {  	v6 =	vor.u32 v3, v8;
	_ =	sdelay $0x4  }
0xc9: {  	v6 =	vld.idx.msk [tilespmem:v6+s11+$0x0], $0xffff;
	_ =	sdelay $0x4  }
0xca: {  	(xrf0) =	vadd.scan.msk.s32 $0xffff, v6;
	_ =	sdelay $0x2  }
0xcb: {  	s21 =	spop (v2sf)  }
0xcc: {  	s21 =	sxor.u32 $0x80000000, s21  }
0xcd: {  	v10 =	vld [tilespmem:s19+$0x20];
	v6 =	vmov s21  }
0xce: {  	v9, _, _ =	vpop (xrf0);
	v6 =	vsub.s32 v5, v6  }
0xcf: {  	vm0 =	vle.s32 v9, v6  }
0xd0: {  	v12 =	vld [tilespmem:s19+$0x10];
	v7 =	vmpcnt.ones.xlane vm0;
	_ =	sdelay $0x1  }
0xd1: {  	v15 =	vld [tilespmem:s19+$0x30];
	v14 =	vshrl.u32 v10, $0xE;
	v11 =	vadd.s32 $0xFFFFFFFF, v7  }
0xd2: {  	v20 =	vld [tilespmem:s19+$0xFFFFFFD0];
	v5 =	vadd.s32 v7, v8;
	v8 =	vshra.s32 v10, $0x14;
	vm0 =	vgt.s32 v11, $0x0  }
0xd3: {  	v22 =	vld [tilespmem:s19+$0xFFFFFFF0];
	v19 =	vand.u32 $0x3F, v14;
	vm5 =	veq.s32 v8, v5;
	v11 =	vnsel vm0, $0x0, v11  }
0xd4: {  	v8 =	vperm.xlane v9, v11;
	v9 =	vshrl.u32 v12, $0xE;
	v11 =	vshra.s32 v12, $0x14  }
0xd5: {  	v13 =	vld [tilespmem:s19+$0xFFFFFFC0];
	(xrf1) =	vunique.msk.u32 vm5, v19;
	v33 =	vand.u32 $0x3F, v9;
	vm4 =	veq.s32 v11, v5  }
0xd6: {  	(xrf1) =	vunique.msk.u32 vm4, v33  }
0xd7: {  	v18 =	vld [tilespmem:s19+$0xFFFFFFE0];
	v23 =	vshrl.u32 v15, $0xA  }
0xd8: {  	v26 =	vshrl.u32 v22, $0xE;
	v28 =	vshrl.u32 v20, $0xA;
	v24 =	vshrl.u32 v12, $0xA  }
0xd9: {  	v16 =	vld [tilespmem:s19+$0x0];
	v29 =	vshra.s32 v22, $0x14;
	v30 =	vand.u32 $0x3FF, v28;
	v28 =	vand.u32 $0x3FF, v24  }
0xda: {  	v9 =	vshrl.u32 v13, $0xA;
	v11 =	vshra.s32 v13, $0x14;
	v13 =	vshrl.u32 v13, $0xE  }
0xdb: {  	v10 =	vshrl.u32 v10, $0xA;
	vm3 =	veq.s32 v11, v5;
	v14 =	vand.u32 $0x3F, v13  }
0xdc: {  	v25 =	vand.u32 $0x3FF, v10;
	v10 =	vshra.s32 v18, $0x14;
	vm1 =	veq.s32 v29, v5;
	(xrf1) =	vunique.msk.u32 vm3, v14  }
0xdd: {  	s21 =	sadd.s32 $0x400, s19;
	vm8 =	veq.s32 v10, v5;
	v21 =	vand.u32 $0x3FF, v9;
	v9 =	vshra.s32 v15, $0x14  }
0xde: {  	v17 =	vld [tilespmem:s21+$0xFFFFFFE0];
	v11 =	vshrl.u32 v15, $0xE;
	vm7 =	veq.s32 v9, v5;
	v9 =	vshra.s32 v16, $0x14  }
0xdf: {  	v27 =	vld [tilespmem:s21+$0x20];
	v11 =	vand.u32 $0x3F, v11;
	vm6 =	veq.s32 v9, v5;
	v9 =	vshrl.u32 v18, $0xE  }
0xe0: {  	v34 =	vld [tilespmem:s21+$0x10];
	v12 =	vshrl.u32 v20, $0xE;
	v13 =	vshrl.u32 v16, $0xE;
	(xrf1) =	vunique.msk.u32 vm7, v11;
	v9 =	vand.u32 $0x3F, v9  }
0xe1: {  	v10 =	vand.u32 $0x3F, v12;
	v15 =	vld [tilespmem:s21+$0xFFFFFFD0];
	v12 =	vand.u32 $0x3F, v13;
	v13 =	vshra.s32 v20, $0x14;
	(xrf1) =	vunique.msk.u32 vm8, v9  }
0xe2: {  	v20 =	vld [tilespmem:s21+$0x30];
	v18 =	vshrl.u32 v18, $0xA;
	vm0 =	veq.s32 v13, v5;
	v13 =	vand.u32 $0x3F, v26;
	(xrf1) =	vunique.msk.u32 vm6, v12  }
0xe3: {  	[tilespmem:v25+s13+$0x0] =	vst.idx.add.s32.msk vm5, v1;
	v18 =	vand.u32 $0x3FF, v18;
	_, v32, vm9 =	vpop (xrf1);
	(xrf1) =	vunique.msk.u32 vm1, v13  }
0xe4: {  	v26 =	vld [tilespmem:s21+$0xFFFFFFC0];
	v25 =	vshrl.u32 v16, $0xA;
	v16 =	vshrl.u32 v22, $0xA;
	vm5 =	vmand vm5, vm9;
	_, v36, vm9 =	vpop (xrf1);
	(xrf1) =	vunique.msk.u32 vm0, v10  }
0xe5: {  	v35 =	vand.u32 $0x3FF, v16;
	v16 =	vld [tilespmem:s21+$0xFFFFFFF0]  }
0xe6: {  	v31 =	vand.u32 $0x3FF, v23;
	[tilespmem:v28+s13+$0x0] =	vst.idx.add.s32.msk vm4, v1  }
0xe7: {  	v24 =	vshrl.u32 v27, $0xA;
	vm6 =	vmmov vm6;
	[tilespmem:v21+s13+$0x0] =	vst.idx.add.s32.msk vm3, v1  }
0xe8: {  	vm2 =	vmmov vm8;
	v25 =	vand.u32 $0x3FF, v25;
	v23 =	vshrl.u32 v20, $0xA;
	[tilespmem:v18+s13+$0x0] =	vst.idx.add.s32.msk vm8, v1  }
0xe9: {  	v21 =	vshrl.u32 v26, $0xA;
	v37 =	vshra.s32 v26, $0x14;
	v29 =	vshrl.u32 v26, $0xE;
	v18 =	vld [tilespmem:s21+$0x0]  }
0xea: {  	[tilespmem:v30+s13+$0x0] =	vst.idx.add.s32.msk vm0, v1;
	v30 =	vshra.s32 v27, $0x14;
	v27 =	vshrl.u32 v27, $0xE;
	vm11 =	vmand vm4, vm9;
	_, v28, vm4 =	vpop (xrf1)  }
0xeb: {  	v26 =	vshrl.u32 v34, $0xE;
	[tilespmem:v31+s13+$0x0] =	vst.idx.add.s32.msk vm7, v1;
	v31 =	vshra.s32 v20, $0x14;
	vm10 =	vmand vm3, vm4  }
0xec: {  	v20 =	vshrl.u32 v20, $0xE;
	vm8 =	vmmov vm7;
	v21 =	vand.u32 $0x3FF, v21;
	[tilespmem:v35+s13+$0x0] =	vst.idx.add.s32.msk vm1, v1  }
0xed: {  	v22 =	vand.u32 $0x3F, v20;
	v26 =	vand.u32 $0x3F, v26;
	v20 =	vand.u32 $0x3F, v27;
	[tilespmem:v25+s13+$0x0] =	vst.idx.add.s32.msk vm6, v1  }
0xee: {  	vm3 =	veq.s32 v31, v5;
	_, v27, vm4 =	vpop (xrf1);
	v31 =	vshrl.u32 v18, $0xE;
	[tilespmem:v19+s14+$0x0] =	vst.idx.add.s32.msk vm5, v32;
	vm5 =	veq.s32 v30, v5  }
0xef: {  	vm9 =	vmand vm8, vm4;
	vm4 =	veq.s32 v37, v5;
	_, v19, vm8 =	vpop (xrf1);
	v30 =	vshra.s32 v18, $0x14;
	(xrf1) =	vunique.msk.u32 vm5, v20  }
0xf0: {  	s22 =	simm.s32 $0x80;
	v32 =	vshra.s32 v34, $0x14;
	_, v25, vm12 =	vpop (xrf1);
	vm7 =	veq.s32 v30, v5;
	v30 =	vshrl.u32 v34, $0xA;
	[tilespmem:v33+s14+$0x0] =	vst.idx.add.s32.msk vm11, v36  }
.LBB2_10:
0xf1: {  	s22 =	sadd.s32 $0x80, s22;
	v33 =	vshrl.u32 v17, $0xE;
	v34 =	vshrl.u32 v16, $0xE;
	vm11 =	veq.s32 v32, v5;
	s21 =	sadd.s32 $0x400, s21;
	[tilespmem:v14+s14+$0x0] =	vst.idx.add.s32.msk vm10, v28;
	_, v32, vm13 =	vpop (xrf1)  }
0xf2: {  	v35 =	vshrl.u32 v15, $0xE;
	v36 =	vand.u32 $0x3FF, v24;
	v28 =	vld [tilespmem:s21+$0xFFFFFFD0];
	p1 =	slt.u32 s22, $0xF80;
	v33 =	vand.u32 $0x3F, v33;
	(xrf1) =	vunique.msk.u32 vm11, v26;
	_, v37, vm14 =	vpop (xrf1)  }
0xf3: {  	v14 =	vand.u32 $0x3F, v29;
	v29 =	vshra.s32 v17, $0x14;
	v38 =	vmovc v9;
	v35 =	vand.u32 $0x3F, v35;
	v24 =	vld [tilespmem:s21+$0xFFFFFFE0];
	v9 =	vmovc v33  }
0xf4: {  	v39 =	vshrl.u32 v15, $0xA;
	v15 =	vshra.s32 v15, $0x14;
	vm10 =	vmand vm6, vm12;
	v40 =	vmovc v26;
	v33 =	vld [tilespmem:s21+$0x20];
	(xrf1) =	vunique.msk.u32 vm4, v14  }
0xf5: {  	v34 =	vand.u32 $0x3F, v34;
	vm12 =	vmand vm0, vm14;
	vm0 =	veq.s32 v15, v5;
	v26 =	vld [tilespmem:s21+$0x30]  }
0xf6: {  	v44 =	vshrl.u32 v17, $0xA;
	v39 =	vand.u32 $0x3FF, v39;
	vm6 =	veq.s32 v29, v5;
	v41 =	vld [tilespmem:s21+$0xFFFFFFC0]  }
0xf7: {  	v31 =	vand.u32 $0x3F, v31;
	v30 =	vand.u32 $0x3FF, v30;
	v42 =	vand.u32 $0x3FF, v44;
	v29 =	vld [tilespmem:s21+$0xFFFFFFF0];
	(xrf1) =	vunique.msk.u32 vm3, v22;
	v15 =	vmovc v28  }
0xf8: {  	v43 =	vshrl.u32 v18, $0xA;
	v23 =	vand.u32 $0x3FF, v23;
	v28 =	vshra.s32 v16, $0x14;
	v18 =	vld [tilespmem:s21+$0x0];
	(xrf1) =	vunique.msk.u32 vm6, v9;
	v17 =	vmovc v24  }
0xf9: {  	vm8 =	vmand vm2, vm8;
	vm13 =	vmand vm1, vm13;
	(xrf1) =	vunique.msk.u32 vm7, v31;
	[tilespmem:v11+s14+$0x0] =	vst.idx.add.s32.msk vm9, v27;
	v11 =	vmovc v22  }
0xfa: {  	vm1 =	veq.s32 v28, v5;
	v24 =	vshrl.u32 v33, $0xA;
	v22 =	vshrl.u32 v16, $0xA;
	[tilespmem:v36+s13+$0x0] =	vst.idx.add.s32.msk vm5, v1  }
0xfb: {  	v27 =	vand.u32 $0x3FF, v43;
	v36 =	vand.u32 $0x3FF, v22;
	[tilespmem:v21+s13+$0x0] =	vst.idx.add.s32.msk vm4, v1;
	(xrf1) =	vunique.msk.u32 vm1, v34  }
0xfc: {  	vm2 =	vmmov vm6;
	vm9 =	vmmov vm3;
	[tilespmem:v42+s13+$0x0] =	vst.idx.add.s32.msk vm6, v1;
	(xrf1) =	vunique.msk.u32 vm0, v35;
	v16 =	vmovc v29  }
0xfd: {  	vm6 =	vmmov vm7;
	v42 =	vld [tilespmem:s21+$0x10];
	_, v43, vm14 =	vpop (xrf1)  }
0xfe: {  	[tilespmem:v30+s13+$0x0] =	vst.idx.add.s32.msk vm11, v1;
	vm5 =	vmand vm5, vm14  }
0xff: {  	v21 =	vshrl.u32 v41, $0xA;
	[tilespmem:v23+s13+$0x0] =	vst.idx.add.s32.msk vm3, v1  }
0x100: {  	_, v44, vm3 =	vpop (xrf1);
	[tilespmem:v12+s14+$0x0] =	vst.idx.add.s32.msk vm10, v25;
	v12 =	vmov v31  }
0x101: {  	v21 =	vand.u32 $0x3FF, v21;
	v23 =	vshrl.u32 v26, $0xA;
	[tilespmem:v39+s13+$0x0] =	vst.idx.add.s32.msk vm0, v1;
	vm11 =	vmand vm11, vm3  }
0x102: {  	v29 =	vshrl.u32 v41, $0xE;
	v30 =	vshra.s32 v41, $0x14;
	v25 =	vshrl.u32 v42, $0xE;
	_, v28, vm3 =	vpop (xrf1);
	[tilespmem:v13+s14+$0x0] =	vst.idx.add.s32.msk vm13, v32  }
0x103: {  	v22 =	vshrl.u32 v26, $0xE;
	v31 =	vshra.s32 v26, $0x14;
	v13 =	vmovc v34;
	vm10 =	vmand vm4, vm3;
	[tilespmem:v10+s14+$0x0] =	vst.idx.add.s32.msk vm12, v37;
	v10 =	vmovc v35  }
.Ltmp3:
0x104: {  	v22 =	vand.u32 $0x3F, v22;
	v26 =	vshra.s32 v33, $0x14;
	v32 =	vshrl.u32 v33, $0xE;
	[tilespmem:v20+s14+$0x0] =	vst.idx.add.s32.msk vm5, v43;
	(pc) =	sbr.rel @p1 .LBB2_10-.Ltmp3, $4  }
0x105: {  	vm3 =	veq.s32 v31, v5;
	vm5 =	veq.s32 v26, v5;
	v20 =	vand.u32 $0x3F, v32;
	[tilespmem:v27+s13+$0x0] =	vst.idx.add.s32.msk vm7, v1;
	_, v27, vm4 =	vpop (xrf1)  }
0x106: {  	v32 =	vshra.s32 v42, $0x14;
	v26 =	vand.u32 $0x3F, v25;
	vm9 =	vmand vm9, vm4;
	[tilespmem:v38+s14+$0x0] =	vst.idx.add.s32.msk vm8, v19;
	_, v19, vm8 =	vpop (xrf1)  }
0x107: {  	v33 =	vshra.s32 v18, $0x14;
	v31 =	vshrl.u32 v18, $0xE;
	(xrf1) =	vunique.msk.u32 vm5, v20;
	[tilespmem:v36+s13+$0x0] =	vst.idx.add.s32.msk vm1, v1;
	_, v25, vm12 =	vpop (xrf1)  }
0x108: {  	vm7 =	veq.s32 v33, v5;
	vm4 =	veq.s32 v30, v5;
	v30 =	vshrl.u32 v42, $0xA;
	[tilespmem:v40+s14+$0x0] =	vst.idx.add.s32.msk vm11, v44  }
0x109: {  	vm13 =	veq.s32 v32, v5  }
0x10a: {  	v29 =	vand.u32 $0x3F, v29;
	(xrf1) =	vunique.msk.u32 vm13, v26  }
0x10b: {  	v61 =	vshrl.u32 v17, $0xE;
	v33 =	vshrl.u32 v16, $0xE;
	v34 =	vshra.s32 v17, $0x14;
	(xrf1) =	vunique.msk.u32 vm4, v29  }
0x10c: {  	v35 =	vshrl.u32 v15, $0xE;
	v32 =	vand.u32 $0x3F, v61;
	vm11 =	veq.s32 v34, v5;
	(xrf1) =	vunique.msk.u32 vm3, v22  }
0x10d: {  	v24 =	vand.u32 $0x3FF, v24;
	v31 =	vand.u32 $0x3F, v31;
	v62 =	vshra.s32 v16, $0x14;
	(xrf1) =	vunique.msk.u32 vm11, v32  }
0x10e: {  	v36 =	vshra.s32 v15, $0x14;
	v33 =	vand.u32 $0x3F, v33;
	vm14 =	veq.s32 v62, v5;
	(xrf1) =	vunique.msk.u32 vm7, v31  }
0x10f: {  	v23 =	vand.u32 $0x3FF, v23;
	v63 =	vand.u32 $0x3F, v35;
	vm15 =	veq.s32 v36, v5;
	(xrf1) =	vunique.msk.u32 vm14, v33  }
0x110: {  	[tilespmem:v14+s14+$0x0] =	vst.idx.add.s32.msk vm10, v28;
	v37 =	vand.u32 $0x3FF, v30;
	vm6 =	vmand vm6, vm12;
	(xrf1) =	vunique.msk.u32 vm15, v63  }
0x111: {  	[tilespmem:v11+s14+$0x0] =	vst.idx.add.s32.msk vm9, v27;
	vm2 =	vmand vm2, vm8  }
0x112: {  	[tilespmem:v21+s13+$0x0] =	vst.idx.add.s32.msk vm4, v1;
	v36 =	vshrl.u32 v17, $0xA  }
0x113: {  	_, v11, vm9 =	vpop (xrf1);
	v38 =	vshrl.u32 v15, $0xA;
	v17 =	vand.u32 $0x3FF, v36;
	[tilespmem:v24+s13+$0x0] =	vst.idx.add.s32.msk vm5, v1  }
0x114: {  	vm1 =	vmand vm1, vm9;
	_, v39, vm12 =	vpop (xrf1);
	v15 =	vand.u32 $0x3FF, v38;
	[tilespmem:v23+s13+$0x0] =	vst.idx.add.s32.msk vm3, v1  }
0x115: {  	vm0 =	vmand vm0, vm12;
	[tilespmem:v37+s13+$0x0] =	vst.idx.add.s32.msk vm13, v1  }
0x116: {  	v41 =	vshrl.u32 v18, $0xA;
	vm7 =	vmmov vm7;
	[tilespmem:v12+s14+$0x0] =	vst.idx.add.s32.msk vm6, v25  }
0x117: {  	v43 =	vshrl.u32 v16, $0xA;
	v14 =	vand.u32 $0x3FF, v41;
	[tilespmem:v9+s14+$0x0] =	vst.idx.add.s32.msk vm2, v19;
	_, v40, vm12 =	vpop (xrf1)  }
0x118: {  	v12 =	vand.u32 $0x3FF, v43;
	[tilespmem:v17+s13+$0x0] =	vst.idx.add.s32.msk vm11, v1;
	vm5 =	vmand vm5, vm12;
	_, v42, vm8 =	vpop (xrf1)  }
0x119: {  	[tilespmem:v15+s13+$0x0] =	vst.idx.add.s32.msk vm15, v1;
	_, v44, vm12 =	vpop (xrf1);
	vm8 =	vmand vm13, vm8  }
0x11a: {  	[tilespmem:v13+s14+$0x0] =	vst.idx.add.s32.msk vm1, v11;
	vm13 =	vmmov vm3;
	_, v11, vm1 =	vpop (xrf1);
	vm9 =	vmand vm4, vm12  }
0x11b: {  	[tilespmem:v10+s14+$0x0] =	vst.idx.add.s32.msk vm0, v39;
	_, v10, vm0 =	vpop (xrf1);
	vm1 =	vmand vm13, vm1;
	vm13 =	vmmov vm11  }
0x11c: {  	[tilespmem:v14+s13+$0x0] =	vst.idx.add.s32.msk vm7, v1;
	_, v45, vm10 =	vpop (xrf1);
	vm0 =	vmand vm13, vm0  }
0x11d: {  	[tilespmem:v12+s13+$0x0] =	vst.idx.add.s32.msk vm14, v1;
	_, v46, vm12 =	vpop (xrf1);
	vm3 =	vmand vm7, vm10  }
0x11e: {  	[tilespmem:v20+s14+$0x0] =	vst.idx.add.s32.msk vm5, v40;
	_, v9, vm2 =	vpop (xrf1);
	vm5 =	vmand vm14, vm12  }
0x11f: {  	vm2 =	vmand vm15, vm2;
	[tilespmem:v26+s14+$0x0] =	vst.idx.add.s32.msk vm8, v42  }
0x120: {  	[tilespmem:v29+s14+$0x0] =	vst.idx.add.s32.msk vm9, v44  }
0x121: {  	[tilespmem:v22+s14+$0x0] =	vst.idx.add.s32.msk vm1, v11  }
0x122: {  	[tilespmem:v32+s14+$0x0] =	vst.idx.add.s32.msk vm0, v10  }
0x123: {  	[tilespmem:v31+s14+$0x0] =	vst.idx.add.s32.msk vm3, v45  }
0x124: {  	[tilespmem:v33+s14+$0x0] =	vst.idx.add.s32.msk vm5, v46  }
0x125: {  	[tilespmem:v63+s14+$0x0] =	vst.idx.add.s32.msk vm2, v9  }
0x126: {  	v9 =	vld [tilespmem:$0x10C80];
	_ =	sdelay $0x1  }
0x127: {  	v10 =	vld [tilespmem:$0x10C90];
	_ =	sdelay $0x2  }
0x128: {  	v47 =	vld [tilespmem:$0x10CA0];
	(xrf0) =	vadd.scan.msk.s32 $0xffff, v9;
	_ =	sdelay $0x1  }
0x129: {  	(xrf0) =	vadd.scan.msk.s32 $0xffff, v10  }
0x12a: {  	v48 =	vld [tilespmem:$0x10CB0];
	_ =	sdelay $0x1  }
0x12b: {  	vm6 =	veq.s32 v7, $0x0;
	(xrf0) =	vadd.scan.msk.s32 $0xffff, v47  }
0x12c: {  	v8 =	vsel vm6, $0x0, v8;
	v49, _, _ =	vpop (xrf0)  }
0x12d: {  	v6 =	vsub.s32 v6, v8;
	vm7 =	vgt.s32 v49, $0x0;
	v50 =	vperm.xlane v49, v2  }
0x12e: {  	(xrf0) =	vadd.scan.msk.s32 $0xffff, v48;
	v51, _, _ =	vpop (xrf0);
	vm8 =	vle.s32 v49, v6;
	v7 =	vnsel vm7, $0x0, v49  }
0x12f: {  	v7 =	vnsel vm8, $0x0, v7;
	v8 =	vadd.s32 v51, v50  }
0x130: {  	vm9 =	vgt.s32 v7, v8;
	v9 =	vperm.xlane v8, v2  }
0x131: {  	v52, _, _ =	vpop (xrf0);
	vm10 =	vle.s32 v8, v6;
	v8 =	vsel vm9, v7, v8  }
0x132: {  	v7 =	vsel vm10, v8, v7;
	v53 =	vadd.s32 v52, v9  }
0x133: {  	vm11 =	vgt.s32 v7, v53;
	v9 =	vperm.xlane v53, v2  }
0x134: {  	v54, _, _ =	vpop (xrf0);
	vm12 =	vle.s32 v53, v6;
	v8 =	vsel vm11, v7, v53  }
0x135: {  	v7 =	vsel vm12, v8, v7;
	v55 =	vadd.s32 v54, v9  }
0x136: {  	vm13 =	vgt.s32 v7, v55  }
0x137: {  	vm14 =	vle.s32 v55, v6;
	v8 =	vsel vm13, v7, v55  }
0x138: {  	v7 =	vsel vm14, v8, v7  }
0x139: {  	v7 =	vxor.u32 $0x80000000, v7  }
0x13a: {  	(xrf0) =	vmax.scan.msk.u32 $0xffff, v7;
	_ =	sdelay $0x2  }
0x13b: {  	v56 =	vmpcnt.ones.xlane vm8;
	v57 =	vmpcnt.ones.xlane vm10  }
0x13c: {  	v58 =	vmpcnt.ones.xlane vm12  }
0x13d: {  	v59 =	vmpcnt.ones.xlane vm14;
	v7 =	vadd.s32 v56, v57  }
0x13e: {  	v7 =	vadd.s32 v58, v7;
	v60, _, _ =	vpop (xrf0)  }
0x13f: {  	v7 =	vadd.s32 v59, v7;
	(v2sf) =	vpush v60, $0xF  }
0x140: {  	v7 =	vshll.u32 v7, $0x4  }
0x141: {  	v61 =	vor.u32 v3, v7;
	_ =	sdelay $0x4  }
0x142: {  	v8 =	vld.idx.msk [tilespmem:v61+s13+$0x0], $0xffff;
	_ =	sdelay $0x4  }
0x143: {  	(xrf0) =	vadd.scan.msk.s32 $0xffff, v8;
	_ =	sdelay $0x2  }
0x144: {  	s21 =	spop (v2sf)  }
0x145: {  	s21 =	sxor.u32 $0x80000000, s21  }
0x146: {  	v62 =	vmov s21  }
0x147: {  	v63, _, _ =	vpop (xrf0);
	v6 =	vsub.s32 v6, v62  }
0x148: {  	vm15 =	vle.s32 v63, v6  }
0x149: {  	s20 =	sadd.s32 $0x1, s20;
	v6 =	vmpcnt.ones.xlane vm15  }
0x14a: {  	p1 =	sne.s32 s20, $0x8  }
.Ltmp4:
0x14b: {  	v6 =	vadd.s32 v6, v7;
	(pc) =	sbr.rel @p1 .LBB2_3-.Ltmp4, $4  }
0x14c: {  	v5 =	vshll.u32 v5, $0x14;
	v6 =	vshll.u32 v6, $0xA  }
0x14d: {  	v5 =	vor.u32 v6, v5  }
0x14e: {  	v5 =	vor.u32 $0x200, v5  }
0x14f: {  	s19 =	sadd.s32 $0x80, s19;
	[tilespmem:v4+s15+$0x0] =	vst.idx.msk $0x1, v5  }
0x150: {  	s17 =	sadd.s32 $0x1, s17  }
0x151: {  	p1 =	sne.s32 s17, $0x8  }
.Ltmp5:
0x152: {  	_ = 	snop;
	(pc) =	sbr.rel @p1 .LBB2_2-.Ltmp5, $2  }
0x153: {  	_ =	sdelay $0x2  }
0x154: {  	p0 =	por !p0, !p0  }
0x155: {  	s16 =	sadd.s32 $0x1, s16  }
0x156: {  	p0 =	sne.s32 s16, s8  }
.Ltmp6:
0x157: {  	_ = 	snop;
	(pc) =	sbr.rel @p0 .LBB2_1-.Ltmp6, $4  }
0x158: {  	[hbm4b:s7+s2] =	stream.linear.scatter [tilespmem:s15], [sflag:$0x3], $0x40, $0x38;
	[tilespmem:$0x10E00] =	vst v63  }
0x159: {  	_ =	swait.ge [sflag:s10], $0x40  }
0x15a: {  	[sflag:s10] =	ssyncset.done $0x0  }
0x15b: {  	[sflag:s10] =	ssyncadd.s32 $0xFFFFFFC0  }
0x15c: {  	_ =	sfence.sel $0x180000  }
0x15d: {  	[bflag:$0x0] =	sbarrier.arrive $0xFFFF  }
0x15e: {  	p0 =	sne.s32 s1, $0x0;
	_ =	strace $0x9000004A  }
0x15f: {  	s0 =	sadd.s32 @!p0 $0x100000, s0;
	[bflag:$0x2] =	sbarrier.arrive $0xFFFF  }
0x160: {  	[sflag:s0] =	ssyncadd.tile.s32 @!p0 $0x1;
	_ =	shalt  }
.Lfunc_end2:
_tile_overlayer_lowered:
.L_overlay_start_2:
0x161: {  	(tag) =	ssettag $0x2  }
0x162: {  	s0 =	rddreg [dreg:$0x0];
	s2 =	stileid.u32  }
0x163: {  	s1 =	rddreg [dreg:$0x1];
	p0 =	sne.s32 s2, $0x0  }
0x164: {  	s3 =	rddreg [dreg:$0x2];
	[bflag:$0x3] =	sbarrier.arrive $0xFFFF;
	s2 =	simm.s32 @!p0 $0x1C03  }
0x165: {  	[timem:s3], [sflag:s2] =	dma.local @!p0 [hbm:s0], s1  }
0x166: {  	s0 =	simm.s32 @!p0 $0x3  }
0x167: {  	_ =	swait.ge @!p0 [sflag:s0], s1  }
0x168: {  	s1 =	ssub.s32 @!p0 $0x0, s1;
	[sflag:s0] =	ssyncset.done @!p0 $0x0  }
0x169: {  	[sflag:s0] =	ssyncadd.s32 @!p0 s1  }
0x16a: {  	[bflag:$0x3] =	sbarrier.arrive $0xFFFF  }
0x16b: {  	_ =	shalt  }

</sc_bundles>
